<compile_context>
chip_gen: v7x
topology: tpu7x:2x2x1
jax: 0.10.2.dev20260603
libtpu: 0.0.44.dev20260713+nightly
codegen_flags: <defaults>
</compile_context>

<pallas_src>
import functools

import jax
import jax.numpy as jnp
from jax import lax
from jax.experimental import pallas as pl
from jax.experimental.pallas import tpu as pltpu
from jax.experimental.pallas import tpu_sc as plsc

NC = 2
NS = 16
NW = NC * NS
LANES = 16


@functools.lru_cache(maxsize=None)
def _build(B, D, K, POOL, T_CHUNK):
    TOK_PER_W = B // NW
    N_CHUNK = TOK_PER_W // T_CHUNK
    R = T_CHUNK * K

    mesh = plsc.VectorSubcoreMesh(core_axis_name="c", subcore_axis_name="s")

    @functools.partial(
        pl.kernel,
        out_type=jax.ShapeDtypeStruct((B, D), jnp.float32),
        mesh=mesh,
        scratch_types=[
            pltpu.VMEM((TOK_PER_W * K,), jnp.int32),
            pltpu.VMEM((2, R), jnp.float32),
            pltpu.VMEM((2, T_CHUNK, D), jnp.float32),
            pltpu.VMEM((2, R, D), jnp.float32),
            pltpu.VMEM((2, T_CHUNK, D), jnp.float32),
            pltpu.SemaphoreType.DMA((2,)),
            pltpu.SemaphoreType.DMA((2,)),
            pltpu.SemaphoreType.DMA((2,)),
            pltpu.SemaphoreType.DMA((2,)),
        ],
    )
    def sc_kernel(x_hbm, idx_hbm, w_hbm, pool_hbm, out_hbm,
                  idx_v, w_v, x_v, rows_v, out_v,
                  sem_g, sem_x, sem_w, sem_o):
        wid = lax.axis_index("s") * NC + lax.axis_index("c")
        tok0 = wid * TOK_PER_W

        pltpu.sync_copy(idx_hbm.at[pl.ds(tok0 * K, TOK_PER_W * K)], idx_v)

        def issue_rows(ci, b):
            pltpu.async_copy(pool_hbm.at[idx_v.at[pl.ds(ci * R, R)]],
                             rows_v.at[b], sem_g.at[b])

        def issue_xw(ci, b):
            base_t = tok0 + ci * T_CHUNK
            pltpu.async_copy(x_hbm.at[pl.ds(base_t, T_CHUNK)],
                             x_v.at[b], sem_x.at[b])
            pltpu.async_copy(w_hbm.at[pl.ds(base_t * K, R)],
                             w_v.at[b], sem_w.at[b])

        issue_rows(0, 0)
        issue_xw(0, 0)

        def chunk_body(ci, _):
            buf = lax.rem(ci, 2)
            nb = 1 - buf
            base_t = tok0 + ci * T_CHUNK

            @pl.when(ci + 1 < N_CHUNK)
            def _():
                issue_rows(ci + 1, nb)
                issue_xw(ci + 1, nb)

            pltpu.make_async_copy(pool_hbm.at[idx_v.at[pl.ds(ci * R, R)]],
                                  rows_v.at[buf], sem_g.at[buf]).wait()
            pltpu.make_async_copy(x_hbm.at[pl.ds(base_t, T_CHUNK)],
                                  x_v.at[buf], sem_x.at[buf]).wait()
            pltpu.make_async_copy(w_hbm.at[pl.ds(base_t * K, R)],
                                  w_v.at[buf], sem_w.at[buf]).wait()

            @pl.when(ci >= 2)
            def _():
                pltpu.make_async_copy(
                    out_v.at[buf], out_hbm.at[pl.ds(base_t, T_CHUNK)],
                    sem_o.at[buf]).wait()

            rows_b = rows_v.at[buf]
            x_b = x_v.at[buf]
            w_b = w_v.at[buf]
            out_b = out_v.at[buf]

            def tok_body(t, _):
                row0 = t * K

                def dot_body(c, accs):
                    xv = x_b[t, pl.ds(c, LANES)]
                    return tuple(
                        accs[k] + xv * rows_b[row0 + k, pl.ds(c, LANES)]
                        for k in range(K))

                accs = plsc.parallel_loop(
                    0, D, LANES, unroll=32,
                    carry=tuple(jnp.zeros((LANES,), jnp.float32)
                                for _ in range(K)))(dot_body)

                lane = lax.iota(jnp.int32, LANES)
                wvec = w_b[pl.ds(lax.div(t, 2) * LANES, LANES)]
                woff = lax.rem(t, 2) * K
                coefs = []
                for k in range(K):
                    v = accs[k]
                    for s in (8, 4, 2, 1):
                        v = v + v.at[lane ^ s].get(mode="promise_in_bounds")
                    e = jnp.exp(2.0 * v)
                    tanh_v = 1.0 - 2.0 / (e + 1.0)
                    wk = wvec.at[jnp.full((LANES,), woff + k, jnp.int32)].get(
                        mode="promise_in_bounds")
                    coefs.append(tanh_v * wk)

                def comb_body(c):
                    o = x_b[t, pl.ds(c, LANES)]
                    for k in range(K):
                        o = o + coefs[k] * rows_b[row0 + k, pl.ds(c, LANES)]
                    out_b[t, pl.ds(c, LANES)] = o

                plsc.parallel_loop(0, D, LANES, unroll=32)(comb_body)
                return 0

            lax.fori_loop(0, T_CHUNK, tok_body, 0)
            pltpu.async_copy(out_b, out_hbm.at[pl.ds(base_t, T_CHUNK)],
                             sem_o.at[buf])
            return 0

        lax.fori_loop(0, N_CHUNK, chunk_body, 0)

        for b in range(2):
            ci = N_CHUNK - 2 + b
            base_t = tok0 + ci * T_CHUNK
            pltpu.make_async_copy(
                out_v.at[ci % 2], out_hbm.at[pl.ds(base_t, T_CHUNK)],
                sem_o.at[ci % 2]).wait()

    return sc_kernel


def kernel(x, indices, weights, pool):
    B, D = x.shape
    K = indices.shape[1]
    idx = indices.astype(jnp.int32).reshape(-1)
    w = weights.astype(jnp.float32).reshape(-1)
    return _build(B, D, K, pool.shape[0], 4)(x, idx, w, pool)

# --- scband reference (transcript-rebuilt; emitter-appended) ---
"""Pipeline reference for scband-sparse-execution-engine-6717328851337 (READ-ONLY COPY).

The authoritative reference and input builder live on the scoring server;
editing this copy changes nothing except your own understanding.
"""

import jax, jax.numpy as jnp
import numpy as np

B = 8192
D = 1024
K = 8
POOL = 100000

def setup_inputs(seed: int = 0) -> dict:
    key = jax.random.key(seed)
    k_x, k_idx, k_w, k_pool = jax.random.split(key, 4)
    x = jax.random.normal(k_x, (B, D), dtype=jnp.float32)
    indices = jax.random.randint(k_idx, (B, K), 0, POOL, dtype=jnp.int64)
    weights = jax.random.uniform(k_w, (B, K), dtype=jnp.float32)
    pool = jax.random.normal(k_pool, (POOL, D), dtype=jnp.float32) * 0.02
    return {"x": x, "indices": indices, "weights": weights, "pool": pool}

def reference(x, indices, weights, pool):
    # selected_params = pool.params[indices] -> [B, K, D]
    selected_params = jnp.take(pool, indices, axis=0)
    # products = x.unsqueeze(1) @ selected_params.transpose(1,2) -> [B, 1, K]
    products = jnp.einsum('bd,bkd->bk', x, selected_params)[:, None, :]
    activations = jnp.tanh(products)
    # weighted_activations = activations * weights.unsqueeze(1) -> [B, 1, K]
    weighted_activations = activations * weights[:, None, :]
    # output = weighted_activations @ selected_params -> [B, 1, D]
    output = jnp.einsum('bok,bkd->bod', weighted_activations, selected_params)
    return x + jnp.squeeze(output, axis=1)

if __name__ == "__main__":
    import jax
    _d = setup_inputs()
    print(jax.jit(kernel)(*tuple(_d.values())))

</pallas_src>

<mosaic_0001>
#map = affine_map<(d0, d1) -> (0, 0)>
#map1 = affine_map<(d0, d1) -> (0)>
module attributes {stable_mosaic.version = 14 : i64} {
  func.func @sc_kernel(%arg0: i32, %arg1: i32, %arg2: memref<8192x1024xf32, #tpu.memory_space<hbm>>, %arg3: memref<65536xi32, #tpu.memory_space<hbm>>, %arg4: memref<65536xf32, #tpu.memory_space<hbm>>, %arg5: memref<100000x1024xf32, #tpu.memory_space<hbm>>, %arg6: memref<8192x1024xf32, #tpu.memory_space<hbm>>, %arg7: memref<2048xi32, #tpu.memory_space<vmem>>, %arg8: memref<2x32xf32, #tpu.memory_space<vmem>>, %arg9: memref<2x4x1024xf32, #tpu.memory_space<vmem>>, %arg10: memref<2x32x1024xf32, #tpu.memory_space<vmem>>, %arg11: memref<2x4x1024xf32, #tpu.memory_space<vmem>>, %arg12: memref<2x!tpu.dma_semaphore, #tpu.memory_space<semaphore_mem>>, %arg13: memref<2x!tpu.dma_semaphore, #tpu.memory_space<semaphore_mem>>, %arg14: memref<2x!tpu.dma_semaphore, #tpu.memory_space<semaphore_mem>>, %arg15: memref<2x!tpu.dma_semaphore, #tpu.memory_space<semaphore_mem>>) attributes {dimension_semantics = [#tpu.dimension_semantics<core_parallel>, #tpu.dimension_semantics<subcore_parallel>], iteration_bounds = array<i64: 2, 16>, scalar_prefetch = 0 : i64, scratch_operands = 9 : i64, tpu.core_type = #tpu.core_type<sc_vector_subcore>, window_params = [{transform_indices = #map}, {transform_indices = #map1}, {transform_indices = #map1}, {transform_indices = #map}, {transform_indices = #map}]} {
    %mul3A = arith.constant 2 : i32
    %mul3A_0 = arith.muli %arg1, %mul3A : i32
    %add3A = arith.addi %mul3A_0, %arg0 : i32
    %mul3A_1 = arith.constant 256 : i32
    %mul3A_2 = arith.muli %add3A, %mul3A_1 : i32
    %mul3A_3 = arith.constant 8 : i32
    %mul3A_4 = arith.muli %mul3A_2, %mul3A_3 : i32
    "tpu.region"() ({
      %run_scoped3A = tpu.sem_alloc : memref<!tpu.dma_semaphore, #tpu.memory_space<semaphore_mem>>
      %dma_start3A_90 = tpu.memref_slice %arg3[%mul3A_4] : memref<65536xi32, #tpu.memory_space<hbm>> -> memref<2048xi32, #tpu.memory_space<hbm>>
      %dma_start3A_91 = tpu.memref_slice %arg3[%mul3A_4] : memref<65536xi32, #tpu.memory_space<hbm>> -> memref<2048xi32, #tpu.memory_space<hbm>>
      tpu.enqueue_dma source(%dma_start3A_91 : memref<2048xi32, #tpu.memory_space<hbm>>) target(%arg7 : memref<2048xi32, #tpu.memory_space<vmem>>) target_semaphore(%run_scoped3A : memref<!tpu.dma_semaphore, #tpu.memory_space<semaphore_mem>>)
      %dma_wait3A_92 = tpu.memref_slice %arg3[%mul3A_4] : memref<65536xi32, #tpu.memory_space<hbm>> -> memref<2048xi32, #tpu.memory_space<hbm>>
      %dma_wait3A_93 = tpu.memref_slice %arg3[%mul3A_4] : memref<65536xi32, #tpu.memory_space<hbm>> -> memref<2048xi32, #tpu.memory_space<hbm>>
      tpu.wait_dma2 semaphore(%run_scoped3A : memref<!tpu.dma_semaphore, #tpu.memory_space<semaphore_mem>>) src(%dma_wait3A_93 : memref<2048xi32, #tpu.memory_space<hbm>>) dst(%arg7 : memref<2048xi32, #tpu.memory_space<vmem>>)
      tpu.yield
    }) : () -> ()
    %dma_start3A = arith.constant 0 : i32
    %dma_start3A_5 = arith.constant 0 : i32
    %dma_start3A_6 = arith.constant 0 : i32
    %dma_start3A_7 = arith.constant 0 : i32
    %dma_start3A_8 = tpu.memref_slice %arg10[%dma_start3A, %dma_start3A_6, %dma_start3A_7] : memref<2x32x1024xf32, #tpu.memory_space<vmem>> -> memref<1x32x1024xf32, #tpu.memory_space<vmem>>
    %dma_start3A_9 = tpu.memref_squeeze %dma_start3A_8 : memref<1x32x1024xf32, #tpu.memory_space<vmem>> -> memref<32x1024xf32, #tpu.memory_space<vmem>>
    %dma_start3A_10 = arith.constant 0 : i32
    %dma_start3A_11 = tpu.memref_slice %arg7[%dma_start3A_10] : memref<2048xi32, #tpu.memory_space<vmem>> -> memref<32xi32, #tpu.memory_space<vmem>>
    %dma_start3A_12 = arith.constant 0 : i32
    %dma_start3A_13 = arith.constant 0 : i32
    %dma_start3A_14 = tpu.memref_slice %arg5[%dma_start3A_12, %dma_start3A_13] : memref<100000x1024xf32, #tpu.memory_space<hbm>> -> memref<100000x1024xf32, #tpu.memory_space<hbm>>
    %dma_start3A_15 = tpu.memref_slice %arg12[%dma_start3A_5] : memref<2x!tpu.dma_semaphore, #tpu.memory_space<semaphore_mem>> -> memref<1x!tpu.dma_semaphore, #tpu.memory_space<semaphore_mem>>
    %dma_start3A_16 = tpu.memref_squeeze %dma_start3A_15 : memref<1x!tpu.dma_semaphore, #tpu.memory_space<semaphore_mem>> -> memref<!tpu.dma_semaphore, #tpu.memory_space<semaphore_mem>>
    tpu.enqueue_indirect_dma source(%dma_start3A_14 : memref<100000x1024xf32, #tpu.memory_space<hbm>>) target(%dma_start3A_9 : memref<32x1024xf32, #tpu.memory_space<vmem>>) offsets(%dma_start3A_11 : memref<32xi32, #tpu.memory_space<vmem>>) semaphore(%dma_start3A_16 : memref<!tpu.dma_semaphore, #tpu.memory_space<semaphore_mem>>)
    %add3A_17 = arith.constant 0 : i32
    %add3A_18 = arith.addi %mul3A_2, %add3A_17 : i32
    %dma_start3A_19 = arith.constant 0 : i32
    %dma_start3A_20 = arith.constant 0 : i32
    %dma_start3A_21 = arith.constant 0 : i32
    %dma_start3A_22 = arith.constant 0 : i32
    %dma_start3A_23 = tpu.memref_slice %arg9[%dma_start3A_19, %dma_start3A_21, %dma_start3A_22] : memref<2x4x1024xf32, #tpu.memory_space<vmem>> -> memref<1x4x1024xf32, #tpu.memory_space<vmem>>
    %dma_start3A_24 = tpu.memref_squeeze %dma_start3A_23 : memref<1x4x1024xf32, #tpu.memory_space<vmem>> -> memref<4x1024xf32, #tpu.memory_space<vmem>>
    %dma_start3A_25 = arith.constant 0 : i32
    %dma_start3A_26 = tpu.memref_slice %arg2[%add3A_18, %dma_start3A_25] : memref<8192x1024xf32, #tpu.memory_space<hbm>> -> memref<4x1024xf32, #tpu.memory_space<hbm>>
    %dma_start3A_27 = tpu.memref_slice %arg13[%dma_start3A_20] : memref<2x!tpu.dma_semaphore, #tpu.memory_space<semaphore_mem>> -> memref<1x!tpu.dma_semaphore, #tpu.memory_space<semaphore_mem>>
    %dma_start3A_28 = tpu.memref_squeeze %dma_start3A_27 : memref<1x!tpu.dma_semaphore, #tpu.memory_space<semaphore_mem>> -> memref<!tpu.dma_semaphore, #tpu.memory_space<semaphore_mem>>
    %dma_start3A_29 = arith.constant 0 : i32
    %dma_start3A_30 = arith.constant 0 : i32
    %dma_start3A_31 = tpu.memref_slice %arg9[%dma_start3A_19, %dma_start3A_29, %dma_start3A_30] : memref<2x4x1024xf32, #tpu.memory_space<vmem>> -> memref<1x4x1024xf32, #tpu.memory_space<vmem>>
    %dma_start3A_32 = tpu.memref_squeeze %dma_start3A_31 : memref<1x4x1024xf32, #tpu.memory_space<vmem>> -> memref<4x1024xf32, #tpu.memory_space<vmem>>
    %dma_start3A_33 = arith.constant 0 : i32
    %dma_start3A_34 = tpu.memref_slice %arg2[%add3A_18, %dma_start3A_33] : memref<8192x1024xf32, #tpu.memory_space<hbm>> -> memref<4x1024xf32, #tpu.memory_space<hbm>>
    tpu.enqueue_dma source(%dma_start3A_34 : memref<4x1024xf32, #tpu.memory_space<hbm>>) target(%dma_start3A_32 : memref<4x1024xf32, #tpu.memory_space<vmem>>) target_semaphore(%dma_start3A_28 : memref<!tpu.dma_semaphore, #tpu.memory_space<semaphore_mem>>)
    %mul3A_35 = arith.constant 8 : i32
    %mul3A_36 = arith.muli %add3A_18, %mul3A_35 : i32
    %dma_start3A_37 = arith.constant 0 : i32
    %dma_start3A_38 = arith.constant 0 : i32
    %dma_start3A_39 = arith.constant 0 : i32
    %dma_start3A_40 = tpu.memref_slice %arg8[%dma_start3A_37, %dma_start3A_39] : memref<2x32xf32, #tpu.memory_space<vmem>> -> memref<1x32xf32, #tpu.memory_space<vmem>>
    %dma_start3A_41 = tpu.memref_squeeze %dma_start3A_40 : memref<1x32xf32, #tpu.memory_space<vmem>> -> memref<32xf32, #tpu.memory_space<vmem>>
    %dma_start3A_42 = tpu.memref_slice %arg4[%mul3A_36] : memref<65536xf32, #tpu.memory_space<hbm>> -> memref<32xf32, #tpu.memory_space<hbm>>
    %dma_start3A_43 = tpu.memref_slice %arg14[%dma_start3A_38] : memref<2x!tpu.dma_semaphore, #tpu.memory_space<semaphore_mem>> -> memref<1x!tpu.dma_semaphore, #tpu.memory_space<semaphore_mem>>
    %dma_start3A_44 = tpu.memref_squeeze %dma_start3A_43 : memref<1x!tpu.dma_semaphore, #tpu.memory_space<semaphore_mem>> -> memref<!tpu.dma_semaphore, #tpu.memory_space<semaphore_mem>>
    %dma_start3A_45 = arith.constant 0 : i32
    %dma_start3A_46 = tpu.memref_slice %arg8[%dma_start3A_37, %dma_start3A_45] : memref<2x32xf32, #tpu.memory_space<vmem>> -> memref<1x32xf32, #tpu.memory_space<vmem>>
    %dma_start3A_47 = tpu.memref_squeeze %dma_start3A_46 : memref<1x32xf32, #tpu.memory_space<vmem>> -> memref<32xf32, #tpu.memory_space<vmem>>
    %dma_start3A_48 = tpu.memref_slice %arg4[%mul3A_36] : memref<65536xf32, #tpu.memory_space<hbm>> -> memref<32xf32, #tpu.memory_space<hbm>>
    tpu.enqueue_dma source(%dma_start3A_48 : memref<32xf32, #tpu.memory_space<hbm>>) target(%dma_start3A_47 : memref<32xf32, #tpu.memory_space<vmem>>) target_semaphore(%dma_start3A_44 : memref<!tpu.dma_semaphore, #tpu.memory_space<semaphore_mem>>)
    %scan3A = arith.constant 0 : i32
    %scan3A_49 = arith.constant 0 : i32
    %scan3A_50 = arith.constant 64 : i32
    %scan3A_51 = arith.addi %scan3A_49, %scan3A_50 : i32
    %scan3A_52 = arith.constant 1 : i32
    %scan3A_53 = scf.for %scan3A_90 = %scan3A_49 to %scan3A_51 step %scan3A_52 iter_args(%scan3A_91 = %scan3A) -> (i32)  : i32 {
      %rem3A = arith.constant 2 : i32
      %rem3A_92 = arith.remsi %scan3A_90, %rem3A : i32
      %sub3A = arith.constant 1 : i32
      %sub3A_93 = arith.subi %sub3A, %rem3A_92 : i32
      %mul3A_94 = arith.constant 4 : i32
      %mul3A_95 = arith.muli %scan3A_90, %mul3A_94 : i32
      %add3A_96 = arith.addi %mul3A_2, %mul3A_95 : i32
      %add3A_97 = arith.constant 1 : i32
      %add3A_98 = arith.addi %scan3A_90, %add3A_97 : i32
      %lt3A = arith.constant 64 : i32
      %lt3A_99 = arith.cmpi slt, %add3A_98, %lt3A : i32
      %convert_element_type3A = arith.extui %lt3A_99 : i1 to i32
      %cond3A = arith.constant 0 : i32
      %cond3A_100 = arith.cmpi ne, %convert_element_type3A, %cond3A : i32
      scf.if %cond3A_100 {
        %add3A_165 = arith.constant 1 : i32
        %add3A_166 = arith.addi %scan3A_90, %add3A_165 : i32
        %mul3A_167 = arith.constant 32 : i32
        %mul3A_168 = arith.muli %add3A_166, %mul3A_167 : i32
        %dma_start3A_169 = arith.constant 0 : i32
        %dma_start3A_170 = arith.constant 0 : i32
        %dma_start3A_171 = tpu.memref_slice %arg10[%sub3A_93, %dma_start3A_169, %dma_start3A_170] : memref<2x32x1024xf32, #tpu.memory_space<vmem>> -> memref<1x32x1024xf32, #tpu.memory_space<vmem>>
        %dma_start3A_172 = tpu.memref_squeeze %dma_start3A_171 : memref<1x32x1024xf32, #tpu.memory_space<vmem>> -> memref<32x1024xf32, #tpu.memory_space<vmem>>
        %dma_start3A_173 = tpu.memref_slice %arg7[%mul3A_168] : memref<2048xi32, #tpu.memory_space<vmem>> -> memref<32xi32, #tpu.memory_space<vmem>>
        %dma_start3A_174 = arith.constant 0 : i32
        %dma_start3A_175 = arith.constant 0 : i32
        %dma_start3A_176 = tpu.memref_slice %arg5[%dma_start3A_174, %dma_start3A_175] : memref<100000x1024xf32, #tpu.memory_space<hbm>> -> memref<100000x1024xf32, #tpu.memory_space<hbm>>
        %dma_start3A_177 = tpu.memref_slice %arg12[%sub3A_93] : memref<2x!tpu.dma_semaphore, #tpu.memory_space<semaphore_mem>> -> memref<1x!tpu.dma_semaphore, #tpu.memory_space<semaphore_mem>>
        %dma_start3A_178 = tpu.memref_squeeze %dma_start3A_177 : memref<1x!tpu.dma_semaphore, #tpu.memory_space<semaphore_mem>> -> memref<!tpu.dma_semaphore, #tpu.memory_space<semaphore_mem>>
        tpu.enqueue_indirect_dma source(%dma_start3A_176 : memref<100000x1024xf32, #tpu.memory_space<hbm>>) target(%dma_start3A_172 : memref<32x1024xf32, #tpu.memory_space<vmem>>) offsets(%dma_start3A_173 : memref<32xi32, #tpu.memory_space<vmem>>) semaphore(%dma_start3A_178 : memref<!tpu.dma_semaphore, #tpu.memory_space<semaphore_mem>>)
        %add3A_179 = arith.constant 1 : i32
        %add3A_180 = arith.addi %scan3A_90, %add3A_179 : i32
        %mul3A_181 = arith.constant 4 : i32
        %mul3A_182 = arith.muli %add3A_180, %mul3A_181 : i32
        %add3A_183 = arith.addi %mul3A_2, %mul3A_182 : i32
        %dma_start3A_184 = arith.constant 0 : i32
        %dma_start3A_185 = arith.constant 0 : i32
        %dma_start3A_186 = tpu.memref_slice %arg9[%sub3A_93, %dma_start3A_184, %dma_start3A_185] : memref<2x4x1024xf32, #tpu.memory_space<vmem>> -> memref<1x4x1024xf32, #tpu.memory_space<vmem>>
        %dma_start3A_187 = tpu.memref_squeeze %dma_start3A_186 : memref<1x4x1024xf32, #tpu.memory_space<vmem>> -> memref<4x1024xf32, #tpu.memory_space<vmem>>
        %dma_start3A_188 = arith.constant 0 : i32
        %dma_start3A_189 = tpu.memref_slice %arg2[%add3A_183, %dma_start3A_188] : memref<8192x1024xf32, #tpu.memory_space<hbm>> -> memref<4x1024xf32, #tpu.memory_space<hbm>>
        %dma_start3A_190 = tpu.memref_slice %arg13[%sub3A_93] : memref<2x!tpu.dma_semaphore, #tpu.memory_space<semaphore_mem>> -> memref<1x!tpu.dma_semaphore, #tpu.memory_space<semaphore_mem>>
        %dma_start3A_191 = tpu.memref_squeeze %dma_start3A_190 : memref<1x!tpu.dma_semaphore, #tpu.memory_space<semaphore_mem>> -> memref<!tpu.dma_semaphore, #tpu.memory_space<semaphore_mem>>
        %dma_start3A_192 = arith.constant 0 : i32
        %dma_start3A_193 = arith.constant 0 : i32
        %dma_start3A_194 = tpu.memref_slice %arg9[%sub3A_93, %dma_start3A_192, %dma_start3A_193] : memref<2x4x1024xf32, #tpu.memory_space<vmem>> -> memref<1x4x1024xf32, #tpu.memory_space<vmem>>
        %dma_start3A_195 = tpu.memref_squeeze %dma_start3A_194 : memref<1x4x1024xf32, #tpu.memory_space<vmem>> -> memref<4x1024xf32, #tpu.memory_space<vmem>>
        %dma_start3A_196 = arith.constant 0 : i32
        %dma_start3A_197 = tpu.memref_slice %arg2[%add3A_183, %dma_start3A_196] : memref<8192x1024xf32, #tpu.memory_space<hbm>> -> memref<4x1024xf32, #tpu.memory_space<hbm>>
        tpu.enqueue_dma source(%dma_start3A_197 : memref<4x1024xf32, #tpu.memory_space<hbm>>) target(%dma_start3A_195 : memref<4x1024xf32, #tpu.memory_space<vmem>>) target_semaphore(%dma_start3A_191 : memref<!tpu.dma_semaphore, #tpu.memory_space<semaphore_mem>>)
        %mul3A_198 = arith.constant 8 : i32
        %mul3A_199 = arith.muli %add3A_183, %mul3A_198 : i32
        %dma_start3A_200 = arith.constant 0 : i32
        %dma_start3A_201 = tpu.memref_slice %arg8[%sub3A_93, %dma_start3A_200] : memref<2x32xf32, #tpu.memory_space<vmem>> -> memref<1x32xf32, #tpu.memory_space<vmem>>
        %dma_start3A_202 = tpu.memref_squeeze %dma_start3A_201 : memref<1x32xf32, #tpu.memory_space<vmem>> -> memref<32xf32, #tpu.memory_space<vmem>>
        %dma_start3A_203 = tpu.memref_slice %arg4[%mul3A_199] : memref<65536xf32, #tpu.memory_space<hbm>> -> memref<32xf32, #tpu.memory_space<hbm>>
        %dma_start3A_204 = tpu.memref_slice %arg14[%sub3A_93] : memref<2x!tpu.dma_semaphore, #tpu.memory_space<semaphore_mem>> -> memref<1x!tpu.dma_semaphore, #tpu.memory_space<semaphore_mem>>
        %dma_start3A_205 = tpu.memref_squeeze %dma_start3A_204 : memref<1x!tpu.dma_semaphore, #tpu.memory_space<semaphore_mem>> -> memref<!tpu.dma_semaphore, #tpu.memory_space<semaphore_mem>>
        %dma_start3A_206 = arith.constant 0 : i32
        %dma_start3A_207 = tpu.memref_slice %arg8[%sub3A_93, %dma_start3A_206] : memref<2x32xf32, #tpu.memory_space<vmem>> -> memref<1x32xf32, #tpu.memory_space<vmem>>
        %dma_start3A_208 = tpu.memref_squeeze %dma_start3A_207 : memref<1x32xf32, #tpu.memory_space<vmem>> -> memref<32xf32, #tpu.memory_space<vmem>>
        %dma_start3A_209 = tpu.memref_slice %arg4[%mul3A_199] : memref<65536xf32, #tpu.memory_space<hbm>> -> memref<32xf32, #tpu.memory_space<hbm>>
        tpu.enqueue_dma source(%dma_start3A_209 : memref<32xf32, #tpu.memory_space<hbm>>) target(%dma_start3A_208 : memref<32xf32, #tpu.memory_space<vmem>>) target_semaphore(%dma_start3A_205 : memref<!tpu.dma_semaphore, #tpu.memory_space<semaphore_mem>>)
      } else {
      }
      %mul3A_101 = arith.constant 32 : i32
      %mul3A_102 = arith.muli %scan3A_90, %mul3A_101 : i32
      %dma_wait3A_103 = arith.constant 0 : i32
      %dma_wait3A_104 = arith.constant 0 : i32
      %dma_wait3A_105 = tpu.memref_slice %arg10[%rem3A_92, %dma_wait3A_103, %dma_wait3A_104] : memref<2x32x1024xf32, #tpu.memory_space<vmem>> -> memref<1x32x1024xf32, #tpu.memory_space<vmem>>
      %dma_wait3A_106 = tpu.memref_squeeze %dma_wait3A_105 : memref<1x32x1024xf32, #tpu.memory_space<vmem>> -> memref<32x1024xf32, #tpu.memory_space<vmem>>
      %dma_wait3A_107 = tpu.memref_slice %arg7[%mul3A_102] : memref<2048xi32, #tpu.memory_space<vmem>> -> memref<32xi32, #tpu.memory_space<vmem>>
      %dma_wait3A_108 = arith.constant 0 : i32
      %dma_wait3A_109 = arith.constant 0 : i32
      %dma_wait3A_110 = tpu.memref_slice %arg5[%dma_wait3A_108, %dma_wait3A_109] : memref<100000x1024xf32, #tpu.memory_space<hbm>> -> memref<100000x1024xf32, #tpu.memory_space<hbm>>
      %dma_wait3A_111 = tpu.memref_slice %arg12[%rem3A_92] : memref<2x!tpu.dma_semaphore, #tpu.memory_space<semaphore_mem>> -> memref<1x!tpu.dma_semaphore, #tpu.memory_space<semaphore_mem>>
      %dma_wait3A_112 = tpu.memref_squeeze %dma_wait3A_111 : memref<1x!tpu.dma_semaphore, #tpu.memory_space<semaphore_mem>> -> memref<!tpu.dma_semaphore, #tpu.memory_space<semaphore_mem>>
      tpu.wait_indirect_dma semaphore(%dma_wait3A_112 : memref<!tpu.dma_semaphore, #tpu.memory_space<semaphore_mem>>) src(%dma_wait3A_110 : memref<100000x1024xf32, #tpu.memory_space<hbm>>) dst(%dma_wait3A_106 : memref<32x1024xf32, #tpu.memory_space<vmem>>)
      %dma_wait3A_113 = arith.constant 0 : i32
      %dma_wait3A_114 = arith.constant 0 : i32
      %dma_wait3A_115 = tpu.memref_slice %arg9[%rem3A_92, %dma_wait3A_113, %dma_wait3A_114] : memref<2x4x1024xf32, #tpu.memory_space<vmem>> -> memref<1x4x1024xf32, #tpu.memory_space<vmem>>
      %dma_wait3A_116 = tpu.memref_squeeze %dma_wait3A_115 : memref<1x4x1024xf32, #tpu.memory_space<vmem>> -> memref<4x1024xf32, #tpu.memory_space<vmem>>
      %dma_wait3A_117 = arith.constant 0 : i32
      %dma_wait3A_118 = tpu.memref_slice %arg2[%add3A_96, %dma_wait3A_117] : memref<8192x1024xf32, #tpu.memory_space<hbm>> -> memref<4x1024xf32, #tpu.memory_space<hbm>>
      %dma_wait3A_119 = tpu.memref_slice %arg13[%rem3A_92] : memref<2x!tpu.dma_semaphore, #tpu.memory_space<semaphore_mem>> -> memref<1x!tpu.dma_semaphore, #tpu.memory_space<semaphore_mem>>
      %dma_wait3A_120 = tpu.memref_squeeze %dma_wait3A_119 : memref<1x!tpu.dma_semaphore, #tpu.memory_space<semaphore_mem>> -> memref<!tpu.dma_semaphore, #tpu.memory_space<semaphore_mem>>
      %dma_wait3A_121 = arith.constant 0 : i32
      %dma_wait3A_122 = arith.constant 0 : i32
      %dma_wait3A_123 = tpu.memref_slice %arg9[%rem3A_92, %dma_wait3A_121, %dma_wait3A_122] : memref<2x4x1024xf32, #tpu.memory_space<vmem>> -> memref<1x4x1024xf32, #tpu.memory_space<vmem>>
      %dma_wait3A_124 = tpu.memref_squeeze %dma_wait3A_123 : memref<1x4x1024xf32, #tpu.memory_space<vmem>> -> memref<4x1024xf32, #tpu.memory_space<vmem>>
      %dma_wait3A_125 = arith.constant 0 : i32
      %dma_wait3A_126 = tpu.memref_slice %arg2[%add3A_96, %dma_wait3A_125] : memref<8192x1024xf32, #tpu.memory_space<hbm>> -> memref<4x1024xf32, #tpu.memory_space<hbm>>
      tpu.wait_dma2 semaphore(%dma_wait3A_120 : memref<!tpu.dma_semaphore, #tpu.memory_space<semaphore_mem>>) src(%dma_wait3A_126 : memref<4x1024xf32, #tpu.memory_space<hbm>>) dst(%dma_wait3A_124 : memref<4x1024xf32, #tpu.memory_space<vmem>>)
      %mul3A_127 = arith.constant 8 : i32
      %mul3A_128 = arith.muli %add3A_96, %mul3A_127 : i32
      %dma_wait3A_129 = arith.constant 0 : i32
      %dma_wait3A_130 = tpu.memref_slice %arg8[%rem3A_92, %dma_wait3A_129] : memref<2x32xf32, #tpu.memory_space<vmem>> -> memref<1x32xf32, #tpu.memory_space<vmem>>
      %dma_wait3A_131 = tpu.memref_squeeze %dma_wait3A_130 : memref<1x32xf32, #tpu.memory_space<vmem>> -> memref<32xf32, #tpu.memory_space<vmem>>
      %dma_wait3A_132 = tpu.memref_slice %arg4[%mul3A_128] : memref<65536xf32, #tpu.memory_space<hbm>> -> memref<32xf32, #tpu.memory_space<hbm>>
      %dma_wait3A_133 = tpu.memref_slice %arg14[%rem3A_92] : memref<2x!tpu.dma_semaphore, #tpu.memory_space<semaphore_mem>> -> memref<1x!tpu.dma_semaphore, #tpu.memory_space<semaphore_mem>>
      %dma_wait3A_134 = tpu.memref_squeeze %dma_wait3A_133 : memref<1x!tpu.dma_semaphore, #tpu.memory_space<semaphore_mem>> -> memref<!tpu.dma_semaphore, #tpu.memory_space<semaphore_mem>>
      %dma_wait3A_135 = arith.constant 0 : i32
      %dma_wait3A_136 = tpu.memref_slice %arg8[%rem3A_92, %dma_wait3A_135] : memref<2x32xf32, #tpu.memory_space<vmem>> -> memref<1x32xf32, #tpu.memory_space<vmem>>
      %dma_wait3A_137 = tpu.memref_squeeze %dma_wait3A_136 : memref<1x32xf32, #tpu.memory_space<vmem>> -> memref<32xf32, #tpu.memory_space<vmem>>
      %dma_wait3A_138 = tpu.memref_slice %arg4[%mul3A_128] : memref<65536xf32, #tpu.memory_space<hbm>> -> memref<32xf32, #tpu.memory_space<hbm>>
      tpu.wait_dma2 semaphore(%dma_wait3A_134 : memref<!tpu.dma_semaphore, #tpu.memory_space<semaphore_mem>>) src(%dma_wait3A_138 : memref<32xf32, #tpu.memory_space<hbm>>) dst(%dma_wait3A_137 : memref<32xf32, #tpu.memory_space<vmem>>)
      %ge3A = arith.constant 2 : i32
      %ge3A_139 = arith.cmpi sge, %scan3A_90, %ge3A : i32
      %convert_element_type3A_140 = arith.extui %ge3A_139 : i1 to i32
      %cond3A_141 = arith.constant 0 : i32
      %cond3A_142 = arith.cmpi ne, %convert_element_type3A_140, %cond3A_141 : i32
      scf.if %cond3A_142 {
        %dma_wait3A_165 = arith.constant 0 : i32
        %dma_wait3A_166 = arith.constant 0 : i32
        %dma_wait3A_167 = tpu.memref_slice %arg11[%rem3A_92, %dma_wait3A_165, %dma_wait3A_166] : memref<2x4x1024xf32, #tpu.memory_space<vmem>> -> memref<1x4x1024xf32, #tpu.memory_space<vmem>>
        %dma_wait3A_168 = tpu.memref_squeeze %dma_wait3A_167 : memref<1x4x1024xf32, #tpu.memory_space<vmem>> -> memref<4x1024xf32, #tpu.memory_space<vmem>>
        %dma_wait3A_169 = arith.constant 0 : i32
        %dma_wait3A_170 = tpu.memref_slice %arg6[%add3A_96, %dma_wait3A_169] : memref<8192x1024xf32, #tpu.memory_space<hbm>> -> memref<4x1024xf32, #tpu.memory_space<hbm>>
        %dma_wait3A_171 = tpu.memref_slice %arg15[%rem3A_92] : memref<2x!tpu.dma_semaphore, #tpu.memory_space<semaphore_mem>> -> memref<1x!tpu.dma_semaphore, #tpu.memory_space<semaphore_mem>>
        %dma_wait3A_172 = tpu.memref_squeeze %dma_wait3A_171 : memref<1x!tpu.dma_semaphore, #tpu.memory_space<semaphore_mem>> -> memref<!tpu.dma_semaphore, #tpu.memory_space<semaphore_mem>>
        %dma_wait3A_173 = arith.constant 0 : i32
        %dma_wait3A_174 = tpu.memref_slice %arg6[%add3A_96, %dma_wait3A_173] : memref<8192x1024xf32, #tpu.memory_space<hbm>> -> memref<4x1024xf32, #tpu.memory_space<hbm>>
        %dma_wait3A_175 = arith.constant 0 : i32
        %dma_wait3A_176 = arith.constant 0 : i32
        %dma_wait3A_177 = tpu.memref_slice %arg11[%rem3A_92, %dma_wait3A_175, %dma_wait3A_176] : memref<2x4x1024xf32, #tpu.memory_space<vmem>> -> memref<1x4x1024xf32, #tpu.memory_space<vmem>>
        %dma_wait3A_178 = tpu.memref_squeeze %dma_wait3A_177 : memref<1x4x1024xf32, #tpu.memory_space<vmem>> -> memref<4x1024xf32, #tpu.memory_space<vmem>>
        tpu.wait_dma2 semaphore(%dma_wait3A_172 : memref<!tpu.dma_semaphore, #tpu.memory_space<semaphore_mem>>) src(%dma_wait3A_178 : memref<4x1024xf32, #tpu.memory_space<vmem>>) dst(%dma_wait3A_174 : memref<4x1024xf32, #tpu.memory_space<hbm>>)
      } else {
      }
      %scan3A_143 = arith.constant 0 : i32
      %scan3A_144 = arith.constant 0 : i32
      %scan3A_145 = arith.constant 4 : i32
      %scan3A_146 = arith.addi %scan3A_144, %scan3A_145 : i32
      %scan3A_147 = arith.constant 1 : i32
      %scan3A_148 = scf.for %scan3A_165 = %scan3A_144 to %scan3A_146 step %scan3A_147 iter_args(%scan3A_166 = %scan3A_143) -> (i32)  : i32 {
        %mul3A_167 = arith.constant 8 : i32
        %mul3A_168 = arith.muli %scan3A_165, %mul3A_167 : i32
        %broadcast_in_dim3A = arith.constant 0.000000e+00 : f32
        %broadcast_in_dim3A_169 = vector.broadcast %broadcast_in_dim3A : f32 to vector<16xf32>
        %broadcast_in_dim3A_170 = arith.constant 0.000000e+00 : f32
        %broadcast_in_dim3A_171 = vector.broadcast %broadcast_in_dim3A_170 : f32 to vector<16xf32>
        %broadcast_in_dim3A_172 = arith.constant 0.000000e+00 : f32
        %broadcast_in_dim3A_173 = vector.broadcast %broadcast_in_dim3A_172 : f32 to vector<16xf32>
        %broadcast_in_dim3A_174 = arith.constant 0.000000e+00 : f32
        %broadcast_in_dim3A_175 = vector.broadcast %broadcast_in_dim3A_174 : f32 to vector<16xf32>
        %broadcast_in_dim3A_176 = arith.constant 0.000000e+00 : f32
        %broadcast_in_dim3A_177 = vector.broadcast %broadcast_in_dim3A_176 : f32 to vector<16xf32>
        %broadcast_in_dim3A_178 = arith.constant 0.000000e+00 : f32
        %broadcast_in_dim3A_179 = vector.broadcast %broadcast_in_dim3A_178 : f32 to vector<16xf32>
        %broadcast_in_dim3A_180 = arith.constant 0.000000e+00 : f32
        %broadcast_in_dim3A_181 = vector.broadcast %broadcast_in_dim3A_180 : f32 to vector<16xf32>
        %broadcast_in_dim3A_182 = arith.constant 0.000000e+00 : f32
        %broadcast_in_dim3A_183 = vector.broadcast %broadcast_in_dim3A_182 : f32 to vector<16xf32>
        %parallel_loop3A = arith.constant 0 : i32
        %parallel_loop3A_184 = arith.constant 1024 : i32
        %parallel_loop3A_185 = arith.constant 16 : i32
        %parallel_loop3A_186:8 = scf.for %parallel_loop3A_863 = %parallel_loop3A to %parallel_loop3A_184 step %parallel_loop3A_185 iter_args(%parallel_loop3A_864 = %broadcast_in_dim3A_169, %parallel_loop3A_865 = %broadcast_in_dim3A_171, %parallel_loop3A_866 = %broadcast_in_dim3A_173, %parallel_loop3A_867 = %broadcast_in_dim3A_175, %parallel_loop3A_868 = %broadcast_in_dim3A_177, %parallel_loop3A_869 = %broadcast_in_dim3A_179, %parallel_loop3A_870 = %broadcast_in_dim3A_181, %parallel_loop3A_871 = %broadcast_in_dim3A_183) -> (vector<16xf32>, vector<16xf32>, vector<16xf32>, vector<16xf32>, vector<16xf32>, vector<16xf32>, vector<16xf32>, vector<16xf32>)  : i32 {
          %parallel_loop3A_872 = arith.constant 0 : i32
          %parallel_loop3A_873 = arith.constant 0 : i32
          %parallel_loop3A_874 = tpu.memref_slice %arg9[%rem3A_92, %parallel_loop3A_872, %parallel_loop3A_873] : memref<2x4x1024xf32, #tpu.memory_space<vmem>> -> memref<1x4x1024xf32, #tpu.memory_space<vmem>>
          %parallel_loop3A_875 = tpu.memref_squeeze %parallel_loop3A_874 : memref<1x4x1024xf32, #tpu.memory_space<vmem>> -> memref<4x1024xf32, #tpu.memory_space<vmem>>
          %parallel_loop3A_876 = arith.index_cast %scan3A_165 : i32 to index
          %parallel_loop3A_877 = arith.index_cast %parallel_loop3A_863 : i32 to index
          %parallel_loop3A_878 = tpu.vector_load %parallel_loop3A_875[%parallel_loop3A_876, %parallel_loop3A_877] {strides = array<i32>} : memref<4x1024xf32, #tpu.memory_space<vmem>>, vector<1x16xf32>,
          %parallel_loop3A_879 = vector.shape_cast %parallel_loop3A_878 : vector<1x16xf32> to vector<16xf32>
          %parallel_loop3A_880 = arith.constant 0 : i32
          %parallel_loop3A_881 = arith.addi %mul3A_168, %parallel_loop3A_880 : i32
          %parallel_loop3A_882 = arith.constant 0 : i32
          %parallel_loop3A_883 = arith.constant 0 : i32
          %parallel_loop3A_884 = tpu.memref_slice %arg10[%rem3A_92, %parallel_loop3A_882, %parallel_loop3A_883] : memref<2x32x1024xf32, #tpu.memory_space<vmem>> -> memref<1x32x1024xf32, #tpu.memory_space<vmem>>
          %parallel_loop3A_885 = tpu.memref_squeeze %parallel_loop3A_884 : memref<1x32x1024xf32, #tpu.memory_space<vmem>> -> memref<32x1024xf32, #tpu.memory_space<vmem>>
          %parallel_loop3A_886 = arith.index_cast %parallel_loop3A_881 : i32 to index
          %parallel_loop3A_887 = arith.index_cast %parallel_loop3A_863 : i32 to index
          %parallel_loop3A_888 = tpu.vector_load %parallel_loop3A_885[%parallel_loop3A_886, %parallel_loop3A_887] {strides = array<i32>} : memref<32x1024xf32, #tpu.memory_space<vmem>>, vector<1x16xf32>,
          %parallel_loop3A_889 = vector.shape_cast %parallel_loop3A_888 : vector<1x16xf32> to vector<16xf32>
          %parallel_loop3A_890 = arith.mulf %parallel_loop3A_879, %parallel_loop3A_889 : vector<16xf32>
          %parallel_loop3A_891 = arith.addf %parallel_loop3A_864, %parallel_loop3A_890 : vector<16xf32>
          %parallel_loop3A_892 = arith.constant 1 : i32
          %parallel_loop3A_893 = arith.addi %mul3A_168, %parallel_loop3A_892 : i32
          %parallel_loop3A_894 = arith.constant 0 : i32
          %parallel_loop3A_895 = arith.constant 0 : i32
          %parallel_loop3A_896 = tpu.memref_slice %arg10[%rem3A_92, %parallel_loop3A_894, %parallel_loop3A_895] : memref<2x32x1024xf32, #tpu.memory_space<vmem>> -> memref<1x32x1024xf32, #tpu.memory_space<vmem>>
          %parallel_loop3A_897 = tpu.memref_squeeze %parallel_loop3A_896 : memref<1x32x1024xf32, #tpu.memory_space<vmem>> -> memref<32x1024xf32, #tpu.memory_space<vmem>>
          %parallel_loop3A_898 = arith.index_cast %parallel_loop3A_893 : i32 to index
          %parallel_loop3A_899 = arith.index_cast %parallel_loop3A_863 : i32 to index
          %parallel_loop3A_900 = tpu.vector_load %parallel_loop3A_897[%parallel_loop3A_898, %parallel_loop3A_899] {strides = array<i32>} : memref<32x1024xf32, #tpu.memory_space<vmem>>, vector<1x16xf32>,
          %parallel_loop3A_901 = vector.shape_cast %parallel_loop3A_900 : vector<1x16xf32> to vector<16xf32>
          %parallel_loop3A_902 = arith.mulf %parallel_loop3A_879, %parallel_loop3A_901 : vector<16xf32>
          %parallel_loop3A_903 = arith.addf %parallel_loop3A_865, %parallel_loop3A_902 : vector<16xf32>
          %parallel_loop3A_904 = arith.constant 2 : i32
          %parallel_loop3A_905 = arith.addi %mul3A_168, %parallel_loop3A_904 : i32
          %parallel_loop3A_906 = arith.constant 0 : i32
          %parallel_loop3A_907 = arith.constant 0 : i32
          %parallel_loop3A_908 = tpu.memref_slice %arg10[%rem3A_92, %parallel_loop3A_906, %parallel_loop3A_907] : memref<2x32x1024xf32, #tpu.memory_space<vmem>> -> memref<1x32x1024xf32, #tpu.memory_space<vmem>>
          %parallel_loop3A_909 = tpu.memref_squeeze %parallel_loop3A_908 : memref<1x32x1024xf32, #tpu.memory_space<vmem>> -> memref<32x1024xf32, #tpu.memory_space<vmem>>
          %parallel_loop3A_910 = arith.index_cast %parallel_loop3A_905 : i32 to index
          %parallel_loop3A_911 = arith.index_cast %parallel_loop3A_863 : i32 to index
          %parallel_loop3A_912 = tpu.vector_load %parallel_loop3A_909[%parallel_loop3A_910, %parallel_loop3A_911] {strides = array<i32>} : memref<32x1024xf32, #tpu.memory_space<vmem>>, vector<1x16xf32>,
          %parallel_loop3A_913 = vector.shape_cast %parallel_loop3A_912 : vector<1x16xf32> to vector<16xf32>
          %parallel_loop3A_914 = arith.mulf %parallel_loop3A_879, %parallel_loop3A_913 : vector<16xf32>
          %parallel_loop3A_915 = arith.addf %parallel_loop3A_866, %parallel_loop3A_914 : vector<16xf32>
          %parallel_loop3A_916 = arith.constant 3 : i32
          %parallel_loop3A_917 = arith.addi %mul3A_168, %parallel_loop3A_916 : i32
          %parallel_loop3A_918 = arith.constant 0 : i32
          %parallel_loop3A_919 = arith.constant 0 : i32
          %parallel_loop3A_920 = tpu.memref_slice %arg10[%rem3A_92, %parallel_loop3A_918, %parallel_loop3A_919] : memref<2x32x1024xf32, #tpu.memory_space<vmem>> -> memref<1x32x1024xf32, #tpu.memory_space<vmem>>
          %parallel_loop3A_921 = tpu.memref_squeeze %parallel_loop3A_920 : memref<1x32x1024xf32, #tpu.memory_space<vmem>> -> memref<32x1024xf32, #tpu.memory_space<vmem>>
          %parallel_loop3A_922 = arith.index_cast %parallel_loop3A_917 : i32 to index
          %parallel_loop3A_923 = arith.index_cast %parallel_loop3A_863 : i32 to index
          %parallel_loop3A_924 = tpu.vector_load %parallel_loop3A_921[%parallel_loop3A_922, %parallel_loop3A_923] {strides = array<i32>} : memref<32x1024xf32, #tpu.memory_space<vmem>>, vector<1x16xf32>,
          %parallel_loop3A_925 = vector.shape_cast %parallel_loop3A_924 : vector<1x16xf32> to vector<16xf32>
          %parallel_loop3A_926 = arith.mulf %parallel_loop3A_879, %parallel_loop3A_925 : vector<16xf32>
          %parallel_loop3A_927 = arith.addf %parallel_loop3A_867, %parallel_loop3A_926 : vector<16xf32>
          %parallel_loop3A_928 = arith.constant 4 : i32
          %parallel_loop3A_929 = arith.addi %mul3A_168, %parallel_loop3A_928 : i32
          %parallel_loop3A_930 = arith.constant 0 : i32
          %parallel_loop3A_931 = arith.constant 0 : i32
          %parallel_loop3A_932 = tpu.memref_slice %arg10[%rem3A_92, %parallel_loop3A_930, %parallel_loop3A_931] : memref<2x32x1024xf32, #tpu.memory_space<vmem>> -> memref<1x32x1024xf32, #tpu.memory_space<vmem>>
          %parallel_loop3A_933 = tpu.memref_squeeze %parallel_loop3A_932 : memref<1x32x1024xf32, #tpu.memory_space<vmem>> -> memref<32x1024xf32, #tpu.memory_space<vmem>>
          %parallel_loop3A_934 = arith.index_cast %parallel_loop3A_929 : i32 to index
          %parallel_loop3A_935 = arith.index_cast %parallel_loop3A_863 : i32 to index
          %parallel_loop3A_936 = tpu.vector_load %parallel_loop3A_933[%parallel_loop3A_934, %parallel_loop3A_935] {strides = array<i32>} : memref<32x1024xf32, #tpu.memory_space<vmem>>, vector<1x16xf32>,
          %parallel_loop3A_937 = vector.shape_cast %parallel_loop3A_936 : vector<1x16xf32> to vector<16xf32>
          %parallel_loop3A_938 = arith.mulf %parallel_loop3A_879, %parallel_loop3A_937 : vector<16xf32>
          %parallel_loop3A_939 = arith.addf %parallel_loop3A_868, %parallel_loop3A_938 : vector<16xf32>
          %parallel_loop3A_940 = arith.constant 5 : i32
          %parallel_loop3A_941 = arith.addi %mul3A_168, %parallel_loop3A_940 : i32
          %parallel_loop3A_942 = arith.constant 0 : i32
          %parallel_loop3A_943 = arith.constant 0 : i32
          %parallel_loop3A_944 = tpu.memref_slice %arg10[%rem3A_92, %parallel_loop3A_942, %parallel_loop3A_943] : memref<2x32x1024xf32, #tpu.memory_space<vmem>> -> memref<1x32x1024xf32, #tpu.memory_space<vmem>>
          %parallel_loop3A_945 = tpu.memref_squeeze %parallel_loop3A_944 : memref<1x32x1024xf32, #tpu.memory_space<vmem>> -> memref<32x1024xf32, #tpu.memory_space<vmem>>
          %parallel_loop3A_946 = arith.index_cast %parallel_loop3A_941 : i32 to index
          %parallel_loop3A_947 = arith.index_cast %parallel_loop3A_863 : i32 to index
          %parallel_loop3A_948 = tpu.vector_load %parallel_loop3A_945[%parallel_loop3A_946, %parallel_loop3A_947] {strides = array<i32>} : memref<32x1024xf32, #tpu.memory_space<vmem>>, vector<1x16xf32>,
          %parallel_loop3A_949 = vector.shape_cast %parallel_loop3A_948 : vector<1x16xf32> to vector<16xf32>
          %parallel_loop3A_950 = arith.mulf %parallel_loop3A_879, %parallel_loop3A_949 : vector<16xf32>
          %parallel_loop3A_951 = arith.addf %parallel_loop3A_869, %parallel_loop3A_950 : vector<16xf32>
          %parallel_loop3A_952 = arith.constant 6 : i32
          %parallel_loop3A_953 = arith.addi %mul3A_168, %parallel_loop3A_952 : i32
          %parallel_loop3A_954 = arith.constant 0 : i32
          %parallel_loop3A_955 = arith.constant 0 : i32
          %parallel_loop3A_956 = tpu.memref_slice %arg10[%rem3A_92, %parallel_loop3A_954, %parallel_loop3A_955] : memref<2x32x1024xf32, #tpu.memory_space<vmem>> -> memref<1x32x1024xf32, #tpu.memory_space<vmem>>
          %parallel_loop3A_957 = tpu.memref_squeeze %parallel_loop3A_956 : memref<1x32x1024xf32, #tpu.memory_space<vmem>> -> memref<32x1024xf32, #tpu.memory_space<vmem>>
          %parallel_loop3A_958 = arith.index_cast %parallel_loop3A_953 : i32 to index
          %parallel_loop3A_959 = arith.index_cast %parallel_loop3A_863 : i32 to index
          %parallel_loop3A_960 = tpu.vector_load %parallel_loop3A_957[%parallel_loop3A_958, %parallel_loop3A_959] {strides = array<i32>} : memref<32x1024xf32, #tpu.memory_space<vmem>>, vector<1x16xf32>,
          %parallel_loop3A_961 = vector.shape_cast %parallel_loop3A_960 : vector<1x16xf32> to vector<16xf32>
          %parallel_loop3A_962 = arith.mulf %parallel_loop3A_879, %parallel_loop3A_961 : vector<16xf32>
          %parallel_loop3A_963 = arith.addf %parallel_loop3A_870, %parallel_loop3A_962 : vector<16xf32>
          %parallel_loop3A_964 = arith.constant 7 : i32
          %parallel_loop3A_965 = arith.addi %mul3A_168, %parallel_loop3A_964 : i32
          %parallel_loop3A_966 = arith.constant 0 : i32
          %parallel_loop3A_967 = arith.constant 0 : i32
          %parallel_loop3A_968 = tpu.memref_slice %arg10[%rem3A_92, %parallel_loop3A_966, %parallel_loop3A_967] : memref<2x32x1024xf32, #tpu.memory_space<vmem>> -> memref<1x32x1024xf32, #tpu.memory_space<vmem>>
          %parallel_loop3A_969 = tpu.memref_squeeze %parallel_loop3A_968 : memref<1x32x1024xf32, #tpu.memory_space<vmem>> -> memref<32x1024xf32, #tpu.memory_space<vmem>>
          %parallel_loop3A_970 = arith.index_cast %parallel_loop3A_965 : i32 to index
          %parallel_loop3A_971 = arith.index_cast %parallel_loop3A_863 : i32 to index
          %parallel_loop3A_972 = tpu.vector_load %parallel_loop3A_969[%parallel_loop3A_970, %parallel_loop3A_971] {strides = array<i32>} : memref<32x1024xf32, #tpu.memory_space<vmem>>, vector<1x16xf32>,
          %parallel_loop3A_973 = vector.shape_cast %parallel_loop3A_972 : vector<1x16xf32> to vector<16xf32>
          %parallel_loop3A_974 = arith.mulf %parallel_loop3A_879, %parallel_loop3A_973 : vector<16xf32>
          %parallel_loop3A_975 = arith.addf %parallel_loop3A_871, %parallel_loop3A_974 : vector<16xf32>
          scf.yield %parallel_loop3A_891, %parallel_loop3A_903, %parallel_loop3A_915, %parallel_loop3A_927, %parallel_loop3A_939, %parallel_loop3A_951, %parallel_loop3A_963, %parallel_loop3A_975 : vector<16xf32>, vector<16xf32>, vector<16xf32>, vector<16xf32>, vector<16xf32>, vector<16xf32>, vector<16xf32>, vector<16xf32>
        } {sc.loop_unroll_factor = 32 : i64, sc.parallel_access}
        %iota3A = tpu.iota {dimensions = array<i32: 0>} : vector<16xi32>
        %div3A = arith.constant 2 : i32
        %div3A_187 = arith.divsi %scan3A_165, %div3A : i32
        %mul3A_188 = arith.constant 16 : i32
        %mul3A_189 = arith.muli %div3A_187, %mul3A_188 : i32
        %get3A = arith.constant 0 : i32
        %get3A_190 = tpu.memref_slice %arg8[%rem3A_92, %get3A] : memref<2x32xf32, #tpu.memory_space<vmem>> -> memref<1x32xf32, #tpu.memory_space<vmem>>
        %get3A_191 = tpu.memref_squeeze %get3A_190 : memref<1x32xf32, #tpu.memory_space<vmem>> -> memref<32xf32, #tpu.memory_space<vmem>>
        %get3A_192 = arith.index_cast %mul3A_189 : i32 to index
        %get3A_193 = tpu.vector_load %get3A_191[%get3A_192] {strides = array<i32>} : memref<32xf32, #tpu.memory_space<vmem>>, vector<16xf32>,
        %get3A_194 = vector.shape_cast %get3A_193 : vector<16xf32> to vector<16xf32>
        %rem3A_195 = arith.constant 2 : i32
        %rem3A_196 = arith.remsi %scan3A_165, %rem3A_195 : i32
        %mul3A_197 = arith.constant 8 : i32
        %mul3A_198 = arith.muli %rem3A_196, %mul3A_197 : i32
        %xor3A = arith.constant 8 : i32
        %xor3A_199 = vector.broadcast %xor3A : i32 to vector<16xi32>
        %xor3A_200 = arith.xori %iota3A, %xor3A_199 : vector<16xi32>
        %lt3A_201 = arith.constant 0 : i32
        %lt3A_202 = vector.broadcast %lt3A_201 : i32 to vector<16xi32>
        %lt3A_203 = arith.cmpi slt, %xor3A_200, %lt3A_202 : vector<16xi32>
        %add3A_204 = arith.constant 16 : i32
        %add3A_205 = vector.broadcast %add3A_204 : i32 to vector<16xi32>
        %add3A_206 = arith.addi %xor3A_200, %add3A_205 : vector<16xi32>
        %select_n3A = arith.select %lt3A_203, %add3A_206, %xor3A_200 : vector<16xi1>, vector<16xi32>
        %broadcast_in_dim3A_207 = vector.shape_cast %select_n3A : vector<16xi32> to vector<16x1xi32>
        %gather3A = vector.shape_cast %broadcast_in_dim3A_207 : vector<16x1xi32> to vector<16xi32>
        %gather3A_208 = tpu.dynamic_gather %parallel_loop3A_186#0[%gather3A] in [0] : vector<16xf32>, vector<16xi32> -> vector<16xf32>
        %add3A_209 = arith.addf %parallel_loop3A_186#0, %gather3A_208 : vector<16xf32>
        %xor3A_210 = arith.constant 4 : i32
        %xor3A_211 = vector.broadcast %xor3A_210 : i32 to vector<16xi32>
        %xor3A_212 = arith.xori %iota3A, %xor3A_211 : vector<16xi32>
        %lt3A_213 = arith.constant 0 : i32
        %lt3A_214 = vector.broadcast %lt3A_213 : i32 to vector<16xi32>
        %lt3A_215 = arith.cmpi slt, %xor3A_212, %lt3A_214 : vector<16xi32>
        %add3A_216 = arith.constant 16 : i32
        %add3A_217 = vector.broadcast %add3A_216 : i32 to vector<16xi32>
        %add3A_218 = arith.addi %xor3A_212, %add3A_217 : vector<16xi32>
        %select_n3A_219 = arith.select %lt3A_215, %add3A_218, %xor3A_212 : vector<16xi1>, vector<16xi32>
        %broadcast_in_dim3A_220 = vector.shape_cast %select_n3A_219 : vector<16xi32> to vector<16x1xi32>
        %gather3A_221 = vector.shape_cast %broadcast_in_dim3A_220 : vector<16x1xi32> to vector<16xi32>
        %gather3A_222 = tpu.dynamic_gather %add3A_209[%gather3A_221] in [0] : vector<16xf32>, vector<16xi32> -> vector<16xf32>
        %add3A_223 = arith.addf %add3A_209, %gather3A_222 : vector<16xf32>
        %xor3A_224 = arith.constant 2 : i32
        %xor3A_225 = vector.broadcast %xor3A_224 : i32 to vector<16xi32>
        %xor3A_226 = arith.xori %iota3A, %xor3A_225 : vector<16xi32>
        %lt3A_227 = arith.constant 0 : i32
        %lt3A_228 = vector.broadcast %lt3A_227 : i32 to vector<16xi32>
        %lt3A_229 = arith.cmpi slt, %xor3A_226, %lt3A_228 : vector<16xi32>
        %add3A_230 = arith.constant 16 : i32
        %add3A_231 = vector.broadcast %add3A_230 : i32 to vector<16xi32>
        %add3A_232 = arith.addi %xor3A_226, %add3A_231 : vector<16xi32>
        %select_n3A_233 = arith.select %lt3A_229, %add3A_232, %xor3A_226 : vector<16xi1>, vector<16xi32>
        %broadcast_in_dim3A_234 = vector.shape_cast %select_n3A_233 : vector<16xi32> to vector<16x1xi32>
        %gather3A_235 = vector.shape_cast %broadcast_in_dim3A_234 : vector<16x1xi32> to vector<16xi32>
        %gather3A_236 = tpu.dynamic_gather %add3A_223[%gather3A_235] in [0] : vector<16xf32>, vector<16xi32> -> vector<16xf32>
        %add3A_237 = arith.addf %add3A_223, %gather3A_236 : vector<16xf32>
        %xor3A_238 = arith.constant 1 : i32
        %xor3A_239 = vector.broadcast %xor3A_238 : i32 to vector<16xi32>
        %xor3A_240 = arith.xori %iota3A, %xor3A_239 : vector<16xi32>
        %lt3A_241 = arith.constant 0 : i32
        %lt3A_242 = vector.broadcast %lt3A_241 : i32 to vector<16xi32>
        %lt3A_243 = arith.cmpi slt, %xor3A_240, %lt3A_242 : vector<16xi32>
        %add3A_244 = arith.constant 16 : i32
        %add3A_245 = vector.broadcast %add3A_244 : i32 to vector<16xi32>
        %add3A_246 = arith.addi %xor3A_240, %add3A_245 : vector<16xi32>
        %select_n3A_247 = arith.select %lt3A_243, %add3A_246, %xor3A_240 : vector<16xi1>, vector<16xi32>
        %broadcast_in_dim3A_248 = vector.shape_cast %select_n3A_247 : vector<16xi32> to vector<16x1xi32>
        %gather3A_249 = vector.shape_cast %broadcast_in_dim3A_248 : vector<16x1xi32> to vector<16xi32>
        %gather3A_250 = tpu.dynamic_gather %add3A_237[%gather3A_249] in [0] : vector<16xf32>, vector<16xi32> -> vector<16xf32>
        %add3A_251 = arith.addf %add3A_237, %gather3A_250 : vector<16xf32>
        %mul3A_252 = arith.constant 2.000000e+00 : f32
        %mul3A_253 = vector.broadcast %mul3A_252 : f32 to vector<16xf32>
        %mul3A_254 = arith.mulf %mul3A_253, %add3A_251 : vector<16xf32>
        %exp3A = math.exp %mul3A_254 : vector<16xf32>
        %add3A_255 = arith.constant 1.000000e+00 : f32
        %add3A_256 = vector.broadcast %add3A_255 : f32 to vector<16xf32>
        %add3A_257 = arith.addf %exp3A, %add3A_256 : vector<16xf32>
        %div3A_258 = arith.constant 2.000000e+00 : f32
        %div3A_259 = vector.broadcast %div3A_258 : f32 to vector<16xf32>
        %div3A_260 = arith.divf %div3A_259, %add3A_257 : vector<16xf32>
        %sub3A_261 = arith.constant 1.000000e+00 : f32
        %sub3A_262 = vector.broadcast %sub3A_261 : f32 to vector<16xf32>
        %sub3A_263 = arith.subf %sub3A_262, %div3A_260 : vector<16xf32>
        %add3A_264 = arith.constant 0 : i32
        %add3A_265 = arith.addi %mul3A_198, %add3A_264 : i32
        %broadcast_in_dim3A_266 = vector.broadcast %add3A_265 : i32 to vector<16xi32>
        %lt3A_267 = arith.constant 0 : i32
        %lt3A_268 = vector.broadcast %lt3A_267 : i32 to vector<16xi32>
        %lt3A_269 = arith.cmpi slt, %broadcast_in_dim3A_266, %lt3A_268 : vector<16xi32>
        %add3A_270 = arith.constant 16 : i32
        %add3A_271 = vector.broadcast %add3A_270 : i32 to vector<16xi32>
        %add3A_272 = arith.addi %broadcast_in_dim3A_266, %add3A_271 : vector<16xi32>
        %select_n3A_273 = arith.select %lt3A_269, %add3A_272, %broadcast_in_dim3A_266 : vector<16xi1>, vector<16xi32>
        %broadcast_in_dim3A_274 = vector.shape_cast %select_n3A_273 : vector<16xi32> to vector<16x1xi32>
        %gather3A_275 = vector.shape_cast %broadcast_in_dim3A_274 : vector<16x1xi32> to vector<16xi32>
        %gather3A_276 = tpu.dynamic_gather %get3A_194[%gather3A_275] in [0] : vector<16xf32>, vector<16xi32> -> vector<16xf32>
        %mul3A_277 = arith.mulf %sub3A_263, %gather3A_276 : vector<16xf32>
        %xor3A_278 = arith.constant 8 : i32
        %xor3A_279 = vector.broadcast %xor3A_278 : i32 to vector<16xi32>
        %xor3A_280 = arith.xori %iota3A, %xor3A_279 : vector<16xi32>
        %lt3A_281 = arith.constant 0 : i32
        %lt3A_282 = vector.broadcast %lt3A_281 : i32 to vector<16xi32>
        %lt3A_283 = arith.cmpi slt, %xor3A_280, %lt3A_282 : vector<16xi32>
        %add3A_284 = arith.constant 16 : i32
        %add3A_285 = vector.broadcast %add3A_284 : i32 to vector<16xi32>
        %add3A_286 = arith.addi %xor3A_280, %add3A_285 : vector<16xi32>
        %select_n3A_287 = arith.select %lt3A_283, %add3A_286, %xor3A_280 : vector<16xi1>, vector<16xi32>
        %broadcast_in_dim3A_288 = vector.shape_cast %select_n3A_287 : vector<16xi32> to vector<16x1xi32>
        %gather3A_289 = vector.shape_cast %broadcast_in_dim3A_288 : vector<16x1xi32> to vector<16xi32>
        %gather3A_290 = tpu.dynamic_gather %parallel_loop3A_186#1[%gather3A_289] in [0] : vector<16xf32>, vector<16xi32> -> vector<16xf32>
        %add3A_291 = arith.addf %parallel_loop3A_186#1, %gather3A_290 : vector<16xf32>
        %xor3A_292 = arith.constant 4 : i32
        %xor3A_293 = vector.broadcast %xor3A_292 : i32 to vector<16xi32>
        %xor3A_294 = arith.xori %iota3A, %xor3A_293 : vector<16xi32>
        %lt3A_295 = arith.constant 0 : i32
        %lt3A_296 = vector.broadcast %lt3A_295 : i32 to vector<16xi32>
        %lt3A_297 = arith.cmpi slt, %xor3A_294, %lt3A_296 : vector<16xi32>
        %add3A_298 = arith.constant 16 : i32
        %add3A_299 = vector.broadcast %add3A_298 : i32 to vector<16xi32>
        %add3A_300 = arith.addi %xor3A_294, %add3A_299 : vector<16xi32>
        %select_n3A_301 = arith.select %lt3A_297, %add3A_300, %xor3A_294 : vector<16xi1>, vector<16xi32>
        %broadcast_in_dim3A_302 = vector.shape_cast %select_n3A_301 : vector<16xi32> to vector<16x1xi32>
        %gather3A_303 = vector.shape_cast %broadcast_in_dim3A_302 : vector<16x1xi32> to vector<16xi32>
        %gather3A_304 = tpu.dynamic_gather %add3A_291[%gather3A_303] in [0] : vector<16xf32>, vector<16xi32> -> vector<16xf32>
        %add3A_305 = arith.addf %add3A_291, %gather3A_304 : vector<16xf32>
        %xor3A_306 = arith.constant 2 : i32
        %xor3A_307 = vector.broadcast %xor3A_306 : i32 to vector<16xi32>
        %xor3A_308 = arith.xori %iota3A, %xor3A_307 : vector<16xi32>
        %lt3A_309 = arith.constant 0 : i32
        %lt3A_310 = vector.broadcast %lt3A_309 : i32 to vector<16xi32>
        %lt3A_311 = arith.cmpi slt, %xor3A_308, %lt3A_310 : vector<16xi32>
        %add3A_312 = arith.constant 16 : i32
        %add3A_313 = vector.broadcast %add3A_312 : i32 to vector<16xi32>
        %add3A_314 = arith.addi %xor3A_308, %add3A_313 : vector<16xi32>
        %select_n3A_315 = arith.select %lt3A_311, %add3A_314, %xor3A_308 : vector<16xi1>, vector<16xi32>
        %broadcast_in_dim3A_316 = vector.shape_cast %select_n3A_315 : vector<16xi32> to vector<16x1xi32>
        %gather3A_317 = vector.shape_cast %broadcast_in_dim3A_316 : vector<16x1xi32> to vector<16xi32>
        %gather3A_318 = tpu.dynamic_gather %add3A_305[%gather3A_317] in [0] : vector<16xf32>, vector<16xi32> -> vector<16xf32>
        %add3A_319 = arith.addf %add3A_305, %gather3A_318 : vector<16xf32>
        %xor3A_320 = arith.constant 1 : i32
        %xor3A_321 = vector.broadcast %xor3A_320 : i32 to vector<16xi32>
        %xor3A_322 = arith.xori %iota3A, %xor3A_321 : vector<16xi32>
        %lt3A_323 = arith.constant 0 : i32
        %lt3A_324 = vector.broadcast %lt3A_323 : i32 to vector<16xi32>
        %lt3A_325 = arith.cmpi slt, %xor3A_322, %lt3A_324 : vector<16xi32>
        %add3A_326 = arith.constant 16 : i32
        %add3A_327 = vector.broadcast %add3A_326 : i32 to vector<16xi32>
        %add3A_328 = arith.addi %xor3A_322, %add3A_327 : vector<16xi32>
        %select_n3A_329 = arith.select %lt3A_325, %add3A_328, %xor3A_322 : vector<16xi1>, vector<16xi32>
        %broadcast_in_dim3A_330 = vector.shape_cast %select_n3A_329 : vector<16xi32> to vector<16x1xi32>
        %gather3A_331 = vector.shape_cast %broadcast_in_dim3A_330 : vector<16x1xi32> to vector<16xi32>
        %gather3A_332 = tpu.dynamic_gather %add3A_319[%gather3A_331] in [0] : vector<16xf32>, vector<16xi32> -> vector<16xf32>
        %add3A_333 = arith.addf %add3A_319, %gather3A_332 : vector<16xf32>
        %mul3A_334 = arith.constant 2.000000e+00 : f32
        %mul3A_335 = vector.broadcast %mul3A_334 : f32 to vector<16xf32>
        %mul3A_336 = arith.mulf %mul3A_335, %add3A_333 : vector<16xf32>
        %exp3A_337 = math.exp %mul3A_336 : vector<16xf32>
        %add3A_338 = arith.constant 1.000000e+00 : f32
        %add3A_339 = vector.broadcast %add3A_338 : f32 to vector<16xf32>
        %add3A_340 = arith.addf %exp3A_337, %add3A_339 : vector<16xf32>
        %div3A_341 = arith.constant 2.000000e+00 : f32
        %div3A_342 = vector.broadcast %div3A_341 : f32 to vector<16xf32>
        %div3A_343 = arith.divf %div3A_342, %add3A_340 : vector<16xf32>
        %sub3A_344 = arith.constant 1.000000e+00 : f32
        %sub3A_345 = vector.broadcast %sub3A_344 : f32 to vector<16xf32>
        %sub3A_346 = arith.subf %sub3A_345, %div3A_343 : vector<16xf32>
        %add3A_347 = arith.constant 1 : i32
        %add3A_348 = arith.addi %mul3A_198, %add3A_347 : i32
        %broadcast_in_dim3A_349 = vector.broadcast %add3A_348 : i32 to vector<16xi32>
        %lt3A_350 = arith.constant 0 : i32
        %lt3A_351 = vector.broadcast %lt3A_350 : i32 to vector<16xi32>
        %lt3A_352 = arith.cmpi slt, %broadcast_in_dim3A_349, %lt3A_351 : vector<16xi32>
        %add3A_353 = arith.constant 16 : i32
        %add3A_354 = vector.broadcast %add3A_353 : i32 to vector<16xi32>
        %add3A_355 = arith.addi %broadcast_in_dim3A_349, %add3A_354 : vector<16xi32>
        %select_n3A_356 = arith.select %lt3A_352, %add3A_355, %broadcast_in_dim3A_349 : vector<16xi1>, vector<16xi32>
        %broadcast_in_dim3A_357 = vector.shape_cast %select_n3A_356 : vector<16xi32> to vector<16x1xi32>
        %gather3A_358 = vector.shape_cast %broadcast_in_dim3A_357 : vector<16x1xi32> to vector<16xi32>
        %gather3A_359 = tpu.dynamic_gather %get3A_194[%gather3A_358] in [0] : vector<16xf32>, vector<16xi32> -> vector<16xf32>
        %mul3A_360 = arith.mulf %sub3A_346, %gather3A_359 : vector<16xf32>
        %xor3A_361 = arith.constant 8 : i32
        %xor3A_362 = vector.broadcast %xor3A_361 : i32 to vector<16xi32>
        %xor3A_363 = arith.xori %iota3A, %xor3A_362 : vector<16xi32>
        %lt3A_364 = arith.constant 0 : i32
        %lt3A_365 = vector.broadcast %lt3A_364 : i32 to vector<16xi32>
        %lt3A_366 = arith.cmpi slt, %xor3A_363, %lt3A_365 : vector<16xi32>
        %add3A_367 = arith.constant 16 : i32
        %add3A_368 = vector.broadcast %add3A_367 : i32 to vector<16xi32>
        %add3A_369 = arith.addi %xor3A_363, %add3A_368 : vector<16xi32>
        %select_n3A_370 = arith.select %lt3A_366, %add3A_369, %xor3A_363 : vector<16xi1>, vector<16xi32>
        %broadcast_in_dim3A_371 = vector.shape_cast %select_n3A_370 : vector<16xi32> to vector<16x1xi32>
        %gather3A_372 = vector.shape_cast %broadcast_in_dim3A_371 : vector<16x1xi32> to vector<16xi32>
        %gather3A_373 = tpu.dynamic_gather %parallel_loop3A_186#2[%gather3A_372] in [0] : vector<16xf32>, vector<16xi32> -> vector<16xf32>
        %add3A_374 = arith.addf %parallel_loop3A_186#2, %gather3A_373 : vector<16xf32>
        %xor3A_375 = arith.constant 4 : i32
        %xor3A_376 = vector.broadcast %xor3A_375 : i32 to vector<16xi32>
        %xor3A_377 = arith.xori %iota3A, %xor3A_376 : vector<16xi32>
        %lt3A_378 = arith.constant 0 : i32
        %lt3A_379 = vector.broadcast %lt3A_378 : i32 to vector<16xi32>
        %lt3A_380 = arith.cmpi slt, %xor3A_377, %lt3A_379 : vector<16xi32>
        %add3A_381 = arith.constant 16 : i32
        %add3A_382 = vector.broadcast %add3A_381 : i32 to vector<16xi32>
        %add3A_383 = arith.addi %xor3A_377, %add3A_382 : vector<16xi32>
        %select_n3A_384 = arith.select %lt3A_380, %add3A_383, %xor3A_377 : vector<16xi1>, vector<16xi32>
        %broadcast_in_dim3A_385 = vector.shape_cast %select_n3A_384 : vector<16xi32> to vector<16x1xi32>
        %gather3A_386 = vector.shape_cast %broadcast_in_dim3A_385 : vector<16x1xi32> to vector<16xi32>
        %gather3A_387 = tpu.dynamic_gather %add3A_374[%gather3A_386] in [0] : vector<16xf32>, vector<16xi32> -> vector<16xf32>
        %add3A_388 = arith.addf %add3A_374, %gather3A_387 : vector<16xf32>
        %xor3A_389 = arith.constant 2 : i32
        %xor3A_390 = vector.broadcast %xor3A_389 : i32 to vector<16xi32>
        %xor3A_391 = arith.xori %iota3A, %xor3A_390 : vector<16xi32>
        %lt3A_392 = arith.constant 0 : i32
        %lt3A_393 = vector.broadcast %lt3A_392 : i32 to vector<16xi32>
        %lt3A_394 = arith.cmpi slt, %xor3A_391, %lt3A_393 : vector<16xi32>
        %add3A_395 = arith.constant 16 : i32
        %add3A_396 = vector.broadcast %add3A_395 : i32 to vector<16xi32>
        %add3A_397 = arith.addi %xor3A_391, %add3A_396 : vector<16xi32>
        %select_n3A_398 = arith.select %lt3A_394, %add3A_397, %xor3A_391 : vector<16xi1>, vector<16xi32>
        %broadcast_in_dim3A_399 = vector.shape_cast %select_n3A_398 : vector<16xi32> to vector<16x1xi32>
        %gather3A_400 = vector.shape_cast %broadcast_in_dim3A_399 : vector<16x1xi32> to vector<16xi32>
        %gather3A_401 = tpu.dynamic_gather %add3A_388[%gather3A_400] in [0] : vector<16xf32>, vector<16xi32> -> vector<16xf32>
        %add3A_402 = arith.addf %add3A_388, %gather3A_401 : vector<16xf32>
        %xor3A_403 = arith.constant 1 : i32
        %xor3A_404 = vector.broadcast %xor3A_403 : i32 to vector<16xi32>
        %xor3A_405 = arith.xori %iota3A, %xor3A_404 : vector<16xi32>
        %lt3A_406 = arith.constant 0 : i32
        %lt3A_407 = vector.broadcast %lt3A_406 : i32 to vector<16xi32>
        %lt3A_408 = arith.cmpi slt, %xor3A_405, %lt3A_407 : vector<16xi32>
        %add3A_409 = arith.constant 16 : i32
        %add3A_410 = vector.broadcast %add3A_409 : i32 to vector<16xi32>
        %add3A_411 = arith.addi %xor3A_405, %add3A_410 : vector<16xi32>
        %select_n3A_412 = arith.select %lt3A_408, %add3A_411, %xor3A_405 : vector<16xi1>, vector<16xi32>
        %broadcast_in_dim3A_413 = vector.shape_cast %select_n3A_412 : vector<16xi32> to vector<16x1xi32>
        %gather3A_414 = vector.shape_cast %broadcast_in_dim3A_413 : vector<16x1xi32> to vector<16xi32>
        %gather3A_415 = tpu.dynamic_gather %add3A_402[%gather3A_414] in [0] : vector<16xf32>, vector<16xi32> -> vector<16xf32>
        %add3A_416 = arith.addf %add3A_402, %gather3A_415 : vector<16xf32>
        %mul3A_417 = arith.constant 2.000000e+00 : f32
        %mul3A_418 = vector.broadcast %mul3A_417 : f32 to vector<16xf32>
        %mul3A_419 = arith.mulf %mul3A_418, %add3A_416 : vector<16xf32>
        %exp3A_420 = math.exp %mul3A_419 : vector<16xf32>
        %add3A_421 = arith.constant 1.000000e+00 : f32
        %add3A_422 = vector.broadcast %add3A_421 : f32 to vector<16xf32>
        %add3A_423 = arith.addf %exp3A_420, %add3A_422 : vector<16xf32>
        %div3A_424 = arith.constant 2.000000e+00 : f32
        %div3A_425 = vector.broadcast %div3A_424 : f32 to vector<16xf32>
        %div3A_426 = arith.divf %div3A_425, %add3A_423 : vector<16xf32>
        %sub3A_427 = arith.constant 1.000000e+00 : f32
        %sub3A_428 = vector.broadcast %sub3A_427 : f32 to vector<16xf32>
        %sub3A_429 = arith.subf %sub3A_428, %div3A_426 : vector<16xf32>
        %add3A_430 = arith.constant 2 : i32
        %add3A_431 = arith.addi %mul3A_198, %add3A_430 : i32
        %broadcast_in_dim3A_432 = vector.broadcast %add3A_431 : i32 to vector<16xi32>
        %lt3A_433 = arith.constant 0 : i32
        %lt3A_434 = vector.broadcast %lt3A_433 : i32 to vector<16xi32>
        %lt3A_435 = arith.cmpi slt, %broadcast_in_dim3A_432, %lt3A_434 : vector<16xi32>
        %add3A_436 = arith.constant 16 : i32
        %add3A_437 = vector.broadcast %add3A_436 : i32 to vector<16xi32>
        %add3A_438 = arith.addi %broadcast_in_dim3A_432, %add3A_437 : vector<16xi32>
        %select_n3A_439 = arith.select %lt3A_435, %add3A_438, %broadcast_in_dim3A_432 : vector<16xi1>, vector<16xi32>
        %broadcast_in_dim3A_440 = vector.shape_cast %select_n3A_439 : vector<16xi32> to vector<16x1xi32>
        %gather3A_441 = vector.shape_cast %broadcast_in_dim3A_440 : vector<16x1xi32> to vector<16xi32>
        %gather3A_442 = tpu.dynamic_gather %get3A_194[%gather3A_441] in [0] : vector<16xf32>, vector<16xi32> -> vector<16xf32>
        %mul3A_443 = arith.mulf %sub3A_429, %gather3A_442 : vector<16xf32>
        %xor3A_444 = arith.constant 8 : i32
        %xor3A_445 = vector.broadcast %xor3A_444 : i32 to vector<16xi32>
        %xor3A_446 = arith.xori %iota3A, %xor3A_445 : vector<16xi32>
        %lt3A_447 = arith.constant 0 : i32
        %lt3A_448 = vector.broadcast %lt3A_447 : i32 to vector<16xi32>
        %lt3A_449 = arith.cmpi slt, %xor3A_446, %lt3A_448 : vector<16xi32>
        %add3A_450 = arith.constant 16 : i32
        %add3A_451 = vector.broadcast %add3A_450 : i32 to vector<16xi32>
        %add3A_452 = arith.addi %xor3A_446, %add3A_451 : vector<16xi32>
        %select_n3A_453 = arith.select %lt3A_449, %add3A_452, %xor3A_446 : vector<16xi1>, vector<16xi32>
        %broadcast_in_dim3A_454 = vector.shape_cast %select_n3A_453 : vector<16xi32> to vector<16x1xi32>
        %gather3A_455 = vector.shape_cast %broadcast_in_dim3A_454 : vector<16x1xi32> to vector<16xi32>
        %gather3A_456 = tpu.dynamic_gather %parallel_loop3A_186#3[%gather3A_455] in [0] : vector<16xf32>, vector<16xi32> -> vector<16xf32>
        %add3A_457 = arith.addf %parallel_loop3A_186#3, %gather3A_456 : vector<16xf32>
        %xor3A_458 = arith.constant 4 : i32
        %xor3A_459 = vector.broadcast %xor3A_458 : i32 to vector<16xi32>
        %xor3A_460 = arith.xori %iota3A, %xor3A_459 : vector<16xi32>
        %lt3A_461 = arith.constant 0 : i32
        %lt3A_462 = vector.broadcast %lt3A_461 : i32 to vector<16xi32>
        %lt3A_463 = arith.cmpi slt, %xor3A_460, %lt3A_462 : vector<16xi32>
        %add3A_464 = arith.constant 16 : i32
        %add3A_465 = vector.broadcast %add3A_464 : i32 to vector<16xi32>
        %add3A_466 = arith.addi %xor3A_460, %add3A_465 : vector<16xi32>
        %select_n3A_467 = arith.select %lt3A_463, %add3A_466, %xor3A_460 : vector<16xi1>, vector<16xi32>
        %broadcast_in_dim3A_468 = vector.shape_cast %select_n3A_467 : vector<16xi32> to vector<16x1xi32>
        %gather3A_469 = vector.shape_cast %broadcast_in_dim3A_468 : vector<16x1xi32> to vector<16xi32>
        %gather3A_470 = tpu.dynamic_gather %add3A_457[%gather3A_469] in [0] : vector<16xf32>, vector<16xi32> -> vector<16xf32>
        %add3A_471 = arith.addf %add3A_457, %gather3A_470 : vector<16xf32>
        %xor3A_472 = arith.constant 2 : i32
        %xor3A_473 = vector.broadcast %xor3A_472 : i32 to vector<16xi32>
        %xor3A_474 = arith.xori %iota3A, %xor3A_473 : vector<16xi32>
        %lt3A_475 = arith.constant 0 : i32
        %lt3A_476 = vector.broadcast %lt3A_475 : i32 to vector<16xi32>
        %lt3A_477 = arith.cmpi slt, %xor3A_474, %lt3A_476 : vector<16xi32>
        %add3A_478 = arith.constant 16 : i32
        %add3A_479 = vector.broadcast %add3A_478 : i32 to vector<16xi32>
        %add3A_480 = arith.addi %xor3A_474, %add3A_479 : vector<16xi32>
        %select_n3A_481 = arith.select %lt3A_477, %add3A_480, %xor3A_474 : vector<16xi1>, vector<16xi32>
        %broadcast_in_dim3A_482 = vector.shape_cast %select_n3A_481 : vector<16xi32> to vector<16x1xi32>
        %gather3A_483 = vector.shape_cast %broadcast_in_dim3A_482 : vector<16x1xi32> to vector<16xi32>
        %gather3A_484 = tpu.dynamic_gather %add3A_471[%gather3A_483] in [0] : vector<16xf32>, vector<16xi32> -> vector<16xf32>
        %add3A_485 = arith.addf %add3A_471, %gather3A_484 : vector<16xf32>
        %xor3A_486 = arith.constant 1 : i32
        %xor3A_487 = vector.broadcast %xor3A_486 : i32 to vector<16xi32>
        %xor3A_488 = arith.xori %iota3A, %xor3A_487 : vector<16xi32>
        %lt3A_489 = arith.constant 0 : i32
        %lt3A_490 = vector.broadcast %lt3A_489 : i32 to vector<16xi32>
        %lt3A_491 = arith.cmpi slt, %xor3A_488, %lt3A_490 : vector<16xi32>
        %add3A_492 = arith.constant 16 : i32
        %add3A_493 = vector.broadcast %add3A_492 : i32 to vector<16xi32>
        %add3A_494 = arith.addi %xor3A_488, %add3A_493 : vector<16xi32>
        %select_n3A_495 = arith.select %lt3A_491, %add3A_494, %xor3A_488 : vector<16xi1>, vector<16xi32>
        %broadcast_in_dim3A_496 = vector.shape_cast %select_n3A_495 : vector<16xi32> to vector<16x1xi32>
        %gather3A_497 = vector.shape_cast %broadcast_in_dim3A_496 : vector<16x1xi32> to vector<16xi32>
        %gather3A_498 = tpu.dynamic_gather %add3A_485[%gather3A_497] in [0] : vector<16xf32>, vector<16xi32> -> vector<16xf32>
        %add3A_499 = arith.addf %add3A_485, %gather3A_498 : vector<16xf32>
        %mul3A_500 = arith.constant 2.000000e+00 : f32
        %mul3A_501 = vector.broadcast %mul3A_500 : f32 to vector<16xf32>
        %mul3A_502 = arith.mulf %mul3A_501, %add3A_499 : vector<16xf32>
        %exp3A_503 = math.exp %mul3A_502 : vector<16xf32>
        %add3A_504 = arith.constant 1.000000e+00 : f32
        %add3A_505 = vector.broadcast %add3A_504 : f32 to vector<16xf32>
        %add3A_506 = arith.addf %exp3A_503, %add3A_505 : vector<16xf32>
        %div3A_507 = arith.constant 2.000000e+00 : f32
        %div3A_508 = vector.broadcast %div3A_507 : f32 to vector<16xf32>
        %div3A_509 = arith.divf %div3A_508, %add3A_506 : vector<16xf32>
        %sub3A_510 = arith.constant 1.000000e+00 : f32
        %sub3A_511 = vector.broadcast %sub3A_510 : f32 to vector<16xf32>
        %sub3A_512 = arith.subf %sub3A_511, %div3A_509 : vector<16xf32>
        %add3A_513 = arith.constant 3 : i32
        %add3A_514 = arith.addi %mul3A_198, %add3A_513 : i32
        %broadcast_in_dim3A_515 = vector.broadcast %add3A_514 : i32 to vector<16xi32>
        %lt3A_516 = arith.constant 0 : i32
        %lt3A_517 = vector.broadcast %lt3A_516 : i32 to vector<16xi32>
        %lt3A_518 = arith.cmpi slt, %broadcast_in_dim3A_515, %lt3A_517 : vector<16xi32>
        %add3A_519 = arith.constant 16 : i32
        %add3A_520 = vector.broadcast %add3A_519 : i32 to vector<16xi32>
        %add3A_521 = arith.addi %broadcast_in_dim3A_515, %add3A_520 : vector<16xi32>
        %select_n3A_522 = arith.select %lt3A_518, %add3A_521, %broadcast_in_dim3A_515 : vector<16xi1>, vector<16xi32>
        %broadcast_in_dim3A_523 = vector.shape_cast %select_n3A_522 : vector<16xi32> to vector<16x1xi32>
        %gather3A_524 = vector.shape_cast %broadcast_in_dim3A_523 : vector<16x1xi32> to vector<16xi32>
        %gather3A_525 = tpu.dynamic_gather %get3A_194[%gather3A_524] in [0] : vector<16xf32>, vector<16xi32> -> vector<16xf32>
        %mul3A_526 = arith.mulf %sub3A_512, %gather3A_525 : vector<16xf32>
        %xor3A_527 = arith.constant 8 : i32
        %xor3A_528 = vector.broadcast %xor3A_527 : i32 to vector<16xi32>
        %xor3A_529 = arith.xori %iota3A, %xor3A_528 : vector<16xi32>
        %lt3A_530 = arith.constant 0 : i32
        %lt3A_531 = vector.broadcast %lt3A_530 : i32 to vector<16xi32>
        %lt3A_532 = arith.cmpi slt, %xor3A_529, %lt3A_531 : vector<16xi32>
        %add3A_533 = arith.constant 16 : i32
        %add3A_534 = vector.broadcast %add3A_533 : i32 to vector<16xi32>
        %add3A_535 = arith.addi %xor3A_529, %add3A_534 : vector<16xi32>
        %select_n3A_536 = arith.select %lt3A_532, %add3A_535, %xor3A_529 : vector<16xi1>, vector<16xi32>
        %broadcast_in_dim3A_537 = vector.shape_cast %select_n3A_536 : vector<16xi32> to vector<16x1xi32>
        %gather3A_538 = vector.shape_cast %broadcast_in_dim3A_537 : vector<16x1xi32> to vector<16xi32>
        %gather3A_539 = tpu.dynamic_gather %parallel_loop3A_186#4[%gather3A_538] in [0] : vector<16xf32>, vector<16xi32> -> vector<16xf32>
        %add3A_540 = arith.addf %parallel_loop3A_186#4, %gather3A_539 : vector<16xf32>
        %xor3A_541 = arith.constant 4 : i32
        %xor3A_542 = vector.broadcast %xor3A_541 : i32 to vector<16xi32>
        %xor3A_543 = arith.xori %iota3A, %xor3A_542 : vector<16xi32>
        %lt3A_544 = arith.constant 0 : i32
        %lt3A_545 = vector.broadcast %lt3A_544 : i32 to vector<16xi32>
        %lt3A_546 = arith.cmpi slt, %xor3A_543, %lt3A_545 : vector<16xi32>
        %add3A_547 = arith.constant 16 : i32
        %add3A_548 = vector.broadcast %add3A_547 : i32 to vector<16xi32>
        %add3A_549 = arith.addi %xor3A_543, %add3A_548 : vector<16xi32>
        %select_n3A_550 = arith.select %lt3A_546, %add3A_549, %xor3A_543 : vector<16xi1>, vector<16xi32>
        %broadcast_in_dim3A_551 = vector.shape_cast %select_n3A_550 : vector<16xi32> to vector<16x1xi32>
        %gather3A_552 = vector.shape_cast %broadcast_in_dim3A_551 : vector<16x1xi32> to vector<16xi32>
        %gather3A_553 = tpu.dynamic_gather %add3A_540[%gather3A_552] in [0] : vector<16xf32>, vector<16xi32> -> vector<16xf32>
        %add3A_554 = arith.addf %add3A_540, %gather3A_553 : vector<16xf32>
        %xor3A_555 = arith.constant 2 : i32
        %xor3A_556 = vector.broadcast %xor3A_555 : i32 to vector<16xi32>
        %xor3A_557 = arith.xori %iota3A, %xor3A_556 : vector<16xi32>
        %lt3A_558 = arith.constant 0 : i32
        %lt3A_559 = vector.broadcast %lt3A_558 : i32 to vector<16xi32>
        %lt3A_560 = arith.cmpi slt, %xor3A_557, %lt3A_559 : vector<16xi32>
        %add3A_561 = arith.constant 16 : i32
        %add3A_562 = vector.broadcast %add3A_561 : i32 to vector<16xi32>
        %add3A_563 = arith.addi %xor3A_557, %add3A_562 : vector<16xi32>
        %select_n3A_564 = arith.select %lt3A_560, %add3A_563, %xor3A_557 : vector<16xi1>, vector<16xi32>
        %broadcast_in_dim3A_565 = vector.shape_cast %select_n3A_564 : vector<16xi32> to vector<16x1xi32>
        %gather3A_566 = vector.shape_cast %broadcast_in_dim3A_565 : vector<16x1xi32> to vector<16xi32>
        %gather3A_567 = tpu.dynamic_gather %add3A_554[%gather3A_566] in [0] : vector<16xf32>, vector<16xi32> -> vector<16xf32>
        %add3A_568 = arith.addf %add3A_554, %gather3A_567 : vector<16xf32>
        %xor3A_569 = arith.constant 1 : i32
        %xor3A_570 = vector.broadcast %xor3A_569 : i32 to vector<16xi32>
        %xor3A_571 = arith.xori %iota3A, %xor3A_570 : vector<16xi32>
        %lt3A_572 = arith.constant 0 : i32
        %lt3A_573 = vector.broadcast %lt3A_572 : i32 to vector<16xi32>
        %lt3A_574 = arith.cmpi slt, %xor3A_571, %lt3A_573 : vector<16xi32>
        %add3A_575 = arith.constant 16 : i32
        %add3A_576 = vector.broadcast %add3A_575 : i32 to vector<16xi32>
        %add3A_577 = arith.addi %xor3A_571, %add3A_576 : vector<16xi32>
        %select_n3A_578 = arith.select %lt3A_574, %add3A_577, %xor3A_571 : vector<16xi1>, vector<16xi32>
        %broadcast_in_dim3A_579 = vector.shape_cast %select_n3A_578 : vector<16xi32> to vector<16x1xi32>
        %gather3A_580 = vector.shape_cast %broadcast_in_dim3A_579 : vector<16x1xi32> to vector<16xi32>
        %gather3A_581 = tpu.dynamic_gather %add3A_568[%gather3A_580] in [0] : vector<16xf32>, vector<16xi32> -> vector<16xf32>
        %add3A_582 = arith.addf %add3A_568, %gather3A_581 : vector<16xf32>
        %mul3A_583 = arith.constant 2.000000e+00 : f32
        %mul3A_584 = vector.broadcast %mul3A_583 : f32 to vector<16xf32>
        %mul3A_585 = arith.mulf %mul3A_584, %add3A_582 : vector<16xf32>
        %exp3A_586 = math.exp %mul3A_585 : vector<16xf32>
        %add3A_587 = arith.constant 1.000000e+00 : f32
        %add3A_588 = vector.broadcast %add3A_587 : f32 to vector<16xf32>
        %add3A_589 = arith.addf %exp3A_586, %add3A_588 : vector<16xf32>
        %div3A_590 = arith.constant 2.000000e+00 : f32
        %div3A_591 = vector.broadcast %div3A_590 : f32 to vector<16xf32>
        %div3A_592 = arith.divf %div3A_591, %add3A_589 : vector<16xf32>
        %sub3A_593 = arith.constant 1.000000e+00 : f32
        %sub3A_594 = vector.broadcast %sub3A_593 : f32 to vector<16xf32>
        %sub3A_595 = arith.subf %sub3A_594, %div3A_592 : vector<16xf32>
        %add3A_596 = arith.constant 4 : i32
        %add3A_597 = arith.addi %mul3A_198, %add3A_596 : i32
        %broadcast_in_dim3A_598 = vector.broadcast %add3A_597 : i32 to vector<16xi32>
        %lt3A_599 = arith.constant 0 : i32
        %lt3A_600 = vector.broadcast %lt3A_599 : i32 to vector<16xi32>
        %lt3A_601 = arith.cmpi slt, %broadcast_in_dim3A_598, %lt3A_600 : vector<16xi32>
        %add3A_602 = arith.constant 16 : i32
        %add3A_603 = vector.broadcast %add3A_602 : i32 to vector<16xi32>
        %add3A_604 = arith.addi %broadcast_in_dim3A_598, %add3A_603 : vector<16xi32>
        %select_n3A_605 = arith.select %lt3A_601, %add3A_604, %broadcast_in_dim3A_598 : vector<16xi1>, vector<16xi32>
        %broadcast_in_dim3A_606 = vector.shape_cast %select_n3A_605 : vector<16xi32> to vector<16x1xi32>
        %gather3A_607 = vector.shape_cast %broadcast_in_dim3A_606 : vector<16x1xi32> to vector<16xi32>
        %gather3A_608 = tpu.dynamic_gather %get3A_194[%gather3A_607] in [0] : vector<16xf32>, vector<16xi32> -> vector<16xf32>
        %mul3A_609 = arith.mulf %sub3A_595, %gather3A_608 : vector<16xf32>
        %xor3A_610 = arith.constant 8 : i32
        %xor3A_611 = vector.broadcast %xor3A_610 : i32 to vector<16xi32>
        %xor3A_612 = arith.xori %iota3A, %xor3A_611 : vector<16xi32>
        %lt3A_613 = arith.constant 0 : i32
        %lt3A_614 = vector.broadcast %lt3A_613 : i32 to vector<16xi32>
        %lt3A_615 = arith.cmpi slt, %xor3A_612, %lt3A_614 : vector<16xi32>
        %add3A_616 = arith.constant 16 : i32
        %add3A_617 = vector.broadcast %add3A_616 : i32 to vector<16xi32>
        %add3A_618 = arith.addi %xor3A_612, %add3A_617 : vector<16xi32>
        %select_n3A_619 = arith.select %lt3A_615, %add3A_618, %xor3A_612 : vector<16xi1>, vector<16xi32>
        %broadcast_in_dim3A_620 = vector.shape_cast %select_n3A_619 : vector<16xi32> to vector<16x1xi32>
        %gather3A_621 = vector.shape_cast %broadcast_in_dim3A_620 : vector<16x1xi32> to vector<16xi32>
        %gather3A_622 = tpu.dynamic_gather %parallel_loop3A_186#5[%gather3A_621] in [0] : vector<16xf32>, vector<16xi32> -> vector<16xf32>
        %add3A_623 = arith.addf %parallel_loop3A_186#5, %gather3A_622 : vector<16xf32>
        %xor3A_624 = arith.constant 4 : i32
        %xor3A_625 = vector.broadcast %xor3A_624 : i32 to vector<16xi32>
        %xor3A_626 = arith.xori %iota3A, %xor3A_625 : vector<16xi32>
        %lt3A_627 = arith.constant 0 : i32
        %lt3A_628 = vector.broadcast %lt3A_627 : i32 to vector<16xi32>
        %lt3A_629 = arith.cmpi slt, %xor3A_626, %lt3A_628 : vector<16xi32>
        %add3A_630 = arith.constant 16 : i32
        %add3A_631 = vector.broadcast %add3A_630 : i32 to vector<16xi32>
        %add3A_632 = arith.addi %xor3A_626, %add3A_631 : vector<16xi32>
        %select_n3A_633 = arith.select %lt3A_629, %add3A_632, %xor3A_626 : vector<16xi1>, vector<16xi32>
        %broadcast_in_dim3A_634 = vector.shape_cast %select_n3A_633 : vector<16xi32> to vector<16x1xi32>
        %gather3A_635 = vector.shape_cast %broadcast_in_dim3A_634 : vector<16x1xi32> to vector<16xi32>
        %gather3A_636 = tpu.dynamic_gather %add3A_623[%gather3A_635] in [0] : vector<16xf32>, vector<16xi32> -> vector<16xf32>
        %add3A_637 = arith.addf %add3A_623, %gather3A_636 : vector<16xf32>
        %xor3A_638 = arith.constant 2 : i32
        %xor3A_639 = vector.broadcast %xor3A_638 : i32 to vector<16xi32>
        %xor3A_640 = arith.xori %iota3A, %xor3A_639 : vector<16xi32>
        %lt3A_641 = arith.constant 0 : i32
        %lt3A_642 = vector.broadcast %lt3A_641 : i32 to vector<16xi32>
        %lt3A_643 = arith.cmpi slt, %xor3A_640, %lt3A_642 : vector<16xi32>
        %add3A_644 = arith.constant 16 : i32
        %add3A_645 = vector.broadcast %add3A_644 : i32 to vector<16xi32>
        %add3A_646 = arith.addi %xor3A_640, %add3A_645 : vector<16xi32>
        %select_n3A_647 = arith.select %lt3A_643, %add3A_646, %xor3A_640 : vector<16xi1>, vector<16xi32>
        %broadcast_in_dim3A_648 = vector.shape_cast %select_n3A_647 : vector<16xi32> to vector<16x1xi32>
        %gather3A_649 = vector.shape_cast %broadcast_in_dim3A_648 : vector<16x1xi32> to vector<16xi32>
        %gather3A_650 = tpu.dynamic_gather %add3A_637[%gather3A_649] in [0] : vector<16xf32>, vector<16xi32> -> vector<16xf32>
        %add3A_651 = arith.addf %add3A_637, %gather3A_650 : vector<16xf32>
        %xor3A_652 = arith.constant 1 : i32
        %xor3A_653 = vector.broadcast %xor3A_652 : i32 to vector<16xi32>
        %xor3A_654 = arith.xori %iota3A, %xor3A_653 : vector<16xi32>
        %lt3A_655 = arith.constant 0 : i32
        %lt3A_656 = vector.broadcast %lt3A_655 : i32 to vector<16xi32>
        %lt3A_657 = arith.cmpi slt, %xor3A_654, %lt3A_656 : vector<16xi32>
        %add3A_658 = arith.constant 16 : i32
        %add3A_659 = vector.broadcast %add3A_658 : i32 to vector<16xi32>
        %add3A_660 = arith.addi %xor3A_654, %add3A_659 : vector<16xi32>
        %select_n3A_661 = arith.select %lt3A_657, %add3A_660, %xor3A_654 : vector<16xi1>, vector<16xi32>
        %broadcast_in_dim3A_662 = vector.shape_cast %select_n3A_661 : vector<16xi32> to vector<16x1xi32>
        %gather3A_663 = vector.shape_cast %broadcast_in_dim3A_662 : vector<16x1xi32> to vector<16xi32>
        %gather3A_664 = tpu.dynamic_gather %add3A_651[%gather3A_663] in [0] : vector<16xf32>, vector<16xi32> -> vector<16xf32>
        %add3A_665 = arith.addf %add3A_651, %gather3A_664 : vector<16xf32>
        %mul3A_666 = arith.constant 2.000000e+00 : f32
        %mul3A_667 = vector.broadcast %mul3A_666 : f32 to vector<16xf32>
        %mul3A_668 = arith.mulf %mul3A_667, %add3A_665 : vector<16xf32>
        %exp3A_669 = math.exp %mul3A_668 : vector<16xf32>
        %add3A_670 = arith.constant 1.000000e+00 : f32
        %add3A_671 = vector.broadcast %add3A_670 : f32 to vector<16xf32>
        %add3A_672 = arith.addf %exp3A_669, %add3A_671 : vector<16xf32>
        %div3A_673 = arith.constant 2.000000e+00 : f32
        %div3A_674 = vector.broadcast %div3A_673 : f32 to vector<16xf32>
        %div3A_675 = arith.divf %div3A_674, %add3A_672 : vector<16xf32>
        %sub3A_676 = arith.constant 1.000000e+00 : f32
        %sub3A_677 = vector.broadcast %sub3A_676 : f32 to vector<16xf32>
        %sub3A_678 = arith.subf %sub3A_677, %div3A_675 : vector<16xf32>
        %add3A_679 = arith.constant 5 : i32
        %add3A_680 = arith.addi %mul3A_198, %add3A_679 : i32
        %broadcast_in_dim3A_681 = vector.broadcast %add3A_680 : i32 to vector<16xi32>
        %lt3A_682 = arith.constant 0 : i32
        %lt3A_683 = vector.broadcast %lt3A_682 : i32 to vector<16xi32>
        %lt3A_684 = arith.cmpi slt, %broadcast_in_dim3A_681, %lt3A_683 : vector<16xi32>
        %add3A_685 = arith.constant 16 : i32
        %add3A_686 = vector.broadcast %add3A_685 : i32 to vector<16xi32>
        %add3A_687 = arith.addi %broadcast_in_dim3A_681, %add3A_686 : vector<16xi32>
        %select_n3A_688 = arith.select %lt3A_684, %add3A_687, %broadcast_in_dim3A_681 : vector<16xi1>, vector<16xi32>
        %broadcast_in_dim3A_689 = vector.shape_cast %select_n3A_688 : vector<16xi32> to vector<16x1xi32>
        %gather3A_690 = vector.shape_cast %broadcast_in_dim3A_689 : vector<16x1xi32> to vector<16xi32>
        %gather3A_691 = tpu.dynamic_gather %get3A_194[%gather3A_690] in [0] : vector<16xf32>, vector<16xi32> -> vector<16xf32>
        %mul3A_692 = arith.mulf %sub3A_678, %gather3A_691 : vector<16xf32>
        %xor3A_693 = arith.constant 8 : i32
        %xor3A_694 = vector.broadcast %xor3A_693 : i32 to vector<16xi32>
        %xor3A_695 = arith.xori %iota3A, %xor3A_694 : vector<16xi32>
        %lt3A_696 = arith.constant 0 : i32
        %lt3A_697 = vector.broadcast %lt3A_696 : i32 to vector<16xi32>
        %lt3A_698 = arith.cmpi slt, %xor3A_695, %lt3A_697 : vector<16xi32>
        %add3A_699 = arith.constant 16 : i32
        %add3A_700 = vector.broadcast %add3A_699 : i32 to vector<16xi32>
        %add3A_701 = arith.addi %xor3A_695, %add3A_700 : vector<16xi32>
        %select_n3A_702 = arith.select %lt3A_698, %add3A_701, %xor3A_695 : vector<16xi1>, vector<16xi32>
        %broadcast_in_dim3A_703 = vector.shape_cast %select_n3A_702 : vector<16xi32> to vector<16x1xi32>
        %gather3A_704 = vector.shape_cast %broadcast_in_dim3A_703 : vector<16x1xi32> to vector<16xi32>
        %gather3A_705 = tpu.dynamic_gather %parallel_loop3A_186#6[%gather3A_704] in [0] : vector<16xf32>, vector<16xi32> -> vector<16xf32>
        %add3A_706 = arith.addf %parallel_loop3A_186#6, %gather3A_705 : vector<16xf32>
        %xor3A_707 = arith.constant 4 : i32
        %xor3A_708 = vector.broadcast %xor3A_707 : i32 to vector<16xi32>
        %xor3A_709 = arith.xori %iota3A, %xor3A_708 : vector<16xi32>
        %lt3A_710 = arith.constant 0 : i32
        %lt3A_711 = vector.broadcast %lt3A_710 : i32 to vector<16xi32>
        %lt3A_712 = arith.cmpi slt, %xor3A_709, %lt3A_711 : vector<16xi32>
        %add3A_713 = arith.constant 16 : i32
        %add3A_714 = vector.broadcast %add3A_713 : i32 to vector<16xi32>
        %add3A_715 = arith.addi %xor3A_709, %add3A_714 : vector<16xi32>
        %select_n3A_716 = arith.select %lt3A_712, %add3A_715, %xor3A_709 : vector<16xi1>, vector<16xi32>
        %broadcast_in_dim3A_717 = vector.shape_cast %select_n3A_716 : vector<16xi32> to vector<16x1xi32>
        %gather3A_718 = vector.shape_cast %broadcast_in_dim3A_717 : vector<16x1xi32> to vector<16xi32>
        %gather3A_719 = tpu.dynamic_gather %add3A_706[%gather3A_718] in [0] : vector<16xf32>, vector<16xi32> -> vector<16xf32>
        %add3A_720 = arith.addf %add3A_706, %gather3A_719 : vector<16xf32>
        %xor3A_721 = arith.constant 2 : i32
        %xor3A_722 = vector.broadcast %xor3A_721 : i32 to vector<16xi32>
        %xor3A_723 = arith.xori %iota3A, %xor3A_722 : vector<16xi32>
        %lt3A_724 = arith.constant 0 : i32
        %lt3A_725 = vector.broadcast %lt3A_724 : i32 to vector<16xi32>
        %lt3A_726 = arith.cmpi slt, %xor3A_723, %lt3A_725 : vector<16xi32>
        %add3A_727 = arith.constant 16 : i32
        %add3A_728 = vector.broadcast %add3A_727 : i32 to vector<16xi32>
        %add3A_729 = arith.addi %xor3A_723, %add3A_728 : vector<16xi32>
        %select_n3A_730 = arith.select %lt3A_726, %add3A_729, %xor3A_723 : vector<16xi1>, vector<16xi32>
        %broadcast_in_dim3A_731 = vector.shape_cast %select_n3A_730 : vector<16xi32> to vector<16x1xi32>
        %gather3A_732 = vector.shape_cast %broadcast_in_dim3A_731 : vector<16x1xi32> to vector<16xi32>
        %gather3A_733 = tpu.dynamic_gather %add3A_720[%gather3A_732] in [0] : vector<16xf32>, vector<16xi32> -> vector<16xf32>
        %add3A_734 = arith.addf %add3A_720, %gather3A_733 : vector<16xf32>
        %xor3A_735 = arith.constant 1 : i32
        %xor3A_736 = vector.broadcast %xor3A_735 : i32 to vector<16xi32>
        %xor3A_737 = arith.xori %iota3A, %xor3A_736 : vector<16xi32>
        %lt3A_738 = arith.constant 0 : i32
        %lt3A_739 = vector.broadcast %lt3A_738 : i32 to vector<16xi32>
        %lt3A_740 = arith.cmpi slt, %xor3A_737, %lt3A_739 : vector<16xi32>
        %add3A_741 = arith.constant 16 : i32
        %add3A_742 = vector.broadcast %add3A_741 : i32 to vector<16xi32>
        %add3A_743 = arith.addi %xor3A_737, %add3A_742 : vector<16xi32>
        %select_n3A_744 = arith.select %lt3A_740, %add3A_743, %xor3A_737 : vector<16xi1>, vector<16xi32>
        %broadcast_in_dim3A_745 = vector.shape_cast %select_n3A_744 : vector<16xi32> to vector<16x1xi32>
        %gather3A_746 = vector.shape_cast %broadcast_in_dim3A_745 : vector<16x1xi32> to vector<16xi32>
        %gather3A_747 = tpu.dynamic_gather %add3A_734[%gather3A_746] in [0] : vector<16xf32>, vector<16xi32> -> vector<16xf32>
        %add3A_748 = arith.addf %add3A_734, %gather3A_747 : vector<16xf32>
        %mul3A_749 = arith.constant 2.000000e+00 : f32
        %mul3A_750 = vector.broadcast %mul3A_749 : f32 to vector<16xf32>
        %mul3A_751 = arith.mulf %mul3A_750, %add3A_748 : vector<16xf32>
        %exp3A_752 = math.exp %mul3A_751 : vector<16xf32>
        %add3A_753 = arith.constant 1.000000e+00 : f32
        %add3A_754 = vector.broadcast %add3A_753 : f32 to vector<16xf32>
        %add3A_755 = arith.addf %exp3A_752, %add3A_754 : vector<16xf32>
        %div3A_756 = arith.constant 2.000000e+00 : f32
        %div3A_757 = vector.broadcast %div3A_756 : f32 to vector<16xf32>
        %div3A_758 = arith.divf %div3A_757, %add3A_755 : vector<16xf32>
        %sub3A_759 = arith.constant 1.000000e+00 : f32
        %sub3A_760 = vector.broadcast %sub3A_759 : f32 to vector<16xf32>
        %sub3A_761 = arith.subf %sub3A_760, %div3A_758 : vector<16xf32>
        %add3A_762 = arith.constant 6 : i32
        %add3A_763 = arith.addi %mul3A_198, %add3A_762 : i32
        %broadcast_in_dim3A_764 = vector.broadcast %add3A_763 : i32 to vector<16xi32>
        %lt3A_765 = arith.constant 0 : i32
        %lt3A_766 = vector.broadcast %lt3A_765 : i32 to vector<16xi32>
        %lt3A_767 = arith.cmpi slt, %broadcast_in_dim3A_764, %lt3A_766 : vector<16xi32>
        %add3A_768 = arith.constant 16 : i32
        %add3A_769 = vector.broadcast %add3A_768 : i32 to vector<16xi32>
        %add3A_770 = arith.addi %broadcast_in_dim3A_764, %add3A_769 : vector<16xi32>
        %select_n3A_771 = arith.select %lt3A_767, %add3A_770, %broadcast_in_dim3A_764 : vector<16xi1>, vector<16xi32>
        %broadcast_in_dim3A_772 = vector.shape_cast %select_n3A_771 : vector<16xi32> to vector<16x1xi32>
        %gather3A_773 = vector.shape_cast %broadcast_in_dim3A_772 : vector<16x1xi32> to vector<16xi32>
        %gather3A_774 = tpu.dynamic_gather %get3A_194[%gather3A_773] in [0] : vector<16xf32>, vector<16xi32> -> vector<16xf32>
        %mul3A_775 = arith.mulf %sub3A_761, %gather3A_774 : vector<16xf32>
        %xor3A_776 = arith.constant 8 : i32
        %xor3A_777 = vector.broadcast %xor3A_776 : i32 to vector<16xi32>
        %xor3A_778 = arith.xori %iota3A, %xor3A_777 : vector<16xi32>
        %lt3A_779 = arith.constant 0 : i32
        %lt3A_780 = vector.broadcast %lt3A_779 : i32 to vector<16xi32>
        %lt3A_781 = arith.cmpi slt, %xor3A_778, %lt3A_780 : vector<16xi32>
        %add3A_782 = arith.constant 16 : i32
        %add3A_783 = vector.broadcast %add3A_782 : i32 to vector<16xi32>
        %add3A_784 = arith.addi %xor3A_778, %add3A_783 : vector<16xi32>
        %select_n3A_785 = arith.select %lt3A_781, %add3A_784, %xor3A_778 : vector<16xi1>, vector<16xi32>
        %broadcast_in_dim3A_786 = vector.shape_cast %select_n3A_785 : vector<16xi32> to vector<16x1xi32>
        %gather3A_787 = vector.shape_cast %broadcast_in_dim3A_786 : vector<16x1xi32> to vector<16xi32>
        %gather3A_788 = tpu.dynamic_gather %parallel_loop3A_186#7[%gather3A_787] in [0] : vector<16xf32>, vector<16xi32> -> vector<16xf32>
        %add3A_789 = arith.addf %parallel_loop3A_186#7, %gather3A_788 : vector<16xf32>
        %xor3A_790 = arith.constant 4 : i32
        %xor3A_791 = vector.broadcast %xor3A_790 : i32 to vector<16xi32>
        %xor3A_792 = arith.xori %iota3A, %xor3A_791 : vector<16xi32>
        %lt3A_793 = arith.constant 0 : i32
        %lt3A_794 = vector.broadcast %lt3A_793 : i32 to vector<16xi32>
        %lt3A_795 = arith.cmpi slt, %xor3A_792, %lt3A_794 : vector<16xi32>
        %add3A_796 = arith.constant 16 : i32
        %add3A_797 = vector.broadcast %add3A_796 : i32 to vector<16xi32>
        %add3A_798 = arith.addi %xor3A_792, %add3A_797 : vector<16xi32>
        %select_n3A_799 = arith.select %lt3A_795, %add3A_798, %xor3A_792 : vector<16xi1>, vector<16xi32>
        %broadcast_in_dim3A_800 = vector.shape_cast %select_n3A_799 : vector<16xi32> to vector<16x1xi32>
        %gather3A_801 = vector.shape_cast %broadcast_in_dim3A_800 : vector<16x1xi32> to vector<16xi32>
        %gather3A_802 = tpu.dynamic_gather %add3A_789[%gather3A_801] in [0] : vector<16xf32>, vector<16xi32> -> vector<16xf32>
        %add3A_803 = arith.addf %add3A_789, %gather3A_802 : vector<16xf32>
        %xor3A_804 = arith.constant 2 : i32
        %xor3A_805 = vector.broadcast %xor3A_804 : i32 to vector<16xi32>
        %xor3A_806 = arith.xori %iota3A, %xor3A_805 : vector<16xi32>
        %lt3A_807 = arith.constant 0 : i32
        %lt3A_808 = vector.broadcast %lt3A_807 : i32 to vector<16xi32>
        %lt3A_809 = arith.cmpi slt, %xor3A_806, %lt3A_808 : vector<16xi32>
        %add3A_810 = arith.constant 16 : i32
        %add3A_811 = vector.broadcast %add3A_810 : i32 to vector<16xi32>
        %add3A_812 = arith.addi %xor3A_806, %add3A_811 : vector<16xi32>
        %select_n3A_813 = arith.select %lt3A_809, %add3A_812, %xor3A_806 : vector<16xi1>, vector<16xi32>
        %broadcast_in_dim3A_814 = vector.shape_cast %select_n3A_813 : vector<16xi32> to vector<16x1xi32>
        %gather3A_815 = vector.shape_cast %broadcast_in_dim3A_814 : vector<16x1xi32> to vector<16xi32>
        %gather3A_816 = tpu.dynamic_gather %add3A_803[%gather3A_815] in [0] : vector<16xf32>, vector<16xi32> -> vector<16xf32>
        %add3A_817 = arith.addf %add3A_803, %gather3A_816 : vector<16xf32>
        %xor3A_818 = arith.constant 1 : i32
        %xor3A_819 = vector.broadcast %xor3A_818 : i32 to vector<16xi32>
        %xor3A_820 = arith.xori %iota3A, %xor3A_819 : vector<16xi32>
        %lt3A_821 = arith.constant 0 : i32
        %lt3A_822 = vector.broadcast %lt3A_821 : i32 to vector<16xi32>
        %lt3A_823 = arith.cmpi slt, %xor3A_820, %lt3A_822 : vector<16xi32>
        %add3A_824 = arith.constant 16 : i32
        %add3A_825 = vector.broadcast %add3A_824 : i32 to vector<16xi32>
        %add3A_826 = arith.addi %xor3A_820, %add3A_825 : vector<16xi32>
        %select_n3A_827 = arith.select %lt3A_823, %add3A_826, %xor3A_820 : vector<16xi1>, vector<16xi32>
        %broadcast_in_dim3A_828 = vector.shape_cast %select_n3A_827 : vector<16xi32> to vector<16x1xi32>
        %gather3A_829 = vector.shape_cast %broadcast_in_dim3A_828 : vector<16x1xi32> to vector<16xi32>
        %gather3A_830 = tpu.dynamic_gather %add3A_817[%gather3A_829] in [0] : vector<16xf32>, vector<16xi32> -> vector<16xf32>
        %add3A_831 = arith.addf %add3A_817, %gather3A_830 : vector<16xf32>
        %mul3A_832 = arith.constant 2.000000e+00 : f32
        %mul3A_833 = vector.broadcast %mul3A_832 : f32 to vector<16xf32>
        %mul3A_834 = arith.mulf %mul3A_833, %add3A_831 : vector<16xf32>
        %exp3A_835 = math.exp %mul3A_834 : vector<16xf32>
        %add3A_836 = arith.constant 1.000000e+00 : f32
        %add3A_837 = vector.broadcast %add3A_836 : f32 to vector<16xf32>
        %add3A_838 = arith.addf %exp3A_835, %add3A_837 : vector<16xf32>
        %div3A_839 = arith.constant 2.000000e+00 : f32
        %div3A_840 = vector.broadcast %div3A_839 : f32 to vector<16xf32>
        %div3A_841 = arith.divf %div3A_840, %add3A_838 : vector<16xf32>
        %sub3A_842 = arith.constant 1.000000e+00 : f32
        %sub3A_843 = vector.broadcast %sub3A_842 : f32 to vector<16xf32>
        %sub3A_844 = arith.subf %sub3A_843, %div3A_841 : vector<16xf32>
        %add3A_845 = arith.constant 7 : i32
        %add3A_846 = arith.addi %mul3A_198, %add3A_845 : i32
        %broadcast_in_dim3A_847 = vector.broadcast %add3A_846 : i32 to vector<16xi32>
        %lt3A_848 = arith.constant 0 : i32
        %lt3A_849 = vector.broadcast %lt3A_848 : i32 to vector<16xi32>
        %lt3A_850 = arith.cmpi slt, %broadcast_in_dim3A_847, %lt3A_849 : vector<16xi32>
        %add3A_851 = arith.constant 16 : i32
        %add3A_852 = vector.broadcast %add3A_851 : i32 to vector<16xi32>
        %add3A_853 = arith.addi %broadcast_in_dim3A_847, %add3A_852 : vector<16xi32>
        %select_n3A_854 = arith.select %lt3A_850, %add3A_853, %broadcast_in_dim3A_847 : vector<16xi1>, vector<16xi32>
        %broadcast_in_dim3A_855 = vector.shape_cast %select_n3A_854 : vector<16xi32> to vector<16x1xi32>
        %gather3A_856 = vector.shape_cast %broadcast_in_dim3A_855 : vector<16x1xi32> to vector<16xi32>
        %gather3A_857 = tpu.dynamic_gather %get3A_194[%gather3A_856] in [0] : vector<16xf32>, vector<16xi32> -> vector<16xf32>
        %mul3A_858 = arith.mulf %sub3A_844, %gather3A_857 : vector<16xf32>
        %parallel_loop3A_859 = arith.constant 0 : i32
        %parallel_loop3A_860 = arith.constant 1024 : i32
        %parallel_loop3A_861 = arith.constant 16 : i32
        scf.for %parallel_loop3A_863 = %parallel_loop3A_859 to %parallel_loop3A_860 step %parallel_loop3A_861  : i32 {
          %parallel_loop3A_864 = arith.constant 0 : i32
          %parallel_loop3A_865 = arith.constant 0 : i32
          %parallel_loop3A_866 = tpu.memref_slice %arg9[%rem3A_92, %parallel_loop3A_864, %parallel_loop3A_865] : memref<2x4x1024xf32, #tpu.memory_space<vmem>> -> memref<1x4x1024xf32, #tpu.memory_space<vmem>>
          %parallel_loop3A_867 = tpu.memref_squeeze %parallel_loop3A_866 : memref<1x4x1024xf32, #tpu.memory_space<vmem>> -> memref<4x1024xf32, #tpu.memory_space<vmem>>
          %parallel_loop3A_868 = arith.index_cast %scan3A_165 : i32 to index
          %parallel_loop3A_869 = arith.index_cast %parallel_loop3A_863 : i32 to index
          %parallel_loop3A_870 = tpu.vector_load %parallel_loop3A_867[%parallel_loop3A_868, %parallel_loop3A_869] {strides = array<i32>} : memref<4x1024xf32, #tpu.memory_space<vmem>>, vector<1x16xf32>,
          %parallel_loop3A_871 = vector.shape_cast %parallel_loop3A_870 : vector<1x16xf32> to vector<16xf32>
          %parallel_loop3A_872 = arith.constant 0 : i32
          %parallel_loop3A_873 = arith.addi %mul3A_168, %parallel_loop3A_872 : i32
          %parallel_loop3A_874 = arith.constant 0 : i32
          %parallel_loop3A_875 = arith.constant 0 : i32
          %parallel_loop3A_876 = tpu.memref_slice %arg10[%rem3A_92, %parallel_loop3A_874, %parallel_loop3A_875] : memref<2x32x1024xf32, #tpu.memory_space<vmem>> -> memref<1x32x1024xf32, #tpu.memory_space<vmem>>
          %parallel_loop3A_877 = tpu.memref_squeeze %parallel_loop3A_876 : memref<1x32x1024xf32, #tpu.memory_space<vmem>> -> memref<32x1024xf32, #tpu.memory_space<vmem>>
          %parallel_loop3A_878 = arith.index_cast %parallel_loop3A_873 : i32 to index
          %parallel_loop3A_879 = arith.index_cast %parallel_loop3A_863 : i32 to index
          %parallel_loop3A_880 = tpu.vector_load %parallel_loop3A_877[%parallel_loop3A_878, %parallel_loop3A_879] {strides = array<i32>} : memref<32x1024xf32, #tpu.memory_space<vmem>>, vector<1x16xf32>,
          %parallel_loop3A_881 = vector.shape_cast %parallel_loop3A_880 : vector<1x16xf32> to vector<16xf32>
          %parallel_loop3A_882 = arith.mulf %mul3A_277, %parallel_loop3A_881 : vector<16xf32>
          %parallel_loop3A_883 = arith.addf %parallel_loop3A_871, %parallel_loop3A_882 : vector<16xf32>
          %parallel_loop3A_884 = arith.constant 1 : i32
          %parallel_loop3A_885 = arith.addi %mul3A_168, %parallel_loop3A_884 : i32
          %parallel_loop3A_886 = arith.constant 0 : i32
          %parallel_loop3A_887 = arith.constant 0 : i32
          %parallel_loop3A_888 = tpu.memref_slice %arg10[%rem3A_92, %parallel_loop3A_886, %parallel_loop3A_887] : memref<2x32x1024xf32, #tpu.memory_space<vmem>> -> memref<1x32x1024xf32, #tpu.memory_space<vmem>>
          %parallel_loop3A_889 = tpu.memref_squeeze %parallel_loop3A_888 : memref<1x32x1024xf32, #tpu.memory_space<vmem>> -> memref<32x1024xf32, #tpu.memory_space<vmem>>
          %parallel_loop3A_890 = arith.index_cast %parallel_loop3A_885 : i32 to index
          %parallel_loop3A_891 = arith.index_cast %parallel_loop3A_863 : i32 to index
          %parallel_loop3A_892 = tpu.vector_load %parallel_loop3A_889[%parallel_loop3A_890, %parallel_loop3A_891] {strides = array<i32>} : memref<32x1024xf32, #tpu.memory_space<vmem>>, vector<1x16xf32>,
          %parallel_loop3A_893 = vector.shape_cast %parallel_loop3A_892 : vector<1x16xf32> to vector<16xf32>
          %parallel_loop3A_894 = arith.mulf %mul3A_360, %parallel_loop3A_893 : vector<16xf32>
          %parallel_loop3A_895 = arith.addf %parallel_loop3A_883, %parallel_loop3A_894 : vector<16xf32>
          %parallel_loop3A_896 = arith.constant 2 : i32
          %parallel_loop3A_897 = arith.addi %mul3A_168, %parallel_loop3A_896 : i32
          %parallel_loop3A_898 = arith.constant 0 : i32
          %parallel_loop3A_899 = arith.constant 0 : i32
          %parallel_loop3A_900 = tpu.memref_slice %arg10[%rem3A_92, %parallel_loop3A_898, %parallel_loop3A_899] : memref<2x32x1024xf32, #tpu.memory_space<vmem>> -> memref<1x32x1024xf32, #tpu.memory_space<vmem>>
          %parallel_loop3A_901 = tpu.memref_squeeze %parallel_loop3A_900 : memref<1x32x1024xf32, #tpu.memory_space<vmem>> -> memref<32x1024xf32, #tpu.memory_space<vmem>>
          %parallel_loop3A_902 = arith.index_cast %parallel_loop3A_897 : i32 to index
          %parallel_loop3A_903 = arith.index_cast %parallel_loop3A_863 : i32 to index
          %parallel_loop3A_904 = tpu.vector_load %parallel_loop3A_901[%parallel_loop3A_902, %parallel_loop3A_903] {strides = array<i32>} : memref<32x1024xf32, #tpu.memory_space<vmem>>, vector<1x16xf32>,
          %parallel_loop3A_905 = vector.shape_cast %parallel_loop3A_904 : vector<1x16xf32> to vector<16xf32>
          %parallel_loop3A_906 = arith.mulf %mul3A_443, %parallel_loop3A_905 : vector<16xf32>
          %parallel_loop3A_907 = arith.addf %parallel_loop3A_895, %parallel_loop3A_906 : vector<16xf32>
          %parallel_loop3A_908 = arith.constant 3 : i32
          %parallel_loop3A_909 = arith.addi %mul3A_168, %parallel_loop3A_908 : i32
          %parallel_loop3A_910 = arith.constant 0 : i32
          %parallel_loop3A_911 = arith.constant 0 : i32
          %parallel_loop3A_912 = tpu.memref_slice %arg10[%rem3A_92, %parallel_loop3A_910, %parallel_loop3A_911] : memref<2x32x1024xf32, #tpu.memory_space<vmem>> -> memref<1x32x1024xf32, #tpu.memory_space<vmem>>
          %parallel_loop3A_913 = tpu.memref_squeeze %parallel_loop3A_912 : memref<1x32x1024xf32, #tpu.memory_space<vmem>> -> memref<32x1024xf32, #tpu.memory_space<vmem>>
          %parallel_loop3A_914 = arith.index_cast %parallel_loop3A_909 : i32 to index
          %parallel_loop3A_915 = arith.index_cast %parallel_loop3A_863 : i32 to index
          %parallel_loop3A_916 = tpu.vector_load %parallel_loop3A_913[%parallel_loop3A_914, %parallel_loop3A_915] {strides = array<i32>} : memref<32x1024xf32, #tpu.memory_space<vmem>>, vector<1x16xf32>,
          %parallel_loop3A_917 = vector.shape_cast %parallel_loop3A_916 : vector<1x16xf32> to vector<16xf32>
          %parallel_loop3A_918 = arith.mulf %mul3A_526, %parallel_loop3A_917 : vector<16xf32>
          %parallel_loop3A_919 = arith.addf %parallel_loop3A_907, %parallel_loop3A_918 : vector<16xf32>
          %parallel_loop3A_920 = arith.constant 4 : i32
          %parallel_loop3A_921 = arith.addi %mul3A_168, %parallel_loop3A_920 : i32
          %parallel_loop3A_922 = arith.constant 0 : i32
          %parallel_loop3A_923 = arith.constant 0 : i32
          %parallel_loop3A_924 = tpu.memref_slice %arg10[%rem3A_92, %parallel_loop3A_922, %parallel_loop3A_923] : memref<2x32x1024xf32, #tpu.memory_space<vmem>> -> memref<1x32x1024xf32, #tpu.memory_space<vmem>>
          %parallel_loop3A_925 = tpu.memref_squeeze %parallel_loop3A_924 : memref<1x32x1024xf32, #tpu.memory_space<vmem>> -> memref<32x1024xf32, #tpu.memory_space<vmem>>
          %parallel_loop3A_926 = arith.index_cast %parallel_loop3A_921 : i32 to index
          %parallel_loop3A_927 = arith.index_cast %parallel_loop3A_863 : i32 to index
          %parallel_loop3A_928 = tpu.vector_load %parallel_loop3A_925[%parallel_loop3A_926, %parallel_loop3A_927] {strides = array<i32>} : memref<32x1024xf32, #tpu.memory_space<vmem>>, vector<1x16xf32>,
          %parallel_loop3A_929 = vector.shape_cast %parallel_loop3A_928 : vector<1x16xf32> to vector<16xf32>
          %parallel_loop3A_930 = arith.mulf %mul3A_609, %parallel_loop3A_929 : vector<16xf32>
          %parallel_loop3A_931 = arith.addf %parallel_loop3A_919, %parallel_loop3A_930 : vector<16xf32>
          %parallel_loop3A_932 = arith.constant 5 : i32
          %parallel_loop3A_933 = arith.addi %mul3A_168, %parallel_loop3A_932 : i32
          %parallel_loop3A_934 = arith.constant 0 : i32
          %parallel_loop3A_935 = arith.constant 0 : i32
          %parallel_loop3A_936 = tpu.memref_slice %arg10[%rem3A_92, %parallel_loop3A_934, %parallel_loop3A_935] : memref<2x32x1024xf32, #tpu.memory_space<vmem>> -> memref<1x32x1024xf32, #tpu.memory_space<vmem>>
          %parallel_loop3A_937 = tpu.memref_squeeze %parallel_loop3A_936 : memref<1x32x1024xf32, #tpu.memory_space<vmem>> -> memref<32x1024xf32, #tpu.memory_space<vmem>>
          %parallel_loop3A_938 = arith.index_cast %parallel_loop3A_933 : i32 to index
          %parallel_loop3A_939 = arith.index_cast %parallel_loop3A_863 : i32 to index
          %parallel_loop3A_940 = tpu.vector_load %parallel_loop3A_937[%parallel_loop3A_938, %parallel_loop3A_939] {strides = array<i32>} : memref<32x1024xf32, #tpu.memory_space<vmem>>, vector<1x16xf32>,
          %parallel_loop3A_941 = vector.shape_cast %parallel_loop3A_940 : vector<1x16xf32> to vector<16xf32>
          %parallel_loop3A_942 = arith.mulf %mul3A_692, %parallel_loop3A_941 : vector<16xf32>
          %parallel_loop3A_943 = arith.addf %parallel_loop3A_931, %parallel_loop3A_942 : vector<16xf32>
          %parallel_loop3A_944 = arith.constant 6 : i32
          %parallel_loop3A_945 = arith.addi %mul3A_168, %parallel_loop3A_944 : i32
          %parallel_loop3A_946 = arith.constant 0 : i32
          %parallel_loop3A_947 = arith.constant 0 : i32
          %parallel_loop3A_948 = tpu.memref_slice %arg10[%rem3A_92, %parallel_loop3A_946, %parallel_loop3A_947] : memref<2x32x1024xf32, #tpu.memory_space<vmem>> -> memref<1x32x1024xf32, #tpu.memory_space<vmem>>
          %parallel_loop3A_949 = tpu.memref_squeeze %parallel_loop3A_948 : memref<1x32x1024xf32, #tpu.memory_space<vmem>> -> memref<32x1024xf32, #tpu.memory_space<vmem>>
          %parallel_loop3A_950 = arith.index_cast %parallel_loop3A_945 : i32 to index
          %parallel_loop3A_951 = arith.index_cast %parallel_loop3A_863 : i32 to index
          %parallel_loop3A_952 = tpu.vector_load %parallel_loop3A_949[%parallel_loop3A_950, %parallel_loop3A_951] {strides = array<i32>} : memref<32x1024xf32, #tpu.memory_space<vmem>>, vector<1x16xf32>,
          %parallel_loop3A_953 = vector.shape_cast %parallel_loop3A_952 : vector<1x16xf32> to vector<16xf32>
          %parallel_loop3A_954 = arith.mulf %mul3A_775, %parallel_loop3A_953 : vector<16xf32>
          %parallel_loop3A_955 = arith.addf %parallel_loop3A_943, %parallel_loop3A_954 : vector<16xf32>
          %parallel_loop3A_956 = arith.constant 7 : i32
          %parallel_loop3A_957 = arith.addi %mul3A_168, %parallel_loop3A_956 : i32
          %parallel_loop3A_958 = arith.constant 0 : i32
          %parallel_loop3A_959 = arith.constant 0 : i32
          %parallel_loop3A_960 = tpu.memref_slice %arg10[%rem3A_92, %parallel_loop3A_958, %parallel_loop3A_959] : memref<2x32x1024xf32, #tpu.memory_space<vmem>> -> memref<1x32x1024xf32, #tpu.memory_space<vmem>>
          %parallel_loop3A_961 = tpu.memref_squeeze %parallel_loop3A_960 : memref<1x32x1024xf32, #tpu.memory_space<vmem>> -> memref<32x1024xf32, #tpu.memory_space<vmem>>
          %parallel_loop3A_962 = arith.index_cast %parallel_loop3A_957 : i32 to index
          %parallel_loop3A_963 = arith.index_cast %parallel_loop3A_863 : i32 to index
          %parallel_loop3A_964 = tpu.vector_load %parallel_loop3A_961[%parallel_loop3A_962, %parallel_loop3A_963] {strides = array<i32>} : memref<32x1024xf32, #tpu.memory_space<vmem>>, vector<1x16xf32>,
          %parallel_loop3A_965 = vector.shape_cast %parallel_loop3A_964 : vector<1x16xf32> to vector<16xf32>
          %parallel_loop3A_966 = arith.mulf %mul3A_858, %parallel_loop3A_965 : vector<16xf32>
          %parallel_loop3A_967 = arith.addf %parallel_loop3A_955, %parallel_loop3A_966 : vector<16xf32>
          %parallel_loop3A_968 = arith.constant 0 : i32
          %parallel_loop3A_969 = arith.constant 0 : i32
          %parallel_loop3A_970 = tpu.memref_slice %arg11[%rem3A_92, %parallel_loop3A_968, %parallel_loop3A_969] : memref<2x4x1024xf32, #tpu.memory_space<vmem>> -> memref<1x4x1024xf32, #tpu.memory_space<vmem>>
          %parallel_loop3A_971 = tpu.memref_squeeze %parallel_loop3A_970 : memref<1x4x1024xf32, #tpu.memory_space<vmem>> -> memref<4x1024xf32, #tpu.memory_space<vmem>>
          %parallel_loop3A_972 = arith.index_cast %scan3A_165 : i32 to index
          %parallel_loop3A_973 = arith.index_cast %parallel_loop3A_863 : i32 to index
          %parallel_loop3A_974 = tpu.vector_load %parallel_loop3A_971[%parallel_loop3A_972, %parallel_loop3A_973] {strides = array<i32>} : memref<4x1024xf32, #tpu.memory_space<vmem>>, vector<1x16xf32>,
          %parallel_loop3A_975 = vector.shape_cast %parallel_loop3A_974 : vector<1x16xf32> to vector<16xf32>
          %parallel_loop3A_976 = vector.shape_cast %parallel_loop3A_967 : vector<16xf32> to vector<1x16xf32>
          tpu.vector_store %parallel_loop3A_971[%parallel_loop3A_972, %parallel_loop3A_973], %parallel_loop3A_976 {strides = array<i32>} : memref<4x1024xf32, #tpu.memory_space<vmem>>, vector<1x16xf32>,
        } {sc.loop_unroll_factor = 32 : i64, sc.parallel_access}
        %scan3A_862 = arith.constant 0 : i32
        scf.yield %scan3A_862 : i32
      }
      %scan3A_149 = arith.constant 4 : i32
      %dma_start3A_150 = arith.constant 0 : i32
      %dma_start3A_151 = arith.constant 0 : i32
      %dma_start3A_152 = tpu.memref_slice %arg11[%rem3A_92, %dma_start3A_150, %dma_start3A_151] : memref<2x4x1024xf32, #tpu.memory_space<vmem>> -> memref<1x4x1024xf32, #tpu.memory_space<vmem>>
      %dma_start3A_153 = tpu.memref_squeeze %dma_start3A_152 : memref<1x4x1024xf32, #tpu.memory_space<vmem>> -> memref<4x1024xf32, #tpu.memory_space<vmem>>
      %dma_start3A_154 = arith.constant 0 : i32
      %dma_start3A_155 = tpu.memref_slice %arg6[%add3A_96, %dma_start3A_154] : memref<8192x1024xf32, #tpu.memory_space<hbm>> -> memref<4x1024xf32, #tpu.memory_space<hbm>>
      %dma_start3A_156 = tpu.memref_slice %arg15[%rem3A_92] : memref<2x!tpu.dma_semaphore, #tpu.memory_space<semaphore_mem>> -> memref<1x!tpu.dma_semaphore, #tpu.memory_space<semaphore_mem>>
      %dma_start3A_157 = tpu.memref_squeeze %dma_start3A_156 : memref<1x!tpu.dma_semaphore, #tpu.memory_space<semaphore_mem>> -> memref<!tpu.dma_semaphore, #tpu.memory_space<semaphore_mem>>
      %dma_start3A_158 = arith.constant 0 : i32
      %dma_start3A_159 = tpu.memref_slice %arg6[%add3A_96, %dma_start3A_158] : memref<8192x1024xf32, #tpu.memory_space<hbm>> -> memref<4x1024xf32, #tpu.memory_space<hbm>>
      %dma_start3A_160 = arith.constant 0 : i32
      %dma_start3A_161 = arith.constant 0 : i32
      %dma_start3A_162 = tpu.memref_slice %arg11[%rem3A_92, %dma_start3A_160, %dma_start3A_161] : memref<2x4x1024xf32, #tpu.memory_space<vmem>> -> memref<1x4x1024xf32, #tpu.memory_space<vmem>>
      %dma_start3A_163 = tpu.memref_squeeze %dma_start3A_162 : memref<1x4x1024xf32, #tpu.memory_space<vmem>> -> memref<4x1024xf32, #tpu.memory_space<vmem>>
      tpu.enqueue_dma source(%dma_start3A_163 : memref<4x1024xf32, #tpu.memory_space<vmem>>) target(%dma_start3A_159 : memref<4x1024xf32, #tpu.memory_space<hbm>>) target_semaphore(%dma_start3A_157 : memref<!tpu.dma_semaphore, #tpu.memory_space<semaphore_mem>>)
      %scan3A_164 = arith.constant 0 : i32
      scf.yield %scan3A_164 : i32
    }
    %scan3A_54 = arith.constant 64 : i32
    %add3A_55 = arith.constant 248 : i32
    %add3A_56 = arith.addi %mul3A_2, %add3A_55 : i32
    %dma_wait3A = arith.constant 0 : i32
    %dma_wait3A_57 = arith.constant 0 : i32
    %dma_wait3A_58 = arith.constant 0 : i32
    %dma_wait3A_59 = arith.constant 0 : i32
    %dma_wait3A_60 = tpu.memref_slice %arg11[%dma_wait3A, %dma_wait3A_58, %dma_wait3A_59] : memref<2x4x1024xf32, #tpu.memory_space<vmem>> -> memref<1x4x1024xf32, #tpu.memory_space<vmem>>
    %dma_wait3A_61 = tpu.memref_squeeze %dma_wait3A_60 : memref<1x4x1024xf32, #tpu.memory_space<vmem>> -> memref<4x1024xf32, #tpu.memory_space<vmem>>
    %dma_wait3A_62 = arith.constant 0 : i32
    %dma_wait3A_63 = tpu.memref_slice %arg6[%add3A_56, %dma_wait3A_62] : memref<8192x1024xf32, #tpu.memory_space<hbm>> -> memref<4x1024xf32, #tpu.memory_space<hbm>>
    %dma_wait3A_64 = tpu.memref_slice %arg15[%dma_wait3A_57] : memref<2x!tpu.dma_semaphore, #tpu.memory_space<semaphore_mem>> -> memref<1x!tpu.dma_semaphore, #tpu.memory_space<semaphore_mem>>
    %dma_wait3A_65 = tpu.memref_squeeze %dma_wait3A_64 : memref<1x!tpu.dma_semaphore, #tpu.memory_space<semaphore_mem>> -> memref<!tpu.dma_semaphore, #tpu.memory_space<semaphore_mem>>
    %dma_wait3A_66 = arith.constant 0 : i32
    %dma_wait3A_67 = tpu.memref_slice %arg6[%add3A_56, %dma_wait3A_66] : memref<8192x1024xf32, #tpu.memory_space<hbm>> -> memref<4x1024xf32, #tpu.memory_space<hbm>>
    %dma_wait3A_68 = arith.constant 0 : i32
    %dma_wait3A_69 = arith.constant 0 : i32
    %dma_wait3A_70 = tpu.memref_slice %arg11[%dma_wait3A, %dma_wait3A_68, %dma_wait3A_69] : memref<2x4x1024xf32, #tpu.memory_space<vmem>> -> memref<1x4x1024xf32, #tpu.memory_space<vmem>>
    %dma_wait3A_71 = tpu.memref_squeeze %dma_wait3A_70 : memref<1x4x1024xf32, #tpu.memory_space<vmem>> -> memref<4x1024xf32, #tpu.memory_space<vmem>>
    tpu.wait_dma2 semaphore(%dma_wait3A_65 : memref<!tpu.dma_semaphore, #tpu.memory_space<semaphore_mem>>) src(%dma_wait3A_71 : memref<4x1024xf32, #tpu.memory_space<vmem>>) dst(%dma_wait3A_67 : memref<4x1024xf32, #tpu.memory_space<hbm>>)
    %add3A_72 = arith.constant 252 : i32
    %add3A_73 = arith.addi %mul3A_2, %add3A_72 : i32
    %dma_wait3A_74 = arith.constant 1 : i32
    %dma_wait3A_75 = arith.constant 1 : i32
    %dma_wait3A_76 = arith.constant 0 : i32
    %dma_wait3A_77 = arith.constant 0 : i32
    %dma_wait3A_78 = tpu.memref_slice %arg11[%dma_wait3A_74, %dma_wait3A_76, %dma_wait3A_77] : memref<2x4x1024xf32, #tpu.memory_space<vmem>> -> memref<1x4x1024xf32, #tpu.memory_space<vmem>>
    %dma_wait3A_79 = tpu.memref_squeeze %dma_wait3A_78 : memref<1x4x1024xf32, #tpu.memory_space<vmem>> -> memref<4x1024xf32, #tpu.memory_space<vmem>>
    %dma_wait3A_80 = arith.constant 0 : i32
    %dma_wait3A_81 = tpu.memref_slice %arg6[%add3A_73, %dma_wait3A_80] : memref<8192x1024xf32, #tpu.memory_space<hbm>> -> memref<4x1024xf32, #tpu.memory_space<hbm>>
    %dma_wait3A_82 = tpu.memref_slice %arg15[%dma_wait3A_75] : memref<2x!tpu.dma_semaphore, #tpu.memory_space<semaphore_mem>> -> memref<1x!tpu.dma_semaphore, #tpu.memory_space<semaphore_mem>>
    %dma_wait3A_83 = tpu.memref_squeeze %dma_wait3A_82 : memref<1x!tpu.dma_semaphore, #tpu.memory_space<semaphore_mem>> -> memref<!tpu.dma_semaphore, #tpu.memory_space<semaphore_mem>>
    %dma_wait3A_84 = arith.constant 0 : i32
    %dma_wait3A_85 = tpu.memref_slice %arg6[%add3A_73, %dma_wait3A_84] : memref<8192x1024xf32, #tpu.memory_space<hbm>> -> memref<4x1024xf32, #tpu.memory_space<hbm>>
    %dma_wait3A_86 = arith.constant 0 : i32
    %dma_wait3A_87 = arith.constant 0 : i32
    %dma_wait3A_88 = tpu.memref_slice %arg11[%dma_wait3A_74, %dma_wait3A_86, %dma_wait3A_87] : memref<2x4x1024xf32, #tpu.memory_space<vmem>> -> memref<1x4x1024xf32, #tpu.memory_space<vmem>>
    %dma_wait3A_89 = tpu.memref_squeeze %dma_wait3A_88 : memref<1x4x1024xf32, #tpu.memory_space<vmem>> -> memref<4x1024xf32, #tpu.memory_space<vmem>>
    tpu.wait_dma2 semaphore(%dma_wait3A_83 : memref<!tpu.dma_semaphore, #tpu.memory_space<semaphore_mem>>) src(%dma_wait3A_89 : memref<4x1024xf32, #tpu.memory_space<vmem>>) dst(%dma_wait3A_85 : memref<4x1024xf32, #tpu.memory_space<hbm>>)
    return
  }
}

</mosaic_0001>

<sc_bundles>
// kernel: kernel.3.cloned.1.call-start
scs
__scs_entry_jumppad:
0x0: {  	(pc) =	sbr.rel $0x88, $3  }
0x1: {  	(tag) =	ssettag $0x0;
	lr =	simm.s32 $0x1  }
0x2: {  	[smem:$0x3F9D] =	sst lr;
	_ =	strace $0xD0000000  }
0x3: {  	_ = 	snop  }
0x4: {  	_ = 	snop  }
0x5: {  	_ = 	snop  }
0x6: {  	_ = 	snop  }
0x7: {  	_ = 	snop  }
__scs_overlays_trampoline_lowered:
0x8: {  	[smem:$0x3FAC] =	sst s0  }
0x9: {  	[smem:$0x3FAD] =	sst s1  }
0xa: {  	[smem:$0x3FAE] =	sst s2  }
0xb: {  	[smem:$0x3FAF] =	sst s3  }
0xc: {  	[smem:$0x3FB0] =	sst s4  }
0xd: {  	[smem:$0x3FB1] =	sst s5  }
0xe: {  	[smem:$0x3FB2] =	sst s6  }
0xf: {  	[smem:$0x3FB3] =	sst s7  }
0x10: {  	[smem:$0x3FB4] =	sst s8  }
0x11: {  	[smem:$0x3FB5] =	sst s9;
	s0 =	simm.s32 @!p0 $0x0  }
0x12: {  	s1 =	sld [smem:$0x3F9B];
	s0 =	simm.s32 @p0 $0x1  }
0x13: {  	[smem:$0x3FB6] =	sst s0;
	s0 =	simm.s32 @!p1 $0x0  }
0x14: {  	s2 =	sld [smem:$0x3F9A];
	s0 =	simm.s32 @p1 $0x1  }
0x15: {  	[smem:$0x3FB7] =	sst s0;
	s0 =	simm.s32 @!p2 $0x0  }
0x16: {  	s3 =	sld [smem:$0x3FDB];
	s0 =	simm.s32 @p2 $0x1  }
0x17: {  	s4 =	simm.s32 $0x1BF5;
	[smem:$0x3FB9] =	sst s0  }
0x18: {  	s0 =	sld [smem:$0x3F9C];
	_ =	swait.ge [sflag:s4], $0x0  }
0x19: {  	s7 =	sld [smem:$0x3F9D]  }
0x1a: {  	s8 =	sadd.s32 $0xFFFFE003, lr  }
0x1b: {  	s9 =	sadd.s32 $0xFFFFFEF7, lr;
	s5 =	simm.s32 $0xFFFFFFFF;
	p2 =	slt.u32 s8, $0xFFFFF086  }
0x1c: {  	p1 =	slt.u32 s9, $0xF7A;
	s5 =	simm.s32 @!p2 $0x0  }
0x1d: {  	s5 =	simm.s32 @p1 $0x1;
	p0 =	seq.s32 s7, s2  }
0x1e: {  	s7 =	smul.u32 @!p0 $0xF7A, s2;
	p2 =	seq.s32 @!p0 s5, $0x0  }
0x1f: {  	s9 =	smul.u32 $0xF7A, s1;
	s8 =	simm.s32 @!p0 $0x1BF5;
	p2 =	por !p2, p0  }
0x20: {  	[sflag:s8] =	ssyncset.s32 @!p0 $0xFFFFF086;
	s6 =	sadd.s32 @!p0 s3, s7;
	s7 =	simm.s32 @!p0 $0x108  }
0x21: {  	s3 =	sadd.s32 s3, s9;
	s6 =	sadd.s32 @!p0 $0x88, s6;
	s7 =	simm.s32 @p2 $0x1082  }
0x22: {  	[simem:s7], [sflag:s8] =	dma.local @!p0 [hbm:s6], $0xF7A  }
0x23: {  	s9 =	sor.u32 $0xD0000000, s2;
	s6 =	simm.s32 $0x108;
	_ =	swait.ge @!p0 [sflag:s8], $0x0  }
0x24: {  	s3 =	sadd.s32 $0x88, s3;
	s6 =	simm.s32 @!p1 $0x1082;
	[sflag:s4] =	ssyncset.s32 $0xFFFFF086  }
0x25: {  	[simem:s6], [sflag:s4] =	dma.local [hbm:s3], $0xF7A  }
0x26: {  	[smem:$0x3F9D] =	sst s1;
	(tag) =	ssettag s2;
	_ =	strace s9  }
0x27: {  	s1 =	sld [smem:$0x3FAD]  }
0x28: {  	s2 =	sld [smem:$0x3FAE]  }
0x29: {  	s4 =	sld [smem:$0x3FB0]  }
0x2a: {  	p0 =	seq.s32 s5, $0x0;
	s5 =	sld [smem:$0x3FB1]  }
0x2b: {  	s6 =	sld [smem:$0x3FB2]  }
0x2c: {  	s7 =	sld [smem:$0x3FB3]  }
0x2d: {  	s3 =	simm.s32 $0x108;
	s8 =	sld [smem:$0x3FB4]  }
0x2e: {  	s3 =	simm.s32 @!p0 $0x1082;
	s9 =	sld [smem:$0x3FB5]  }
0x2f: {  	lr =	sadd.s32 s0, s3;
	s0 =	sld [smem:$0x3FAC]  }
0x30: {  	s3 =	sld [smem:$0x3FAF]  }
0x31: {  	[smem:$0x3FB8] =	sst s10  }
0x32: {  	s10 =	sld [smem:$0x3FB6];
	_ =	sdelay $0x3  }
0x33: {  	p0 =	seq.s32 s10, $0x1;
	s10 =	sld [smem:$0x3FB8];
	_ =	sdelay $0x3  }
0x34: {  	[smem:$0x3FB8] =	sst s10  }
0x35: {  	s10 =	sld [smem:$0x3FB7];
	_ =	sdelay $0x3  }
0x36: {  	p1 =	seq.s32 s10, $0x1;
	s10 =	sld [smem:$0x3FB8];
	_ =	sdelay $0x3  }
0x37: {  	[smem:$0x3FB8] =	sst s10  }
0x38: {  	s10 =	sld [smem:$0x3FB9]  }
0x39: {  	_ = 	snop;
	(pc) =	sbr.ind lr, $3  }
0x3a: {  	_ = 	snop  }
0x3b: {  	_ = 	snop  }
0x3c: {  	p2 =	seq.s32 s10, $0x1;
	s10 =	sld [smem:$0x3FB8]  }
0x3d: {  	_ =	shalt  }
0x3e: {  	_ =	shalt  }
0x3f: {  	_ =	shalt  }
0x40: {  	_ =	shalt  }
0x41: {  	_ =	shalt  }
0x42: {  	_ =	shalt  }
0x43: {  	_ =	shalt  }
0x44: {  	_ =	shalt  }
0x45: {  	_ =	shalt  }
0x46: {  	_ =	shalt  }
0x47: {  	_ =	shalt  }
0x48: {  	_ =	shalt  }
0x49: {  	_ =	shalt  }
0x4a: {  	_ =	shalt  }
0x4b: {  	_ =	shalt  }
0x4c: {  	_ =	shalt  }
0x4d: {  	_ =	shalt  }
0x4e: {  	_ =	shalt  }
0x4f: {  	_ =	shalt  }
0x50: {  	_ =	shalt  }
0x51: {  	_ =	shalt  }
0x52: {  	_ =	shalt  }
0x53: {  	_ =	shalt  }
0x54: {  	_ =	shalt  }
0x55: {  	_ =	shalt  }
0x56: {  	_ =	shalt  }
0x57: {  	_ =	shalt  }
0x58: {  	_ =	shalt  }
0x59: {  	_ =	shalt  }
0x5a: {  	_ =	shalt  }
0x5b: {  	_ =	shalt  }
0x5c: {  	_ =	shalt  }
0x5d: {  	_ =	shalt  }
0x5e: {  	_ =	shalt  }
0x5f: {  	_ =	shalt  }
0x60: {  	_ =	shalt  }
0x61: {  	_ =	shalt  }
0x62: {  	_ =	shalt  }
0x63: {  	_ =	shalt  }
0x64: {  	_ =	shalt  }
0x65: {  	_ =	shalt  }
0x66: {  	_ =	shalt  }
0x67: {  	_ =	shalt  }
0x68: {  	_ =	shalt  }
0x69: {  	_ =	shalt  }
0x6a: {  	_ =	shalt  }
0x6b: {  	_ =	shalt  }
0x6c: {  	_ =	shalt  }
0x6d: {  	_ =	shalt  }
0x6e: {  	_ =	shalt  }
0x6f: {  	_ =	shalt  }
0x70: {  	_ =	shalt  }
0x71: {  	_ =	shalt  }
0x72: {  	_ =	shalt  }
0x73: {  	_ =	shalt  }
0x74: {  	_ =	shalt  }
0x75: {  	_ =	shalt  }
0x76: {  	_ =	shalt  }
0x77: {  	_ =	shalt  }
0x78: {  	_ =	shalt  }
0x79: {  	_ =	shalt  }
0x7a: {  	_ =	shalt  }
0x7b: {  	_ =	shalt  }
0x7c: {  	_ =	shalt  }
0x7d: {  	_ =	shalt  }
0x7e: {  	_ =	shalt  }
0x7f: {  	_ =	shalt  }
0x80: {  	_ =	shalt  }
0x81: {  	_ =	shalt  }
0x82: {  	_ =	shalt  }
0x83: {  	_ =	shalt  }
0x84: {  	_ =	shalt  }
0x85: {  	_ =	shalt  }
0x86: {  	_ =	shalt  }
0x87: {  	_ =	shalt  }
.Lfunc_end0:
.L_simem_size_0:
called_computation_lowered:
.L_overlay_start_0:
0x88: {  	s2 =	sld [smem:$0x3FD9]  }
0x89: {  	s3 =	sld [smem:$0x3FFE];
	_ =	sdelay $0x1  }
0x8a: {  	s1 =	srdreg.scid  }
0x8b: {  	s0 =	sand.u32 $0x1, s1  }
0x8c: {  	s17 =	sshll.u32 s0, $0xA;
	s2 =	sadd.s32 s3, s2  }
0x8d: {  	s2 =	sadd.s32 s2, s17  }
0x8e: {  	[smem:$0x3FC4] =	sst s2  }
0x8f: {  	_ = 	snop  }
0x90: {  	s2 =	sld [smem:$0x3FC9]  }
0x91: {  	s18 =	sld [smem:$0x3FC6]  }
0x92: {  	s4 =	sld [smem:$0x3FD0];
	(tm) =	ssettm $0x1  }
0x93: {  	s5 =	sld [smem:$0x3FFB];
	_ =	sdelay $0x3  }
0x94: {  	_ =	strace s5  }
0x95: {  	s5 =	sld [smem:$0x3FFC];
	_ =	sdelay $0x3  }
0x96: {  	_ =	strace s5  }
0x97: {  	s5 =	sld [smem:$0x3FFD];
	_ =	sdelay $0x3  }
0x98: {  	_ =	strace s5  }
0x99: {  	_ =	strace $0x8FFFFFFF  }
0x9a: {  	s19 =	sld [smem:$0x3FDB];
	_ =	sdelay $0x1  }
0x9b: {  	s6 =	simm.s32 $_scs_section_size  }
0x9c: {  	s7 =	simm.s32 $_size__tile_overlayer_lowered;
	s8 =	simm.s32 $_tile_overlayer_lowered  }
0x9d: {  	s22 =	simm.s32 $0x1BFF;
	s21 =	sshll.u32 s8, $0x1;
	s5 =	sadd.s32 s6, s19  }
0x9e: {  	s9 =	simm.s32 $0x0;
	s20 =	sshll.u32 s7, $0x1;
	s7 =	sadd.s32 s21, s5  }
0x9f: {  	[timem:s9], [sflag:s22] =	dma.local [hbm:s7], s20  }
0xa0: {  	_ =	swait.ge [sflag:s22], s20  }
0xa1: {  	s6 =	ssub.s32 $0x0, s20;
	[sflag:s22] =	ssyncset.done $0x0  }
0xa2: {  	[sflag:s22] =	ssyncadd.s32 s6;
	_ =	sdelay $0x1  }
0xa3: {  	s23 =	simm.s32 $0x1B8B  }
0xa4: {  	_ =	swait.ge [sflag:s23], $0x1  }
0xa5: {  	[sflag:s23] =	ssyncset.done $0x0  }
0xa6: {  	s25 =	simm.s32 $0x1B8E;
	s24 =	sld [smem:$0x3FFE];
	[sflag:s23] =	ssyncadd.s32 $0xFFFFFFFF  }
0xa7: {  	s26 =	simm.s32 $execute0_lowered;
	[smem:$0x3FD2] =	sst s25  }
0xa8: {  	s7 =	sshll.u32 s26, $0x1;
	_ =	strace $0x80000046;
	[dreg:$0x1] =	wrdreg $0xFFFFFFFF  }
0xa9: {  	s28 =	simm.s32 $_size_execute0_lowered;
	s5 =	sadd.s32 s5, s7;
	[dreg:$0x0] =	wrdreg $0x0  }
0xaa: {  	s7 =	sshll.u32 s28, $0x1;
	[dreg:$0x2] =	wrdreg s5  }
0xab: {  	[dreg:$0x3] =	wrdreg s7  }
0xac: {  	[dreg:$0x4] =	wrdreg $0xC0  }
0xad: {  	_ =	task [dreg:s9], $0x5FFFF  }
0xae: {  	[dreg:$0x1] =	wrdreg $0xFFFFFFFF  }
0xaf: {  	[dreg:$0x0] =	wrdreg $0x60  }
0xb0: {  	[dreg:$0x2] =	wrdreg s2  }
0xb1: {  	[dreg:$0x3] =	wrdreg s24  }
0xb2: {  	[dreg:$0x4] =	wrdreg s18  }
0xb3: {  	[dreg:$0x5] =	wrdreg s4  }
0xb4: {  	[dreg:$0x6] =	wrdreg $0x9  }
0xb5: {  	_ =	task.clear_ibuf [dreg:s9], $0x7FFFF;
	_ =	strace $0x90000046  }
0xb6: {  	s29 =	simm.s32 $0x9;
	_ =	strace $0x80000048  }
0xb7: {  	_ =	swait.ge [sflag:s29], $0x1  }
0xb8: {  	[sflag:s29] =	ssyncadd.s32 $0xFFFFFFFF  }
0xb9: {  	_ =	strace $0x90000048  }
0xba: {  	_ =	sfence  }
0xbb: {  	s30 =	sld [smem:$0x0];
	_ =	sdelay $0x2  }
0xbc: {  	s31 =	sshll.u32 s1, $0xD;
	s1 =	sshrl.u32 s1, $0x2  }
0xbd: {  	s3 =	sand.u32 $0x4000, s31;
	s1 =	sadd.s32 s1, s30  }
0xbe: {  	s0 =	sor.u32 s3, s0;
	s1 =	sshll.u32 s1, $0x11  }
0xbf: {  	s0 =	sor.u32 s1, s0  }
0xc0: {  	s0 =	sadd.s32 $0x8F2B, s0  }
0xc1: {  	[sflag:s0] =	ssyncadd.remote.s32 $0x1  }
0xc2: {  	_ =	sfence.sel $0xFFFF  }
0xc3: {  	[dreg:$0x0] =	wrdreg $0xFFFFFFFF;
	(pc) =	sbr.abs _section_cstart, $3  }
0xc4: {  	[dreg:$0x1] =	wrdreg $0xFFFFFFFF  }
0xc5: {  	_ =	task.clear_ibuf [dreg:s9], $0x2FFFF;
	_ =	strace $0x9FFFFFFF  }
0xc6: {  	(tm) =	ssettm $0x7FFFFFFF  }
0xc7: {  	_ =	shalt  }
tec
execute0_lowered:
.L_overlay_start_1:
0x0: {  	(tag) =	ssettag $0x1  }
0x1: {  	v0 =	vimm.s32 $0xBA98FEDC;
	v1 =	vimm.s32 $0x76543210;
	v2 =	vimm.s32 $0xFEDCBA98  }
0x2: {  	v3 =	vimm.s32 $0x32107654;
	v4 =	vimm.s32 $0xDCFE98BA;
	v5 =	vimm.s32 $0x54761032  }
0x3: {  	s11 =	rddreg [dreg:$0x0];
	v6 =	vimm.s32 $0xEFCDAB89;
	v7 =	vimm.s32 $0x67452301;
	v58 =	vlaneseq.u32  }
0x4: {  	s0 =	rddreg [dreg:$0x1];
	v0 =	vunpack.c.l.s4.s8 v0;
	v1 =	vunpack.c.l.s4.s8 v1;
	v3 =	vunpack.c.l.s4.s8 v3  }
0x5: {  	s3 =	rddreg [dreg:$0x2];
	v4 =	vunpack.c.l.s4.s8 v4;
	v5 =	vunpack.c.l.s4.s8 v5;
	v6 =	vunpack.c.l.s4.s8 v6  }
0x6: {  	s1 =	rddreg [dreg:$0x3];
	v7 =	vunpack.c.l.s4.s8 v7;
	v2 =	vunpack.c.l.s4.s8 v2;
	v59 =	vshrl.u32 v58, $0x3  }
0x7: {  	s2 =	srdreg.scid;
	s5 =	stileid.u32;
	s4 =	simm.s32 $0x0;
	v60 =	vand.u32 $0x7, v58;
	v61 =	vor.u32 $0x8, v58;
	v0 =	vunpack.c.0.s8.s32 v0  }
0x8: {  	s2 =	sand.u32 $0x1, s2;
	s5 =	sshll.u32 s5, $0x1;
	[smem:$0x7FF] =	sst s4;
	v4 =	vunpack.c.0.s8.s32 v4;
	v5 =	vunpack.c.0.s8.s32 v5;
	v2 =	vunpack.c.0.s8.s32 v2  }
0x9: {  	s13 =	sadd.s32 $0x2400, s0;
	s8 =	sadd.s32 $0x100, s3;
	s9 =	sadd.s32 $0x200, s3;
	v3 =	vunpack.c.0.s8.s32 v3;
	v56 =	vunpack.c.0.s8.s32 v6;
	v1 =	vunpack.c.0.s8.s32 v1  }
0xa: {  	s5 =	sor.u32 s2, s5;
	s2 =	ssub.s32 $0x2, s2;
	_ =	strace $0x80000047;
	[tilespmem:$0x1FF90] =	vst v60;
	v4 =	vcombine.low v5, v4;
	v5 =	vmul.u32 $0x8, v59;
	v2 =	vand.u32 $0xF, v2  }
0xb: {  	[dreg:$0x6] =	wrdreg s13;
	[tilespmem:$0x1FFB0] =	vst v61;
	s12 =	sshll.u32 s5, $0x8;
	s30 =	sshll.u32 s5, $0xF;
	v57 =	vunpack.c.0.s8.s32 v7;
	v0 =	vcombine.low v3, v0;
	v1 =	vcombine.low v2, v1  }
0xc: {  	s6 =	sshrl.u32 s2, $0x1;
	s5 =	sadd.s32 s11, s30;
	[dreg:$0x5] =	wrdreg s12;
	[tilespmem:$0x1FFA0] =	vst v5  }
0xd: {  	s7 =	sadd.s32 s12, s0;
	s31 =	sadd.s32 s13, s12;
	[dreg:$0x8] =	wrdreg s5;
	v3 =	vcombine.low v57, v56;
	v0 =	vand.u32 $0xF, v0;
	[tilespmem:$0x1FFC0] =	vst v1  }
0xe: {  	s28 =	ssub.s32 s2, s6;
	s29 =	sadd.s32 $0x400, s7;
	[dreg:$0x9] =	wrdreg s31;
	v62 =	vand.u32 $0xF, v4;
	[tilespmem:$0x1FFD0] =	vst v0  }
0xf: {  	s10 =	sadd.s32 $0x300, s3;
	s0 =	smax.u32 s28, $0x1;
	[dreg:$0x7] =	wrdreg s29;
	v63 =	vand.u32 $0xF, v3;
	[tilespmem:$0x1FFE0] =	vst v62  }
0x10: {  	vm0 =	vmmov $0xffff;
	s13 =	sadd.s32 s1, s30;
	s2 =	simm.s32 $0x0;
	[dreg:$0xa] =	wrdreg s0;
	[tilespmem:$0x1FFF0] =	vst v63  }
.LBB2_1:
0x11: {  	[dreg:$0xb] =	wrdreg s2  }
0x12: {  	s0 =	rddreg [dreg:$0x7];
	s6 =	simm.s32 $0x9  }
0x13: {  	[tilespmem:s4], [sflag:$0x9] =	stream.linear.gather [hbm4b:s0+s4], $0x800, $0x38;
	[tilespmem:$0x14900] =	vst v63  }
0x14: {  	_ =	swait.ge [sflag:s6], $0x800  }
0x15: {  	[sflag:s6] =	ssyncset.done $0x0  }
0x16: {  	[sflag:s6] =	ssyncadd.s32 $0xFFFFF800  }
0x17: {  	v0 =	vld [tilespmem:$0x0];
	_ =	sdelay $0x2  }
0x18: {  	v2 =	vld [tilespmem:$0x1FF90];
	_ =	sdelay $0x1  }
0x19: {  	v3 =	vld [tilespmem:$0x1FFA0];
	v1 =	vshll.u32 v0, $0x3  }
0x1a: {  	v0 =	vand.u32 $0x7, v0;
	v1 =	vand.u32 $0xFFFFFFC0, v1  }
0x1b: {  	v0 =	vor.u32 v0, v1  }
0x1c: {  	v1 =	vperm.xlane v0, v2;
	_ =	sdelay $0x1  }
0x1d: {  	v1 =	vadd.s32 v3, v1  }
0x1e: {  	v4 =	vld [tilespmem:$0x1FFB0];
	_ =	sdelay $0x2  }
0x1f: {  	s7 =	simm.s32 $0x2900  }
0x20: {  	[tilespmem:s7], [sflag:$0x1] =	stream.indirect_vreg.gather [hbm4b:s3+s4], $0x80, v1, vm0, $0xb8;
	[tilespmem:$0x14900] =	vst v63  }
0x21: {  	s11 =	simm.s32 $0x3100;
	v0 =	vperm.xlane v0, v4  }
0x22: {  	[tilespmem:s11], [sflag:$0x1] =	stream.indirect_vreg.gather [hbm4b:s8+s4], $0x80, v1, vm0, $0xb8;
	[tilespmem:$0x14900] =	vst v63  }
0x23: {  	s12 =	simm.s32 $0x3900;
	v0 =	vadd.s32 v3, v0  }
0x24: {  	[tilespmem:s12], [sflag:$0x1] =	stream.indirect_vreg.gather [hbm4b:s9+s4], $0x80, v1, vm0, $0xb8;
	[tilespmem:$0x14900] =	vst v63  }
0x25: {  	s14 =	simm.s32 $0x4100  }
0x26: {  	[tilespmem:s14], [sflag:$0x1] =	stream.indirect_vreg.gather [hbm4b:s10+s4], $0x80, v1, vm0, $0xb8;
	[tilespmem:$0x14900] =	vst v63  }
0x27: {  	s15 =	simm.s32 $0x4900  }
0x28: {  	[tilespmem:s15], [sflag:$0x1] =	stream.indirect_vreg.gather [hbm4b:s3+s4], $0x80, v0, vm0, $0xb8;
	[tilespmem:$0x14900] =	vst v63  }
0x29: {  	s16 =	simm.s32 $0x5100  }
0x2a: {  	[tilespmem:s16], [sflag:$0x1] =	stream.indirect_vreg.gather [hbm4b:s8+s4], $0x80, v0, vm0, $0xb8;
	[tilespmem:$0x14900] =	vst v63  }
0x2b: {  	s17 =	simm.s32 $0x5900  }
0x2c: {  	[tilespmem:s17], [sflag:$0x1] =	stream.indirect_vreg.gather [hbm4b:s9+s4], $0x80, v0, vm0, $0xb8;
	[tilespmem:$0x14900] =	vst v63  }
0x2d: {  	s18 =	simm.s32 $0x6100  }
0x2e: {  	[tilespmem:s18], [sflag:$0x1] =	stream.indirect_vreg.gather [hbm4b:s10+s4], $0x80, v0, vm0, $0xb8;
	[tilespmem:$0x14900] =	vst v63  }
0x2f: {  	v0 =	vld [tilespmem:$0x10];
	_ =	sdelay $0x4  }
0x30: {  	v63 =	vshll.u32 v0, $0x3  }
0x31: {  	v0 =	vand.u32 $0x7, v0;
	v1 =	vand.u32 $0xFFFFFFC0, v63  }
0x32: {  	v0 =	vor.u32 v0, v1  }
0x33: {  	v1 =	vperm.xlane v0, v2;
	_ =	sdelay $0x1  }
0x34: {  	v1 =	vadd.s32 v3, v1;
	_ =	sdelay $0x3  }
0x35: {  	s19 =	simm.s32 $0x6900  }
0x36: {  	[tilespmem:s19], [sflag:$0x1] =	stream.indirect_vreg.gather [hbm4b:s3+s4], $0x80, v1, vm0, $0xb8;
	[tilespmem:$0x14900] =	vst v63  }
0x37: {  	s20 =	simm.s32 $0x7100;
	v0 =	vperm.xlane v0, v4  }
0x38: {  	[tilespmem:s20], [sflag:$0x1] =	stream.indirect_vreg.gather [hbm4b:s8+s4], $0x80, v1, vm0, $0xb8;
	[tilespmem:$0x14900] =	vst v63  }
0x39: {  	s21 =	simm.s32 $0x7900;
	v0 =	vadd.s32 v3, v0  }
0x3a: {  	[tilespmem:s21], [sflag:$0x1] =	stream.indirect_vreg.gather [hbm4b:s9+s4], $0x80, v1, vm0, $0xb8;
	[tilespmem:$0x14900] =	vst v63  }
0x3b: {  	s22 =	simm.s32 $0x8100  }
0x3c: {  	[tilespmem:s22], [sflag:$0x1] =	stream.indirect_vreg.gather [hbm4b:s10+s4], $0x80, v1, vm0, $0xb8;
	[tilespmem:$0x14900] =	vst v63  }
0x3d: {  	s23 =	simm.s32 $0x8900  }
0x3e: {  	[tilespmem:s23], [sflag:$0x1] =	stream.indirect_vreg.gather [hbm4b:s3+s4], $0x80, v0, vm0, $0xb8;
	[tilespmem:$0x14900] =	vst v63  }
0x3f: {  	s24 =	simm.s32 $0x9100  }
0x40: {  	[tilespmem:s24], [sflag:$0x1] =	stream.indirect_vreg.gather [hbm4b:s8+s4], $0x80, v0, vm0, $0xb8;
	[tilespmem:$0x14900] =	vst v63  }
0x41: {  	s25 =	simm.s32 $0x9900  }
0x42: {  	[tilespmem:s25], [sflag:$0x1] =	stream.indirect_vreg.gather [hbm4b:s9+s4], $0x80, v0, vm0, $0xb8;
	[tilespmem:$0x14900] =	vst v63  }
0x43: {  	s26 =	simm.s32 $0xA100;
	s1 =	simm.s32 $0x200  }
0x44: {  	[tilespmem:s26], [sflag:$0x1] =	stream.indirect_vreg.gather [hbm4b:s10+s4], $0x80, v0, vm0, $0xb8;
	[tilespmem:$0x14900] =	vst v63  }
0x45: {  	s29 =	simm.s32 $0x400;
	s5 =	simm.s32 $0x900;
	s28 =	rddreg [dreg:$0x8]  }
0x46: {  	[tilespmem:s5], [sflag:$0x3] =	stream.strided.gather [hbm4b:s28+s1], $0x1000, s29, s1, $0x38;
	[tilespmem:$0x14900] =	vst v63  }
0x47: {  	s31 =	simm.s32 $0x800;
	s0 =	simm.s32 $0x0;
	s30 =	rddreg [dreg:$0x9]  }
0x48: {  	[tilespmem:s31], [sflag:$0x5] =	stream.linear.gather [hbm4b:s30+s4], $0x20, $0x38;
	[tilespmem:$0x14900] =	vst v63  }
.LBB2_2:
0x49: {  	p0 =	seq.s32 s0, $0x3F  }
.Ltmp0:
0x4a: {  	_ = 	snop;
	(pc) =	sbr.rel @p0 .LBB2_4-.Ltmp0, $2  }
0x4b: {  	_ =	sdelay $0x2  }
0x4c: {  	s23 =	sand.u32 $0x1, s0;
	s22 =	sadd.s32 $0x1, s0  }
0x4d: {  	s1 =	sshll.u32 s22, $0x5  }
0x4e: {  	s1 =	sand.u32 $0x3FFFFFE0, s1  }
0x4f: {  	v0 =	vld [tilespmem:s1+$0x0];
	_ =	sdelay $0x2  }
0x50: {  	v2 =	vld [tilespmem:$0x1FF90];
	_ =	sdelay $0x1  }
0x51: {  	v3 =	vld [tilespmem:$0x1FFA0];
	v1 =	vshll.u32 v0, $0x3  }
0x52: {  	v0 =	vand.u32 $0x7, v0;
	v1 =	vand.u32 $0xFFFFFFC0, v1  }
0x53: {  	v0 =	vor.u32 v0, v1  }
0x54: {  	v1 =	vperm.xlane v0, v2;
	_ =	sdelay $0x1  }
0x55: {  	v1 =	vadd.s32 v3, v1  }
0x56: {  	v4 =	vld [tilespmem:$0x1FFB0]  }
0x57: {  	s2 =	sxor.u32 $0x1, s23  }
0x58: {  	s5 =	sshll.u32 s2, $0xF  }
0x59: {  	s7 =	sadd.s32 $0x1, s2;
	s6 =	sor.u32 $0x2900, s5  }
0x5a: {  	[tilespmem:s6], [sflag:s7] =	stream.indirect_vreg.gather [hbm4b:s3+s4], $0x80, v1, vm0, $0xb8;
	[tilespmem:$0x14900] =	vst v63  }
0x5b: {  	s24 =	sor.u32 $0x3100, s5;
	v0 =	vperm.xlane v0, v4  }
0x5c: {  	[tilespmem:s24], [sflag:s7] =	stream.indirect_vreg.gather [hbm4b:s8+s4], $0x80, v1, vm0, $0xb8;
	[tilespmem:$0x14900] =	vst v63  }
0x5d: {  	s25 =	sor.u32 $0x3900, s5;
	v0 =	vadd.s32 v3, v0  }
0x5e: {  	[tilespmem:s25], [sflag:s7] =	stream.indirect_vreg.gather [hbm4b:s9+s4], $0x80, v1, vm0, $0xb8;
	[tilespmem:$0x14900] =	vst v63  }
0x5f: {  	s26 =	sor.u32 $0x4100, s5  }
0x60: {  	[tilespmem:s26], [sflag:s7] =	stream.indirect_vreg.gather [hbm4b:s10+s4], $0x80, v1, vm0, $0xb8;
	[tilespmem:$0x14900] =	vst v63  }
0x61: {  	s28 =	sor.u32 $0x4900, s5  }
0x62: {  	[tilespmem:s28], [sflag:s7] =	stream.indirect_vreg.gather [hbm4b:s3+s4], $0x80, v0, vm0, $0xb8;
	[tilespmem:$0x14900] =	vst v63  }
0x63: {  	s29 =	sor.u32 $0x5100, s5  }
0x64: {  	[tilespmem:s29], [sflag:s7] =	stream.indirect_vreg.gather [hbm4b:s8+s4], $0x80, v0, vm0, $0xb8;
	[tilespmem:$0x14900] =	vst v63  }
0x65: {  	s30 =	sor.u32 $0x5900, s5  }
0x66: {  	[tilespmem:s30], [sflag:s7] =	stream.indirect_vreg.gather [hbm4b:s9+s4], $0x80, v0, vm0, $0xb8;
	[tilespmem:$0x14900] =	vst v63  }
0x67: {  	s31 =	sor.u32 $0x6100, s5  }
0x68: {  	[tilespmem:s31], [sflag:s7] =	stream.indirect_vreg.gather [hbm4b:s10+s4], $0x80, v0, vm0, $0xb8;
	[tilespmem:$0x14900] =	vst v63  }
0x69: {  	v0 =	vld [tilespmem:s1+$0x10];
	_ =	sdelay $0x4  }
0x6a: {  	v63 =	vshll.u32 v0, $0x3  }
0x6b: {  	v0 =	vand.u32 $0x7, v0;
	v1 =	vand.u32 $0xFFFFFFC0, v63  }
0x6c: {  	v0 =	vor.u32 v0, v1  }
0x6d: {  	v1 =	vperm.xlane v0, v2;
	_ =	sdelay $0x1  }
0x6e: {  	v1 =	vadd.s32 v3, v1;
	_ =	sdelay $0x3  }
0x6f: {  	s11 =	sor.u32 $0x6900, s5  }
0x70: {  	[tilespmem:s11], [sflag:s7] =	stream.indirect_vreg.gather [hbm4b:s3+s4], $0x80, v1, vm0, $0xb8;
	[tilespmem:$0x14900] =	vst v63  }
0x71: {  	s20 =	sshll.u32 s22, $0x2;
	s21 =	rddreg [dreg:$0x5];
	s12 =	sor.u32 $0x7100, s5;
	v0 =	vperm.xlane v0, v4  }
0x72: {  	[tilespmem:s12], [sflag:s7] =	stream.indirect_vreg.gather [hbm4b:s8+s4], $0x80, v1, vm0, $0xb8;
	[tilespmem:$0x14900] =	vst v63  }
0x73: {  	s14 =	sor.u32 $0x7900, s5;
	s15 =	sadd.s32 $0x8100, s5;
	s16 =	sadd.s32 $0x8900, s5;
	v0 =	vadd.s32 v3, v0  }
0x74: {  	[tilespmem:s14], [sflag:s7] =	stream.indirect_vreg.gather [hbm4b:s9+s4], $0x80, v1, vm0, $0xb8;
	[tilespmem:$0x14900] =	vst v63  }
0x75: {  	s17 =	sadd.s32 $0x9100, s5;
	s18 =	sadd.s32 $0x9900, s5;
	s24 =	sshll.u32 s22, $0x6  }
0x76: {  	[tilespmem:s15], [sflag:s7] =	stream.indirect_vreg.gather [hbm4b:s10+s4], $0x80, v1, vm0, $0xb8;
	[tilespmem:$0x14900] =	vst v63  }
0x77: {  	s19 =	sadd.s32 $0xA100, s5;
	s5 =	sand.u32 $0x40, s24;
	s26 =	sshll.u32 s2, $0xC  }
0x78: {  	[tilespmem:s16], [sflag:s7] =	stream.indirect_vreg.gather [hbm4b:s3+s4], $0x80, v0, vm0, $0xb8;
	[tilespmem:$0x14900] =	vst v63  }
0x79: {  	s28 =	sadd.s32 $0x3, s2;
	s29 =	simm.s32 $0x200;
	s1 =	sadd.s32 s21, s20  }
0x7a: {  	[tilespmem:s17], [sflag:s7] =	stream.indirect_vreg.gather [hbm4b:s8+s4], $0x80, v0, vm0, $0xb8;
	[tilespmem:$0x14900] =	vst v63  }
0x7b: {  	s30 =	sshll.u32 s2, $0x7;
	s25 =	sshll.u32 s1, $0x7;
	s11 =	rddreg [dreg:$0x0]  }
0x7c: {  	[tilespmem:s18], [sflag:s7] =	stream.indirect_vreg.gather [hbm4b:s9+s4], $0x80, v0, vm0, $0xb8;
	[tilespmem:$0x14900] =	vst v63  }
0x7d: {  	s31 =	rddreg [dreg:$0x6];
	s6 =	sand.u32 $0xFFFFC00, s25;
	s5 =	sadd.s32 s11, s5  }
0x7e: {  	[tilespmem:s19], [sflag:s7] =	stream.indirect_vreg.gather [hbm4b:s10+s4], $0x80, v0, vm0, $0xb8;
	[tilespmem:$0x14900] =	vst v63  }
0x7f: {  	s5 =	sadd.s32 s6, s5;
	s12 =	simm.s32 $0x400;
	s7 =	sor.u32 $0x900, s26  }
0x80: {  	[tilespmem:s7], [sflag:s28] =	stream.strided.gather [hbm4b:s5+s29], $0x1000, s12, s29, $0x38;
	[tilespmem:$0x14900] =	vst v63  }
0x81: {  	s2 =	sadd.s32 $0x5, s2;
	s1 =	sadd.s32 s31, s1;
	s5 =	sor.u32 $0x800, s30  }
0x82: {  	[tilespmem:s5], [sflag:s2] =	stream.linear.gather [hbm4b:s1+s4], $0x20, $0x38;
	[tilespmem:$0x14900] =	vst v63  }
.LBB2_4:
0x83: {  	s1 =	sadd.s32 $0x1, s23  }
0x84: {  	_ =	swait.ge [sflag:s1], $0x8000  }
0x85: {  	[sflag:s1] =	ssyncset.done $0x0  }
0x86: {  	s25 =	sadd.s32 $0x3, s23;
	[sflag:s1] =	ssyncadd.s32 $0xFFFF8000  }
0x87: {  	_ =	swait.ge [sflag:s25], $0x1000  }
0x88: {  	s2 =	sshll.u32 s23, $0xF;
	s26 =	sshll.u32 s23, $0xC;
	[sflag:s25] =	ssyncset.done $0x0  }
0x89: {  	s30 =	sadd.s32 $0x5, s23;
	s5 =	sshll.u32 s0, $0x9;
	[sflag:s25] =	ssyncadd.s32 $0xFFFFF000  }
0x8a: {  	p0 =	slt.u32 s0, $0x2;
	s31 =	sshll.u32 s0, $0x6;
	_ =	swait.ge [sflag:s30], $0x20  }
0x8b: {  	s6 =	sshll.u32 s23, $0x7;
	s29 =	simm.s32 $0x0;
	[sflag:s30] =	ssyncset.done $0x0  }
0x8c: {  	s1 =	sadd.s32 @!p0 $0x7, s23;
	s25 =	sor.u32 $0x900, s26;
	[sflag:s30] =	ssyncadd.s32 $0xFFFFFFE0  }
0x8d: {  	s5 =	sand.u32 $0x7C00, s5;
	s6 =	sor.u32 $0x800, s6;
	v51 =	vmov s25;
	_ =	swait.ge @!p0 [sflag:s1], $0x1000  }
0x8e: {  	s0 =	sand.u32 $0x40, s31;
	v0 =	vmov s6;
	s26 =	sadd.s32 $0x12900, s26;
	[sflag:s1] =	ssyncset.done @!p0 $0x0  }
0x8f: {  	s24 =	sor.u32 $0x2900, s2;
	s28 =	sor.u32 s0, s5;
	v9 =	vmov s26;
	[tilespmem:$0x1FF80] =	vst v0;
	[sflag:s1] =	ssyncadd.s32 @!p0 $0xFFFFF000  }
.LBB2_5:
0x90: {  	s30 =	sshll.u32 s29, $0x7  }
0x91: {  	s0 =	sshll.u32 s29, $0xD;
	s20 =	simm.s32 $0x0;
	s5 =	simm.s32 $0x0  }
0x92: {  	s6 =	simm.s32 $0x0;
	s1 =	sand.u32 $0x3FFFFF80, s30;
	s0 =	sand.u32 $0x3FFFE000, s0  }
0x93: {  	s5 =	sand.u32 $0x70, s5;
	s2 =	sadd.s32 s1, s25;
	s1 =	sand.u32 $0x3FFFFE00, s20  }
0x94: {  	s6 =	sand.u32 $0x3FFFFC00, s6;
	s0 =	sadd.s32 s0, s24;
	s1 =	sadd.s32 s1, s2  }
0x95: {  	s6 =	sadd.s32 s6, s0;
	s1 =	sadd.s32 s5, s1  }
0x96: {  	s21 =	sadd.s32 s5, s6;
	v1 =	vld [tilespmem:s1+$0x0]  }
0x97: {  	v0 =	vld [tilespmem:s21+$0x380]  }
0x98: {  	v2 =	vld [tilespmem:s21+$0x0]  }
0x99: {  	v3 =	vld [tilespmem:s21+$0x80]  }
0x9a: {  	v4 =	vld [tilespmem:s21+$0x100]  }
0x9b: {  	v7 =	vld [tilespmem:s21+$0x180]  }
0x9c: {  	s31 =	simm.s32 $0x40;
	v11 =	vld [tilespmem:s21+$0x280]  }
0x9d: {  	s7 =	simm.s32 $0x80;
	s5 =	simm.s32 $0x10;
	s6 =	sand.u32 $0x3FFFFE00, s31;
	v10 =	vld [tilespmem:s21+$0x200]  }
0x9e: {  	s7 =	sand.u32 $0x3FFFFC00, s7;
	s11 =	sand.u32 $0x70, s5;
	s6 =	sadd.s32 s6, s2;
	v0 =	vmul.f32 v0, v1  }
0x9f: {  	s7 =	sadd.s32 s7, s0;
	v5 =	vld [tilespmem:s21+$0x300];
	s6 =	sadd.s32 s11, s6;
	v12 =	vmul.f32 v2, v1;
	v13 =	vmul.f32 v3, v1  }
0xa0: {  	v6 =	vimm.f32 $0.0e+00;
	s1 =	sadd.s32 s11, s7;
	v2 =	vld [tilespmem:s6+$0x0];
	v4 =	vmul.f32 v4, v1;
	v7 =	vmul.f32 v7, v1  }
0xa1: {  	v3 =	vld [tilespmem:s1+$0x380];
	v11 =	vmul.f32 v11, v1;
	v0 =	vadd.f32 v0, v6;
	v15 =	vadd.f32 v12, v6  }
0xa2: {  	v17 =	vld [tilespmem:s1+$0x0];
	v14 =	vadd.f32 v13, v6;
	v12 =	vadd.f32 v4, v6;
	v13 =	vmul.f32 v10, v1  }
0xa3: {  	v16 =	vld [tilespmem:s1+$0x80];
	v10 =	vadd.f32 v7, v6;
	v7 =	vimm.f32 $0.0e+00;
	v4 =	vimm.f32 $0.0e+00  }
.LBB2_6:
0xa4: {  	s5 =	sadd.s32 $0x10, s5;
	v18 =	vld [tilespmem:s1+$0x100];
	v6 =	vadd.f32 v13, v6;
	v5 =	vmul.f32 v5, v1  }
0xa5: {  	s6 =	sshll.u32 s5, $0x2;
	p0 =	slt.u32 s5, $0x3F0;
	v13 =	vld [tilespmem:s1+$0x180];
	v7 =	vadd.f32 v11, v7;
	v1 =	vmov v2  }
0xa6: {  	s7 =	sshll.u32 s5, $0x3;
	s6 =	sand.u32 $0x3FFFFE00, s6;
	v11 =	vld [tilespmem:s1+$0x200];
	v2 =	vmul.f32 v3, v1;
	v4 =	vadd.f32 v5, v4  }
0xa7: {  	s11 =	sand.u32 $0x70, s5;
	s7 =	sand.u32 $0x3FFFFC00, s7;
	s6 =	sadd.s32 s6, s2;
	v3 =	vmul.f32 v17, v1;
	v19 =	vld [tilespmem:s1+$0x280]  }
.Ltmp1:
0xa8: {  	s7 =	sadd.s32 s7, s0;
	s6 =	sadd.s32 s11, s6;
	v16 =	vmul.f32 v16, v1;
	v5 =	vld [tilespmem:s1+$0x300];
	v0 =	vadd.f32 v2, v0;
	(pc) =	sbr.rel @p0 .LBB2_6-.Ltmp1, $4  }
0xa9: {  	s1 =	sadd.s32 s11, s7;
	v2 =	vld [tilespmem:s6+$0x0];
	v15 =	vadd.f32 v3, v15;
	v18 =	vmul.f32 v18, v1  }
0xaa: {  	v3 =	vld [tilespmem:s1+$0x380];
	v14 =	vadd.f32 v16, v14;
	v20 =	vmul.f32 v13, v1  }
0xab: {  	v17 =	vld [tilespmem:s1+$0x0];
	v12 =	vadd.f32 v18, v12;
	v13 =	vmul.f32 v11, v1  }
0xac: {  	v16 =	vld [tilespmem:s1+$0x80];
	v10 =	vadd.f32 v20, v10;
	v11 =	vmul.f32 v19, v1  }
0xad: {  	_ =	sdelay $0x1  }
0xae: {  	v8 =	vld [tilespmem:$0x1FFC0]  }
0xaf: {  	v17 =	vmul.f32 v17, v2;
	_ =	sdelay $0x1  }
0xb0: {  	v15 =	vadd.f32 v17, v15  }
0xb1: {  	v18 =	vld [tilespmem:$0x1FFD0]  }
0xb2: {  	v17 =	vperm.xlane v15, v8;
	_ =	sdelay $0x1  }
0xb3: {  	v15 =	vadd.f32 v17, v15  }
0xb4: {  	v19 =	vld [tilespmem:$0x1FFE0]  }
0xb5: {  	v17 =	vperm.xlane v15, v18;
	_ =	sdelay $0x1  }
0xb6: {  	v15 =	vadd.f32 v17, v15  }
0xb7: {  	v20 =	vld [tilespmem:$0x1FFF0]  }
0xb8: {  	v17 =	vperm.xlane v15, v19  }
0xb9: {  	v16 =	vmul.f32 v16, v2  }
0xba: {  	v15 =	vadd.f32 v17, v15  }
0xbb: {  	v14 =	vadd.f32 v16, v14  }
0xbc: {  	v16 =	vperm.xlane v15, v20  }
0xbd: {  	v17 =	vperm.xlane v14, v8  }
0xbe: {  	v15 =	vadd.f32 v16, v15  }
0xbf: {  	v14 =	vadd.f32 v17, v14  }
0xc0: {  	v16 =	vld [tilespmem:s1+$0x100];
	v15 =	vadd.f32 v15, v15  }
0xc1: {  	v17 =	vperm.xlane v14, v18  }
0xc2: {  	v15 =	vmul.f32 $1.442695020e+00, v15  }
0xc3: {  	v14 =	vadd.f32 v17, v14  }
0xc4: {  	(erf) = vpow2.f32 v15  }
0xc5: {  	v16 =	vmul.f32 v16, v2;
	v15 =	vperm.xlane v14, v19;
	_ =	sdelay $0x1  }
0xc6: {  	v12 =	vadd.f32 v16, v12;
	v14 =	vadd.f32 v15, v14;
	_ =	sdelay $0x1  }
0xc7: {  	v16 =	vperm.xlane v12, v8;
	v15 =	vperm.xlane v14, v20;
	_ =	sdelay $0x1  }
0xc8: {  	v12 =	vadd.f32 v16, v12;
	v14 =	vadd.f32 v15, v14;
	_ =	sdelay $0x1  }
0xc9: {  	v16 =	vld [tilespmem:s1+$0x180];
	v17 =	vperm.xlane v12, v18;
	v14 =	vadd.f32 v14, v14;
	v15 =	vpop (erf)  }
0xca: {  	v15 =	vadd.f32 $1.000000000e+00, v15  }
0xcb: {  	v12 =	vadd.f32 v17, v12;
	v14 =	vmul.f32 $1.442695020e+00, v14  }
0xcc: {  	(erf) = vrcp.f32 v15  }
0xcd: {  	(erf) = vpow2.f32 v14;
	v14 =	vperm.xlane v12, v19  }
0xce: {  	v15 =	vmul.f32 v16, v2  }
0xcf: {  	v12 =	vadd.f32 v14, v12  }
0xd0: {  	v10 =	vadd.f32 v15, v10  }
0xd1: {  	v14 =	vperm.xlane v12, v20  }
0xd2: {  	v15 =	vperm.xlane v10, v8;
	_ =	sdelay $0x1  }
0xd3: {  	v10 =	vadd.f32 v15, v10;
	v12 =	vadd.f32 v14, v12  }
0xd4: {  	v14 =	vpop (erf)  }
0xd5: {  	v16 =	vld [tilespmem:s1+$0x200];
	v17 =	vperm.xlane v10, v18;
	v12 =	vadd.f32 v12, v12;
	v15 =	vpop (erf)  }
0xd6: {  	v15 =	vadd.f32 $1.000000000e+00, v15  }
0xd7: {  	v10 =	vadd.f32 v17, v10;
	v12 =	vmul.f32 $1.442695020e+00, v12  }
0xd8: {  	(erf) = vrcp.f32 v15  }
0xd9: {  	(erf) = vpow2.f32 v12;
	v12 =	vperm.xlane v10, v19  }
0xda: {  	v6 =	vadd.f32 v13, v6;
	v13 =	vmul.f32 v16, v2  }
0xdb: {  	v10 =	vadd.f32 v12, v10  }
0xdc: {  	v6 =	vadd.f32 v13, v6  }
0xdd: {  	v12 =	vperm.xlane v10, v20  }
0xde: {  	v13 =	vperm.xlane v6, v8;
	_ =	sdelay $0x1  }
0xdf: {  	v6 =	vadd.f32 v13, v6;
	v10 =	vadd.f32 v12, v10  }
0xe0: {  	v12 =	vpop (erf)  }
0xe1: {  	v15 =	vld [tilespmem:s1+$0x280];
	v16 =	vperm.xlane v6, v18;
	v10 =	vadd.f32 v10, v10;
	v13 =	vpop (erf)  }
0xe2: {  	v13 =	vadd.f32 $1.000000000e+00, v13  }
0xe3: {  	v6 =	vadd.f32 v16, v6;
	v10 =	vmul.f32 $1.442695020e+00, v10  }
0xe4: {  	(erf) = vrcp.f32 v13  }
0xe5: {  	(erf) = vpow2.f32 v10;
	v10 =	vperm.xlane v6, v19  }
0xe6: {  	v7 =	vadd.f32 v11, v7;
	v11 =	vmul.f32 v15, v2  }
0xe7: {  	v6 =	vadd.f32 v10, v6  }
0xe8: {  	v7 =	vadd.f32 v11, v7  }
0xe9: {  	v10 =	vperm.xlane v6, v20  }
0xea: {  	v11 =	vperm.xlane v7, v8;
	_ =	sdelay $0x1  }
0xeb: {  	v6 =	vadd.f32 v10, v6  }
0xec: {  	v7 =	vadd.f32 v11, v7;
	v10 =	vpop (erf)  }
0xed: {  	v6 =	vadd.f32 v6, v6;
	v11 =	vpop (erf)  }
0xee: {  	v13 =	vld [tilespmem:s1+$0x300];
	v15 =	vperm.xlane v7, v18;
	v11 =	vadd.f32 $1.000000000e+00, v11  }
0xef: {  	v6 =	vmul.f32 $1.442695020e+00, v6  }
0xf0: {  	v7 =	vadd.f32 v15, v7;
	(erf) = vrcp.f32 v11  }
0xf1: {  	v1 =	vmul.f32 v5, v1;
	(erf) = vpow2.f32 v6  }
0xf2: {  	v35 =	vperm.xlane v7, v19  }
0xf3: {  	v1 =	vadd.f32 v1, v4;
	v36 =	vmul.f32 v13, v2  }
0xf4: {  	v5 =	vadd.f32 v35, v7  }
0xf5: {  	v1 =	vadd.f32 v36, v1  }
0xf6: {  	v37 =	vperm.xlane v5, v20  }
0xf7: {  	v38 =	vperm.xlane v1, v8  }
0xf8: {  	v4 =	vadd.f32 v37, v5  }
0xf9: {  	v1 =	vadd.f32 v38, v1;
	v39 =	vpop (erf)  }
0xfa: {  	v4 =	vadd.f32 v4, v4;
	v40 =	vpop (erf)  }
0xfb: {  	v41 =	vperm.xlane v1, v18;
	v6 =	vadd.f32 $1.000000000e+00, v40  }
0xfc: {  	v4 =	vmul.f32 $1.442695020e+00, v4  }
0xfd: {  	v1 =	vadd.f32 v41, v1;
	(erf) = vrcp.f32 v6  }
0xfe: {  	(erf) = vpow2.f32 v4  }
0xff: {  	v42 =	vperm.xlane v1, v19  }
0x100: {  	v43 =	vmul.f32 v3, v2  }
0x101: {  	v1 =	vadd.f32 v42, v1  }
0x102: {  	v0 =	vadd.f32 v43, v0  }
0x103: {  	v44 =	vperm.xlane v1, v20  }
0x104: {  	v45 =	vperm.xlane v0, v8  }
0x105: {  	v1 =	vadd.f32 v44, v1  }
0x106: {  	v0 =	vadd.f32 v45, v0;
	v46 =	vpop (erf)  }
0x107: {  	v1 =	vadd.f32 v1, v1;
	v47 =	vpop (erf)  }
0x108: {  	v48 =	vperm.xlane v0, v18;
	v3 =	vadd.f32 $1.000000000e+00, v47  }
0x109: {  	v1 =	vmul.f32 $1.442695020e+00, v1  }
0x10a: {  	v0 =	vadd.f32 v48, v0;
	(erf) = vrcp.f32 v3  }
0x10b: {  	(erf) = vpow2.f32 v1  }
0x10c: {  	v49 =	vperm.xlane v0, v19;
	_ =	sdelay $0x1  }
0x10d: {  	v0 =	vadd.f32 v49, v0;
	_ =	sdelay $0x1  }
0x10e: {  	v1 =	vperm.xlane v0, v20;
	_ =	sdelay $0x1  }
0x10f: {  	v0 =	vadd.f32 v1, v0  }
0x110: {  	v50 =	vpop (erf)  }
0x111: {  	v0 =	vadd.f32 v0, v0;
	v52 =	vpop (erf)  }
0x112: {  	v3 =	vadd.f32 $1.000000000e+00, v52  }
0x113: {  	v0 =	vmul.f32 $1.442695020e+00, v0  }
0x114: {  	(erf) = vrcp.f32 v3  }
0x115: {  	(erf) = vpow2.f32 v0;
	_ =	sdelay $0x4  }
0x116: {  	v54 =	vld [tilespmem:$0x1FF80];
	_ =	sdelay $0x2  }
0x117: {  	v53 =	vpop (erf)  }
0x118: {  	v55 =	vpop (erf)  }
0x119: {  	v4 =	vadd.f32 $1.000000000e+00, v55  }
0x11a: {  	s16 =	sshll.u32 s29, $0x3;
	v56 =	vadd.f32 v14, v14  }
0x11b: {  	s2 =	sand.u32 $0x10, s16;
	s1 =	sand.u32 $0x8, s16;
	(erf) = vrcp.f32 v4  }
0x11c: {  	v57 =	vsub.f32 $1.000000000e+00, v56;
	v59 =	vadd.f32 v12, v12;
	s18 =	sor.u32 $0x2, s1;
	v3 =	vld.idx.msk [tilespmem:v54+s2+$0x0 ss:$0x1], $0xffff  }
0x11d: {  	v58 =	vmov s1;
	s20 =	sor.u32 $0x4, s1;
	s21 =	sor.u32 $0x5, s1;
	v12 =	vmov s18;
	v10 =	vadd.f32 v10, v10  }
0x11e: {  	s31 =	sor.u32 $0x6, s1;
	v60 =	vmov s20;
	v61 =	vmov s21;
	v7 =	vsub.f32 $1.000000000e+00, v59  }
0x11f: {  	s17 =	sor.u32 $0x1, s1;
	s19 =	sor.u32 $0x3, s1;
	v63 =	vmov s31;
	v13 =	vsub.f32 $1.000000000e+00, v10;
	v5 =	vadd.f32 v39, v39  }
0x120: {  	v10 =	vmov s19;
	v11 =	vmov s17;
	v2 =	vadd.f32 v46, v46  }
0x121: {  	v5 =	vsub.f32 $1.000000000e+00, v5;
	v1 =	vadd.f32 v50, v50;
	v6 =	vperm.xlane v3, v58  }
0x122: {  	v2 =	vsub.f32 $1.000000000e+00, v2;
	v11 =	vperm.xlane v3, v11;
	v12 =	vperm.xlane v3, v12  }
0x123: {  	v1 =	vsub.f32 $1.000000000e+00, v1;
	v14 =	vperm.xlane v3, v10;
	v10 =	vmul.f32 v57, v6  }
0x124: {  	v11 =	vmul.f32 v7, v11;
	v12 =	vmul.f32 v13, v12;
	v0 =	vadd.f32 v53, v53;
	v62 =	vpop (erf)  }
0x125: {  	s1 =	sor.u32 $0x7, s1;
	v13 =	vmul.f32 v5, v14;
	v5 =	vperm.xlane v3, v61;
	v6 =	vadd.f32 v62, v62  }
0x126: {  	v14 =	vmov s1;
	v7 =	vperm.xlane v3, v63;
	v0 =	vsub.f32 $1.000000000e+00, v0  }
0x127: {  	v4 =	vperm.xlane v3, v60;
	v3 =	vperm.xlane v3, v14;
	v6 =	vsub.f32 $1.000000000e+00, v6  }
0x128: {  	v18 =	vmov s0;
	v15 =	vmul.f32 v1, v5;
	v16 =	vmul.f32 v0, v7  }
0x129: {  	p0 =	por $0x1, $0x1;
	s2 =	simm.s32 $0x0;
	v14 =	vmul.f32 v2, v4;
	v17 =	vmul.f32 v6, v3  }
.LBB2_8:
0x12a: {  	s0 =	sshll.u32 s2, $0x2  }
0x12b: {  	s7 =	sshll.u32 s2, $0x3;
	s21 =	sadd.s32 s30, s0  }
0x12c: {  	s0 =	sand.u32 $0x3FFFFFF8, s7;
	v3 =	vld.idx.msk [tilespmem:v51+s21+$0x0 ss:$0x1], $0xffff  }
0x12d: {  	v0 =	vld.idx.msk [tilespmem:v18+s0+$0x0 ss:$0x1], $0xffff  }
0x12e: {  	v2 =	vld.idx.msk [tilespmem:v18+s0+$0x80 ss:$0x1], $0xffff  }
0x12f: {  	v6 =	vld.idx.msk [tilespmem:v18+s0+$0x100 ss:$0x1], $0xffff  }
0x130: {  	v19 =	vld.idx.msk [tilespmem:v18+s0+$0x180 ss:$0x1], $0xffff  }
0x131: {  	v22 =	vld.idx.msk [tilespmem:v18+s0+$0x200 ss:$0x1], $0xffff  }
0x132: {  	v27 =	vld.idx.msk [tilespmem:v18+s0+$0x280 ss:$0x1], $0xffff  }
0x133: {  	v31 =	vld.idx.msk [tilespmem:v18+s0+$0x300 ss:$0x1], $0xffff  }
0x134: {  	v37 =	vld.idx.msk [tilespmem:v18+s0+$0x380 ss:$0x1], $0xffff;
	s11 =	sor.u32 $0x10, s21  }
0x135: {  	v5 =	vld.idx.msk [tilespmem:v51+s11+$0x0 ss:$0x1], $0xffff  }
0x136: {  	v1 =	vld.idx.msk [tilespmem:v18+s0+$0x10 ss:$0x1], $0xffff  }
0x137: {  	v63 =	vld.idx.msk [tilespmem:v18+s0+$0x350 ss:$0x1], $0xffff;
	_ =	sdelay $0x4  }
0x138: {  	[tilespmem:$0x1F9E0] =	vst v63;
	v63 =	vld.idx.msk [tilespmem:v18+s0+$0x160 ss:$0x1], $0xffff;
	_ =	sdelay $0x4  }
0x139: {  	[tilespmem:$0x1F9B0] =	vst v63;
	v63 =	vld.idx.msk [tilespmem:v18+s0+$0x1E0 ss:$0x1], $0xffff;
	_ =	sdelay $0x4  }
0x13a: {  	[tilespmem:$0x1F9F0] =	vst v63;
	v63 =	vld.idx.msk [tilespmem:v18+s0+$0x260 ss:$0x1], $0xffff;
	_ =	sdelay $0x4  }
0x13b: {  	[tilespmem:$0x1FA20] =	vst v63;
	v63 =	vld.idx.msk [tilespmem:v18+s0+$0x2E0 ss:$0x1], $0xffff;
	_ =	sdelay $0x4  }
0x13c: {  	[tilespmem:$0x1FA50] =	vst v63;
	v63 =	vld.idx.msk [tilespmem:v18+s0+$0x360 ss:$0x1], $0xffff;
	_ =	sdelay $0x4  }
0x13d: {  	[tilespmem:$0x1FA70] =	vst v63;
	v63 =	vld.idx.msk [tilespmem:v18+s0+$0x3E0 ss:$0x1], $0xffff;
	_ =	sdelay $0x3  }
0x13e: {  	s15 =	sor.u32 $0x70, s21  }
0x13f: {  	[tilespmem:$0x1FAC0] =	vst v63;
	v63 =	vld.idx.msk [tilespmem:v51+s15+$0x0 ss:$0x1], $0xffff;
	_ =	sdelay $0x4  }
0x140: {  	[tilespmem:$0x1FA00] =	vst v63;
	v63 =	vld.idx.msk [tilespmem:v18+s0+$0x70 ss:$0x1], $0xffff;
	_ =	sdelay $0x4  }
0x141: {  	[tilespmem:$0x1F9D0] =	vst v63;
	v63 =	vld.idx.msk [tilespmem:v18+s0+$0xF0 ss:$0x1], $0xffff;
	_ =	sdelay $0x4  }
0x142: {  	[tilespmem:$0x1FA10] =	vst v63;
	v63 =	vld.idx.msk [tilespmem:v18+s0+$0x170 ss:$0x1], $0xffff;
	_ =	sdelay $0x4  }
0x143: {  	[tilespmem:$0x1FA40] =	vst v63;
	v63 =	vld.idx.msk [tilespmem:v18+s0+$0x1F0 ss:$0x1], $0xffff;
	_ =	sdelay $0x4  }
0x144: {  	[tilespmem:$0x1FA60] =	vst v63;
	v63 =	vld.idx.msk [tilespmem:v18+s0+$0x270 ss:$0x1], $0xffff;
	_ =	sdelay $0x4  }
0x145: {  	[tilespmem:$0x1FA90] =	vst v63;
	v63 =	vld.idx.msk [tilespmem:v18+s0+$0x2F0 ss:$0x1], $0xffff;
	_ =	sdelay $0x4  }
0x146: {  	[tilespmem:$0x1FAE0] =	vst v63;
	v63 =	vld.idx.msk [tilespmem:v18+s0+$0x370 ss:$0x1], $0xffff;
	_ =	sdelay $0x3  }
0x147: {  	v4 =	vld.idx.msk [tilespmem:v18+s0+$0x90 ss:$0x1], $0xffff  }
0x148: {  	[tilespmem:$0x1FB30] =	vst v63;
	v63 =	vld.idx.msk [tilespmem:v18+s0+$0x3F0 ss:$0x1], $0xffff  }
0x149: {  	s31 =	sshrl.u32 s2, $0x7;
	v7 =	vld.idx.msk [tilespmem:v18+s0+$0x110 ss:$0x1], $0xffff  }
0x14a: {  	s2 =	sor.u32 $0x1, s31;
	v23 =	vld.idx.msk [tilespmem:v18+s0+$0x190 ss:$0x1], $0xffff  }
0x14b: {  	s7 =	sshll.u32 s2, $0x9;
	v29 =	vld.idx.msk [tilespmem:v18+s0+$0x210 ss:$0x1], $0xffff  }
0x14c: {  	v33 =	vld.idx.msk [tilespmem:v18+s0+$0x290 ss:$0x1], $0xffff;
	s12 =	sadd.s32 s30, s7  }
0x14d: {  	[tilespmem:$0x1FB70] =	vst v63;
	v63 =	vld.idx.msk [tilespmem:v51+s12+$0x0 ss:$0x1], $0xffff  }
0x14e: {  	v43 =	vld.idx.msk [tilespmem:v18+s0+$0x310 ss:$0x1], $0xffff  }
0x14f: {  	s1 =	sor.u32 $0x20, s21;
	v50 =	vld.idx.msk [tilespmem:v18+s0+$0x390 ss:$0x1], $0xffff  }
0x150: {  	s2 =	sshll.u32 s2, $0xA;
	v25 =	vld.idx.msk [tilespmem:v51+s1+$0x0 ss:$0x1], $0xffff  }
0x151: {  	v20 =	vld.idx.msk [tilespmem:v18+s0+$0x20 ss:$0x1], $0xffff;
	s2 =	sand.u32 $0x3FFFFC00, s2  }
0x152: {  	[tilespmem:$0x1FAA0] =	vst v63;
	v63 =	vld.idx.msk [tilespmem:v18+s2+$0x0 ss:$0x1], $0xffff  }
0x153: {  	v24 =	vld.idx.msk [tilespmem:v18+s0+$0xA0 ss:$0x1], $0xffff  }
0x154: {  	v30 =	vld.idx.msk [tilespmem:v18+s0+$0x120 ss:$0x1], $0xffff  }
0x155: {  	v35 =	vld.idx.msk [tilespmem:v18+s0+$0x1A0 ss:$0x1], $0xffff  }
0x156: {  	v39 =	vld.idx.msk [tilespmem:v18+s0+$0x220 ss:$0x1], $0xffff  }
0x157: {  	[tilespmem:$0x1FA80] =	vst v63;
	v63 =	vld.idx.msk [tilespmem:v18+s2+$0x80 ss:$0x1], $0xffff  }
0x158: {  	v46 =	vld.idx.msk [tilespmem:v18+s0+$0x2A0 ss:$0x1], $0xffff  }
0x159: {  	v52 =	vld.idx.msk [tilespmem:v18+s0+$0x320 ss:$0x1], $0xffff  }
0x15a: {  	s19 =	sor.u32 $0x30, s21;
	v60 =	vld.idx.msk [tilespmem:v18+s0+$0x3A0 ss:$0x1], $0xffff  }
0x15b: {  	v28 =	vld.idx.msk [tilespmem:v51+s19+$0x0 ss:$0x1], $0xffff  }
0x15c: {  	[tilespmem:$0x1FAB0] =	vst v63;
	v63 =	vld.idx.msk [tilespmem:v18+s2+$0x100 ss:$0x1], $0xffff  }
0x15d: {  	v21 =	vld.idx.msk [tilespmem:v18+s0+$0x30 ss:$0x1], $0xffff  }
0x15e: {  	v26 =	vld.idx.msk [tilespmem:v18+s0+$0xB0 ss:$0x1], $0xffff  }
0x15f: {  	v32 =	vld.idx.msk [tilespmem:v18+s0+$0x130 ss:$0x1], $0xffff  }
0x160: {  	v36 =	vld.idx.msk [tilespmem:v18+s0+$0x1B0 ss:$0x1], $0xffff  }
0x161: {  	[tilespmem:$0x1FAF0] =	vst v63;
	v63 =	vld.idx.msk [tilespmem:v18+s2+$0x180 ss:$0x1], $0xffff  }
0x162: {  	v41 =	vld.idx.msk [tilespmem:v18+s0+$0x230 ss:$0x1], $0xffff  }
0x163: {  	v47 =	vld.idx.msk [tilespmem:v18+s0+$0x2B0 ss:$0x1], $0xffff  }
0x164: {  	v59 =	vld.idx.msk [tilespmem:v18+s0+$0x330 ss:$0x1], $0xffff  }
0x165: {  	v62 =	vld.idx.msk [tilespmem:v18+s0+$0x3B0 ss:$0x1], $0xffff  }
0x166: {  	s20 =	sor.u32 $0x40, s21;
	[tilespmem:$0x1FB20] =	vst v63;
	v63 =	vld.idx.msk [tilespmem:v18+s2+$0x200 ss:$0x1], $0xffff  }
0x167: {  	v40 =	vld.idx.msk [tilespmem:v51+s20+$0x0 ss:$0x1], $0xffff  }
0x168: {  	v34 =	vld.idx.msk [tilespmem:v18+s0+$0x40 ss:$0x1], $0xffff  }
0x169: {  	v38 =	vld.idx.msk [tilespmem:v18+s0+$0xC0 ss:$0x1], $0xffff  }
0x16a: {  	v61 =	vld.idx.msk [tilespmem:v18+s0+$0x140 ss:$0x1], $0xffff  }
0x16b: {  	[tilespmem:$0x1FB50] =	vst v63;
	v63 =	vld.idx.msk [tilespmem:v18+s2+$0x280 ss:$0x1], $0xffff  }
0x16c: {  	v48 =	vld.idx.msk [tilespmem:v18+s0+$0x1C0 ss:$0x1], $0xffff  }
0x16d: {  	v58 =	vld.idx.msk [tilespmem:v18+s0+$0x240 ss:$0x1], $0xffff  }
0x16e: {  	v55 =	vld.idx.msk [tilespmem:v18+s0+$0x2C0 ss:$0x1], $0xffff  }
0x16f: {  	v8 =	vld.idx.msk [tilespmem:v18+s0+$0x340 ss:$0x1], $0xffff  }
0x170: {  	s6 =	sor.u32 $0x50, s21;
	[tilespmem:$0x1FB90] =	vst v63;
	v63 =	vld.idx.msk [tilespmem:v18+s2+$0x300 ss:$0x1], $0xffff  }
0x171: {  	v45 =	vld.idx.msk [tilespmem:v51+s6+$0x0 ss:$0x1], $0xffff  }
0x172: {  	v42 =	vld.idx.msk [tilespmem:v18+s0+$0x50 ss:$0x1], $0xffff  }
0x173: {  	v44 =	vld.idx.msk [tilespmem:v18+s0+$0xD0 ss:$0x1], $0xffff  }
0x174: {  	v49 =	vld.idx.msk [tilespmem:v18+s0+$0x150 ss:$0x1], $0xffff  }
0x175: {  	[tilespmem:$0x1FBD0] =	vst v63;
	v63 =	vld.idx.msk [tilespmem:v18+s2+$0x380 ss:$0x1], $0xffff  }
0x176: {  	v53 =	vld.idx.msk [tilespmem:v18+s0+$0x1D0 ss:$0x1], $0xffff;
	v0 =	vmul.f32 v0, v10  }
0x177: {  	v54 =	vld.idx.msk [tilespmem:v18+s0+$0x2D0 ss:$0x1], $0xffff  }
0x178: {  	s5 =	sor.u32 $0x60, s21;
	v57 =	vld.idx.msk [tilespmem:v18+s0+$0x3D0 ss:$0x1], $0xffff;
	v2 =	vmul.f32 v2, v11;
	v0 =	vadd.f32 v0, v3  }
0x179: {  	v56 =	vld.idx.msk [tilespmem:v51+s5+$0x0 ss:$0x1], $0xffff;
	s14 =	sor.u32 $0x10, s12  }
0x17a: {  	v0 =	vadd.f32 v2, v0;
	v2 =	vmul.f32 v6, v12;
	[tilespmem:$0x1FC30] =	vst v63;
	v63 =	vld.idx.msk [tilespmem:v51+s14+$0x0 ss:$0x1], $0xffff  }
0x17b: {  	[tilespmem:$0x1F990] =	vst v8;
	v8 =	vld.idx.msk [tilespmem:v18+s0+$0x3C0 ss:$0x1], $0xffff  }
0x17c: {  	[tilespmem:$0x1F9A0] =	vst v54;
	v54 =	vld.idx.msk [tilespmem:v18+s0+$0x60 ss:$0x1], $0xffff;
	v0 =	vadd.f32 v2, v0;
	v2 =	vmul.f32 v19, v13  }
0x17d: {  	[tilespmem:$0x1FA30] =	vst v57;
	v57 =	vld.idx.msk [tilespmem:v18+s0+$0xE0 ss:$0x1], $0xffff;
	v1 =	vmul.f32 v1, v10  }
0x17e: {  	v0 =	vadd.f32 v2, v0;
	v2 =	vmul.f32 v22, v14;
	v22 =	vld.idx.msk [tilespmem:v18+s2+$0x3C0 ss:$0x1], $0xffff  }
0x17f: {  	v3 =	vmul.f32 v4, v11;
	v1 =	vadd.f32 v1, v5;
	[tilespmem:$0x1FB00] =	vst v63;
	v63 =	vld.idx.msk [tilespmem:v18+s2+$0x10 ss:$0x1], $0xffff  }
0x180: {  	v6 =	vld.idx.msk [tilespmem:v18+s2+$0x140 ss:$0x1], $0xffff;
	v0 =	vadd.f32 v2, v0;
	v2 =	vmul.f32 v27, v15  }
0x181: {  	v1 =	vadd.f32 v3, v1;
	[tilespmem:$0x1F9C0] =	vst v8;
	v8 =	vld.idx.msk [tilespmem:v18+s0+$0x250 ss:$0x1], $0xffff  }
0x182: {  	v3 =	vmul.f32 v7, v12;
	v0 =	vadd.f32 v2, v0;
	v2 =	vmul.f32 v31, v16;
	v31 =	vld.idx.msk [tilespmem:v18+s2+$0xD0 ss:$0x1], $0xffff  }
0x183: {  	[tilespmem:$0x1FE00] =	vst v22;
	v22 =	vmul.f32 v23, v13;
	v23 =	vld.idx.msk [tilespmem:v18+s2+$0x50 ss:$0x1], $0xffff  }
0x184: {  	v1 =	vadd.f32 v3, v1;
	[tilespmem:$0x1FAD0] =	vst v63;
	v63 =	vld.idx.msk [tilespmem:v18+s2+$0x90 ss:$0x1], $0xffff  }
0x185: {  	[tilespmem:$0x1FD10] =	vst v6;
	v6 =	vld.idx.msk [tilespmem:v18+s2+$0x240 ss:$0x1], $0xffff  }
0x186: {  	v1 =	vadd.f32 v22, v1;
	v22 =	vmul.f32 v29, v14;
	v29 =	vld.idx.msk [tilespmem:v18+s2+$0x1D0 ss:$0x1], $0xffff  }
0x187: {  	[tilespmem:$0x1FD70] =	vst v31;
	v31 =	vmul.f32 v37, v17;
	v37 =	vmul.f32 v21, v10;
	v21 =	vld.idx.msk [tilespmem:v18+s2+$0x250 ss:$0x1], $0xffff  }
0x188: {  	v0 =	vadd.f32 v2, v0;
	[tilespmem:$0x1FD30] =	vst v23;
	v23 =	vld.idx.msk [tilespmem:v18+s2+$0x150 ss:$0x1], $0xffff  }
0x189: {  	v1 =	vadd.f32 v22, v1;
	v22 =	vmul.f32 v33, v15;
	[tilespmem:$0x1FB10] =	vst v63;
	v63 =	vld.idx.msk [tilespmem:v18+s2+$0x110 ss:$0x1], $0xffff  }
0x18a: {  	v0 =	vadd.f32 v31, v0;
	v31 =	vmul.f32 v32, v12;
	v32 =	vld.idx.msk [tilespmem:v18+s2+$0x60 ss:$0x1], $0xffff  }
0x18b: {  	v1 =	vadd.f32 v22, v1;
	v22 =	vld.idx.msk [tilespmem:v18+s2+$0x1E0 ss:$0x1], $0xffff  }
0x18c: {  	[tilespmem:$0x1FDC0] =	vst v29;
	v29 =	vld.idx.msk [tilespmem:v18+s2+$0x3D0 ss:$0x1], $0xffff  }
0x18d: {  	[tilespmem:$0x1FDA0] =	vst v23;
	v23 =	vmul.f32 v30, v12;
	v30 =	vmul.f32 v43, v16;
	v43 =	vld.idx.msk [tilespmem:v18+s2+$0x160 ss:$0x1], $0xffff  }
0x18e: {  	[tilespmem:$0x1FB40] =	vst v63;
	v63 =	vld.idx.msk [tilespmem:v18+s2+$0x190 ss:$0x1], $0xffff  }
0x18f: {  	[tilespmem:$0x1FDD0] =	vst v32;
	v32 =	vmul.f32 v61, v12;
	v61 =	vld.idx.msk [tilespmem:v18+s2+$0xF0 ss:$0x1], $0xffff  }
0x190: {  	[tilespmem:$0x1FE30] =	vst v22;
	v22 =	vld [tilespmem:$0x1F9B0];
	s0 =	sor.u32 $0x50, s12  }
0x191: {  	v27 =	vld.idx.msk [tilespmem:v51+s0+$0x0 ss:$0x1], $0xffff  }
0x192: {  	[tilespmem:$0x1FE20] =	vst v43;
	v43 =	vld.idx.msk [tilespmem:v18+s2+$0x2F0 ss:$0x1], $0xffff  }
0x193: {  	[tilespmem:$0x1FB60] =	vst v63;
	v63 =	vld.idx.msk [tilespmem:v18+s2+$0x210 ss:$0x1], $0xffff  }
0x194: {  	v50 =	vmul.f32 v50, v17;
	v1 =	vadd.f32 v30, v1;
	v30 =	vld.idx.msk [tilespmem:v18+s2+$0x360 ss:$0x1], $0xffff  }
0x195: {  	[tilespmem:$0x1FE70] =	vst v29;
	v29 =	vmul.f32 v52, v16;
	v52 =	vld.idx.msk [tilespmem:v18+s2+$0x270 ss:$0x1], $0xffff  }
0x196: {  	v1 =	vadd.f32 v50, v1;
	v50 =	vld.idx.msk [tilespmem:v18+s2+$0x70 ss:$0x1], $0xffff;
	[tilespmem:$0x1FD60] =	vst v27;
	v27 =	vmul.f32 v20, v10  }
0x197: {  	[tilespmem:$0x1FEA0] =	vst v43;
	v43 =	vld [tilespmem:$0x1FA40]  }
0x198: {  	v25 =	vadd.f32 v27, v25;
	v27 =	vmul.f32 v24, v11;
	[tilespmem:$0x1FBA0] =	vst v63;
	v63 =	vld.idx.msk [tilespmem:v18+s2+$0x290 ss:$0x1], $0xffff  }
0x199: {  	v24 =	vld.idx.msk [tilespmem:v18+s2+$0x2D0 ss:$0x1], $0xffff  }
0x19a: {  	v26 =	vmul.f32 v26, v11;
	v2 =	vadd.f32 v27, v25;
	v27 =	vld.idx.msk [tilespmem:v18+s2+$0x350 ss:$0x1], $0xffff  }
0x19b: {  	v25 =	vadd.f32 v37, v28;
	v28 =	vmul.f32 v35, v13;
	v35 =	vmul.f32 v39, v14;
	v37 =	vld.idx.msk [tilespmem:v18+s2+$0xE0 ss:$0x1], $0xffff  }
0x19c: {  	[tilespmem:$0x1FDE0] =	vst v21;
	v39 =	vmul.f32 v36, v13;
	v36 =	vmul.f32 v60, v17;
	v60 =	vld [tilespmem:$0x1F9A0]  }
0x19d: {  	v21 =	vmul.f32 v34, v10;
	[tilespmem:$0x1FBE0] =	vst v63;
	v63 =	vld.idx.msk [tilespmem:v18+s2+$0x310 ss:$0x1], $0xffff  }
0x19e: {  	v3 =	vadd.f32 v26, v25;
	v25 =	vld.idx.msk [tilespmem:v18+s2+$0x260 ss:$0x1], $0xffff  }
0x19f: {  	v26 =	vadd.f32 v21, v40;
	v40 =	vmul.f32 v58, v14;
	v58 =	vld.idx.msk [tilespmem:v18+s2+$0x1F0 ss:$0x1], $0xffff  }
0x1a0: {  	[tilespmem:v9+s21+$0x0 ss:$0x1] =	vst.idx.msk $0xffff, v0;
	s21 =	sor.u32 $0x70, s12;
	v2 =	vadd.f32 v23, v2;
	v23 =	vmul.f32 v46, v15;
	v46 =	vld.idx.msk [tilespmem:v18+s2+$0x370 ss:$0x1], $0xffff  }
0x1a1: {  	v21 =	vld.idx.msk [tilespmem:v51+s21+$0x0 ss:$0x1], $0xffff  }
0x1a2: {  	[tilespmem:$0x1FC50] =	vst v63;
	v63 =	vld.idx.msk [tilespmem:v18+s2+$0x390 ss:$0x1], $0xffff  }
0x1a3: {  	[tilespmem:$0x1FE10] =	vst v24;
	v24 =	vmul.f32 v41, v14;
	v41 =	vmul.f32 v49, v12;
	v49 =	vld.idx.msk [tilespmem:v18+s2+$0x3F0 ss:$0x1], $0xffff  }
0x1a4: {  	[tilespmem:v9+s11+$0x0 ss:$0x1] =	vst.idx.msk $0xffff, v1;
	v33 =	vadd.f32 v28, v2;
	v28 =	vld.idx.msk [tilespmem:v18+s2+$0x2E0 ss:$0x1], $0xffff  }
0x1a5: {  	v34 =	vmul.f32 v42, v10;
	[tilespmem:$0x1FE40] =	vst v27;
	v27 =	vmul.f32 v38, v11;
	v38 =	vld.idx.msk [tilespmem:v18+s2+$0x170 ss:$0x1], $0xffff  }
0x1a6: {  	s16 =	sor.u32 $0x2, s31;
	s7 =	sor.u32 $0x20, s12;
	v3 =	vadd.f32 v31, v3;
	[tilespmem:$0x1FDF0] =	vst v37;
	v0 =	vadd.f32 v35, v33;
	v33 =	vld.idx.msk [tilespmem:v18+s2+$0x3E0 ss:$0x1], $0xffff  }
0x1a7: {  	v1 =	vadd.f32 v34, v45;
	s11 =	sshll.u32 s16, $0x9;
	s16 =	sshll.u32 s16, $0xA;
	v37 =	vmul.f32 v44, v11;
	[tilespmem:$0x1FC80] =	vst v63;
	v63 =	vld.idx.msk [tilespmem:v51+s7+$0x0 ss:$0x1], $0xffff  }
0x1a8: {  	s16 =	sand.u32 $0x3FFFFC00, s16;
	v3 =	vadd.f32 v39, v3;
	v2 =	vadd.f32 v27, v26;
	v26 =	vld [tilespmem:$0x1F9C0]  }
0x1a9: {  	v1 =	vadd.f32 v37, v1;
	v37 =	vld.idx.msk [tilespmem:v18+s16+$0x180 ss:$0x1], $0xffff  }
0x1aa: {  	v3 =	vadd.f32 v24, v3;
	v24 =	vld.idx.msk [tilespmem:v18+s16+$0x0 ss:$0x1], $0xffff  }
0x1ab: {  	[tilespmem:$0x1FE80] =	vst v28;
	v28 =	vld [tilespmem:$0x1F9D0]  }
0x1ac: {  	[tilespmem:$0x1FBB0] =	vst v63;
	v63 =	vld.idx.msk [tilespmem:v18+s2+$0x20 ss:$0x1], $0xffff  }
0x1ad: {  	v31 =	vmul.f32 v47, v15;
	v2 =	vadd.f32 v32, v2;
	v32 =	vld [tilespmem:$0x1F9F0]  }
0x1ae: {  	v0 =	vadd.f32 v23, v0;
	v1 =	vadd.f32 v41, v1;
	v41 =	vld.idx.msk [tilespmem:v18+s16+$0x200 ss:$0x1], $0xffff  }
0x1af: {  	v3 =	vadd.f32 v31, v3;
	v31 =	vld.idx.msk [tilespmem:v18+s16+$0x80 ss:$0x1], $0xffff  }
0x1b0: {  	v0 =	vadd.f32 v29, v0;
	v29 =	vld [tilespmem:$0x1F9E0]  }
0x1b1: {  	[tilespmem:$0x1FB80] =	vst v63;
	v63 =	vld.idx.msk [tilespmem:v18+s2+$0xA0 ss:$0x1], $0xffff  }
0x1b2: {  	v35 =	vmul.f32 v48, v13;
	[tilespmem:$0x1FE50] =	vst v38;
	v38 =	vld.idx.msk [tilespmem:v18+s16+$0x100 ss:$0x1], $0xffff  }
0x1b3: {  	v45 =	vmul.f32 v53, v13;
	[tilespmem:$0x1FEC0] =	vst v33;
	v33 =	vld [tilespmem:$0x1FA00]  }
0x1b4: {  	v2 =	vadd.f32 v35, v2;
	v35 =	vld [tilespmem:$0x1FA10]  }
0x1b5: {  	v50 =	vmul.f32 v50, v10;
	v48 =	vmul.f32 v54, v10;
	v54 =	vadd.f32 v45, v1;
	v45 =	vld [tilespmem:$0x1FA50]  }
0x1b6: {  	[tilespmem:$0x1FBC0] =	vst v63;
	v63 =	vld.idx.msk [tilespmem:v18+s2+$0x120 ss:$0x1], $0xffff  }
0x1b7: {  	s11 =	sadd.s32 s30, s11;
	v39 =	vmul.f32 v59, v16;
	v21 =	vadd.f32 v50, v21;
	v50 =	vld [tilespmem:$0x1FE50]  }
0x1b8: {  	v0 =	vadd.f32 v36, v0;
	v36 =	vld.idx.msk [tilespmem:v51+s11+$0x0 ss:$0x1], $0xffff  }
0x1b9: {  	v44 =	vmul.f32 v55, v15;
	v3 =	vadd.f32 v39, v3;
	v39 =	vld [tilespmem:$0x1FA20]  }
0x1ba: {  	v55 =	vmul.f32 v8, v14;
	v27 =	vmul.f32 v26, v17;
	v26 =	vld.idx.msk [tilespmem:v18+s16+$0x290 ss:$0x1], $0xffff  }
0x1bb: {  	v42 =	vmul.f32 v62, v17;
	[tilespmem:$0x1FBF0] =	vst v63;
	v63 =	vld.idx.msk [tilespmem:v18+s2+$0x1A0 ss:$0x1], $0xffff  }
0x1bc: {  	v5 =	vadd.f32 v55, v54;
	v54 =	vld [tilespmem:$0x1FA70]  }
0x1bd: {  	v47 =	vadd.f32 v42, v3;
	v3 =	vadd.f32 v48, v56;
	v56 =	vld [tilespmem:$0x1F990]  }
0x1be: {  	v42 =	vld [tilespmem:$0x1FA30]  }
0x1bf: {  	v48 =	vld [tilespmem:$0x1FA60]  }
0x1c0: {  	[tilespmem:$0x1FC10] =	vst v63;
	v63 =	vld.idx.msk [tilespmem:v18+s2+$0x220 ss:$0x1], $0xffff  }
0x1c1: {  	v2 =	vadd.f32 v40, v2;
	[tilespmem:v9+s1+$0x0 ss:$0x1] =	vst.idx.msk $0xffff, v0;
	v20 =	vmul.f32 v32, v13;
	v32 =	vld [tilespmem:$0x1FAA0]  }
0x1c2: {  	s1 =	sor.u32 $0x60, s12;
	[tilespmem:$0x1FEE0] =	vst v41;
	v41 =	vld [tilespmem:$0x1FAE0]  }
0x1c3: {  	v53 =	vadd.f32 v44, v2;
	v2 =	vld.idx.msk [tilespmem:v51+s1+$0x0 ss:$0x1], $0xffff  }
0x1c4: {  	v44 =	vld.idx.msk [tilespmem:v18+s16+$0x280 ss:$0x1], $0xffff  }
0x1c5: {  	[tilespmem:$0x1FC60] =	vst v63;
	v63 =	vld.idx.msk [tilespmem:v18+s2+$0x2A0 ss:$0x1], $0xffff  }
0x1c6: {  	[tilespmem:$0x1FE90] =	vst v30;
	v30 =	vmul.f32 v29, v16;
	v29 =	vld.idx.msk [tilespmem:v18+s16+$0x90 ss:$0x1], $0xffff  }
0x1c7: {  	v19 =	vmul.f32 v57, v11;
	v24 =	vmul.f32 v24, v10;
	[tilespmem:v9+s19+$0x0 ss:$0x1] =	vst.idx.msk $0xffff, v47;
	v47 =	vld.idx.msk [tilespmem:v18+s16+$0x300 ss:$0x1], $0xffff  }
0x1c8: {  	[tilespmem:$0x1FED0] =	vst v46;
	v46 =	vmul.f32 v45, v15;
	v45 =	vld.idx.msk [tilespmem:v18+s16+$0x210 ss:$0x1], $0xffff  }
0x1c9: {  	v23 =	vmul.f32 v22, v12;
	v3 =	vadd.f32 v19, v3;
	v24 =	vadd.f32 v24, v36;
	v36 =	vld.idx.msk [tilespmem:v18+s16+$0xE0 ss:$0x1], $0xffff  }
0x1ca: {  	v19 =	vmul.f32 v28, v10;
	[tilespmem:$0x1FC90] =	vst v63;
	v63 =	vld.idx.msk [tilespmem:v18+s2+$0x320 ss:$0x1], $0xffff  }
0x1cb: {  	v3 =	vadd.f32 v23, v3;
	v23 =	vld.idx.msk [tilespmem:v18+s16+$0x10 ss:$0x1], $0xffff  }
0x1cc: {  	v34 =	vadd.f32 v19, v33;
	v19 =	vmul.f32 v35, v11;
	v35 =	vld [tilespmem:$0x1FAC0]  }
0x1cd: {  	v59 =	vmul.f32 v56, v16;
	v56 =	vld [tilespmem:$0x1FA80]  }
0x1ce: {  	[tilespmem:$0x1FEF0] =	vst v49;
	v31 =	vmul.f32 v31, v11;
	v49 =	vmul.f32 v48, v13;
	v48 =	vld [tilespmem:$0x1FAF0]  }
0x1cf: {  	[tilespmem:$0x1FCE0] =	vst v63;
	v63 =	vld.idx.msk [tilespmem:v18+s2+$0x3A0 ss:$0x1], $0xffff  }
0x1d0: {  	v24 =	vadd.f32 v31, v24;
	v31 =	vld.idx.msk [tilespmem:v18+s16+$0x160 ss:$0x1], $0xffff  }
0x1d1: {  	[tilespmem:$0x1FD80] =	vst v6;
	v62 =	vmul.f32 v60, v15;
	v6 =	vadd.f32 v19, v34;
	v34 =	vld [tilespmem:$0x1FAB0]  }
0x1d2: {  	v3 =	vadd.f32 v20, v3;
	v20 =	vmul.f32 v43, v12;
	v43 =	vld.idx.msk [tilespmem:v18+s16+$0x110 ss:$0x1], $0xffff  }
0x1d3: {  	s18 =	sor.u32 $0x30, s12;
	v5 =	vadd.f32 v62, v5;
	v4 =	vadd.f32 v59, v53;
	v53 =	vld.idx.msk [tilespmem:v18+s16+$0x380 ss:$0x1], $0xffff  }
0x1d4: {  	v38 =	vmul.f32 v38, v12;
	[tilespmem:$0x1FD20] =	vst v63;
	v63 =	vld.idx.msk [tilespmem:v51+s18+$0x0 ss:$0x1], $0xffff  }
0x1d5: {  	[tilespmem:$0x1FEB0] =	vst v37;
	v5 =	vadd.f32 v30, v5;
	v19 =	vmul.f32 v42, v17;
	v59 =	vld [tilespmem:$0x1FA90]  }
0x1d6: {  	v24 =	vadd.f32 v38, v24;
	v38 =	vld [tilespmem:$0x1FEB0];
	v4 =	vadd.f32 v27, v4  }
0x1d7: {  	v5 =	vadd.f32 v19, v5;
	v19 =	vmul.f32 v56, v10;
	v56 =	vld [tilespmem:$0x1FB20]  }
0x1d8: {  	[tilespmem:v9+s20+$0x0 ss:$0x1] =	vst.idx.msk $0xffff, v4;
	v4 =	vld.idx.msk [tilespmem:v18+s16+$0x310 ss:$0x1], $0xffff  }
0x1d9: {  	v40 =	vmul.f32 v39, v14;
	s20 =	sor.u32 $0x10, s11;
	[tilespmem:$0x1FC20] =	vst v63;
	v63 =	vld.idx.msk [tilespmem:v18+s2+$0x30 ss:$0x1], $0xffff  }
0x1da: {  	v30 =	vld.idx.msk [tilespmem:v51+s20+$0x0 ss:$0x1], $0xffff  }
0x1db: {  	v3 =	vadd.f32 v40, v3;
	v60 =	vmul.f32 v59, v14;
	v59 =	vld [tilespmem:$0x1FB30]  }
0x1dc: {  	v33 =	vadd.f32 v19, v32;
	v32 =	vld.idx.msk [tilespmem:v18+s16+$0x30 ss:$0x1], $0xffff  }
0x1dd: {  	v55 =	vmul.f32 v54, v16;
	v3 =	vadd.f32 v46, v3;
	v19 =	vmul.f32 v34, v11;
	v34 =	vld.idx.msk [tilespmem:v18+s16+$0x2B0 ss:$0x1], $0xffff  }
0x1de: {  	[tilespmem:$0x1FC00] =	vst v63;
	v63 =	vld.idx.msk [tilespmem:v18+s2+$0xB0 ss:$0x1], $0xffff  }
0x1df: {  	v6 =	vadd.f32 v20, v6;
	v37 =	vmul.f32 v35, v17;
	v62 =	vadd.f32 v55, v3;
	v3 =	vld.idx.msk [tilespmem:v18+s16+$0xD0 ss:$0x1], $0xffff  }
0x1e0: {  	v40 =	vadd.f32 v19, v33;
	v19 =	vld.idx.msk [tilespmem:v18+s16+$0x190 ss:$0x1], $0xffff  }
0x1e1: {  	v57 =	vadd.f32 v49, v6;
	v6 =	vadd.f32 v37, v62;
	v37 =	vld [tilespmem:$0x1FB50]  }
0x1e2: {  	v38 =	vmul.f32 v38, v13;
	v33 =	vld.idx.msk [tilespmem:v18+s16+$0x1A0 ss:$0x1], $0xffff  }
0x1e3: {  	[tilespmem:$0x1FC40] =	vst v63;
	v63 =	vld.idx.msk [tilespmem:v18+s2+$0x130 ss:$0x1], $0xffff  }
0x1e4: {  	v24 =	vadd.f32 v38, v24;
	v38 =	vld [tilespmem:$0x1FEE0]  }
0x1e5: {  	[tilespmem:$0x1FF20] =	vst v53;
	v53 =	vld [tilespmem:$0x1FB00]  }
0x1e6: {  	v39 =	vld [tilespmem:$0x1FAD0]  }
0x1e7: {  	v49 =	vmul.f32 v48, v12;
	v55 =	vld [tilespmem:$0x1FB10]  }
0x1e8: {  	v42 =	vmul.f32 v41, v15;
	[tilespmem:$0x1FC70] =	vst v63;
	v63 =	vld.idx.msk [tilespmem:v18+s2+$0x1B0 ss:$0x1], $0xffff  }
0x1e9: {  	[tilespmem:v9+s6+$0x0 ss:$0x1] =	vst.idx.msk $0xffff, v5;
	v5 =	vadd.f32 v60, v57;
	v22 =	vadd.f32 v49, v40;
	v40 =	vld.idx.msk [tilespmem:v18+s16+$0x390 ss:$0x1], $0xffff  }
0x1ea: {  	v60 =	vld [tilespmem:$0x1FB40]  }
0x1eb: {  	v5 =	vadd.f32 v42, v5;
	v42 =	vld [tilespmem:$0x1FB70];
	v20 =	vmul.f32 v39, v10  }
0x1ec: {  	v41 =	vld [tilespmem:$0x1FB60]  }
0x1ed: {  	v54 =	vadd.f32 v20, v53;
	v20 =	vmul.f32 v55, v11;
	[tilespmem:$0x1FCA0] =	vst v63;
	v63 =	vld.idx.msk [tilespmem:v18+s2+$0x230 ss:$0x1], $0xffff  }
0x1ee: {  	v57 =	vmul.f32 v56, v13;
	v48 =	vld [tilespmem:$0x1FB90]  }
0x1ef: {  	v7 =	vadd.f32 v20, v54;
	v20 =	vmul.f32 v59, v16;
	v62 =	vmul.f32 v60, v12;
	v60 =	vld [tilespmem:$0x1FBD0]  }
0x1f0: {  	[tilespmem:$0x1FF00] =	vst v44;
	v49 =	vld [tilespmem:$0x1FBA0]  }
0x1f1: {  	[tilespmem:$0x1FF30] =	vst v4;
	v28 =	vadd.f32 v57, v22;
	v39 =	vmul.f32 v37, v14;
	v5 =	vadd.f32 v20, v5;
	v37 =	vld [tilespmem:$0x1FBE0]  }
0x1f2: {  	v7 =	vadd.f32 v62, v7;
	v20 =	vmul.f32 v41, v13;
	[tilespmem:$0x1FCC0] =	vst v63;
	v63 =	vld.idx.msk [tilespmem:v18+s2+$0x2B0 ss:$0x1], $0xffff  }
0x1f3: {  	[tilespmem:v9+s5+$0x0 ss:$0x1] =	vst.idx.msk $0xffff, v6;
	v44 =	vmul.f32 v42, v17;
	v46 =	vld [tilespmem:$0x1FB80]  }
0x1f4: {  	v4 =	vld.idx.msk [tilespmem:v18+s16+$0x3A0 ss:$0x1], $0xffff;
	v6 =	vadd.f32 v39, v28;
	v7 =	vadd.f32 v20, v7;
	v20 =	vmul.f32 v48, v15  }
0x1f5: {  	s5 =	sor.u32 $0x20, s11;
	v54 =	vmul.f32 v49, v14;
	v55 =	vld [tilespmem:$0x1FBB0]  }
0x1f6: {  	v35 =	vld.idx.msk [tilespmem:v51+s5+$0x0 ss:$0x1], $0xffff;
	v5 =	vadd.f32 v44, v5;
	v6 =	vadd.f32 v20, v6;
	v20 =	vmul.f32 v60, v16  }
0x1f7: {  	v7 =	vadd.f32 v54, v7;
	v39 =	vmul.f32 v37, v15;
	[tilespmem:$0x1FD00] =	vst v63;
	v63 =	vld.idx.msk [tilespmem:v18+s2+$0x330 ss:$0x1], $0xffff  }
0x1f8: {  	[tilespmem:$0x1FF10] =	vst v47;
	v47 =	vmul.f32 v46, v10;
	v57 =	vld [tilespmem:$0x1FBC0]  }
0x1f9: {  	[tilespmem:v9+s15+$0x0 ss:$0x1] =	vst.idx.msk $0xffff, v5;
	v5 =	vadd.f32 v20, v6;
	v20 =	vadd.f32 v39, v7;
	v7 =	vld [tilespmem:$0x1FC50]  }
0x1fa: {  	v56 =	vadd.f32 v47, v55;
	v47 =	vld.idx.msk [tilespmem:v18+s16+$0x2A0 ss:$0x1], $0xffff  }
0x1fb: {  	v41 =	vld [tilespmem:$0x1FBF0]  }
0x1fc: {  	[tilespmem:$0x1FD40] =	vst v63;
	v63 =	vld.idx.msk [tilespmem:v18+s2+$0x3B0 ss:$0x1], $0xffff  }
0x1fd: {  	v59 =	vmul.f32 v57, v11;
	v57 =	vld [tilespmem:$0x1FC30]  }
0x1fe: {  	v44 =	vld [tilespmem:$0x1FC00]  }
0x1ff: {  	v62 =	vadd.f32 v59, v56;
	v56 =	vld [tilespmem:$0x1FC20]  }
0x200: {  	s17 =	sor.u32 $0x40, s12;
	v42 =	vmul.f32 v41, v12;
	v60 =	vld [tilespmem:$0x1FC40]  }
0x201: {  	[tilespmem:$0x1FD90] =	vst v63;
	v63 =	vld.idx.msk [tilespmem:v51+s17+$0x0 ss:$0x1], $0xffff  }
0x202: {  	v27 =	vadd.f32 v42, v62;
	v42 =	vld [tilespmem:$0x1FC70]  }
0x203: {  	v55 =	vld.idx.msk [tilespmem:v18+s16+$0x320 ss:$0x1], $0xffff;
	v46 =	vmul.f32 v44, v10  }
0x204: {  	[tilespmem:$0x1FF50] =	vst v47;
	v47 =	vld [tilespmem:$0x1FC80]  }
0x205: {  	v49 =	vld [tilespmem:$0x1FC10];
	v59 =	vmul.f32 v57, v17;
	v6 =	vadd.f32 v46, v56;
	v62 =	vmul.f32 v60, v11  }
0x206: {  	[tilespmem:$0x1FCD0] =	vst v63;
	v63 =	vld.idx.msk [tilespmem:v18+s2+$0x40 ss:$0x1], $0xffff  }
0x207: {  	v5 =	vadd.f32 v59, v5;
	v6 =	vadd.f32 v62, v6;
	v46 =	vmul.f32 v42, v12;
	v59 =	vld [tilespmem:$0x1FCA0]  }
0x208: {  	v22 =	vld.idx.msk [tilespmem:v18+s16+$0x220 ss:$0x1], $0xffff  }
0x209: {  	[tilespmem:$0x1FE60] =	vst v25;
	v6 =	vadd.f32 v46, v6;
	v46 =	vld [tilespmem:$0x1FCC0]  }
0x20a: {  	v25 =	vmul.f32 v7, v16;
	[tilespmem:$0x1FF60] =	vst v55;
	v55 =	vld [tilespmem:$0x1FC90]  }
0x20b: {  	v54 =	vmul.f32 v49, v13;
	v39 =	vld [tilespmem:$0x1FC60];
	[tilespmem:$0x1FCB0] =	vst v63  }
0x20c: {  	v20 =	vadd.f32 v25, v20;
	v49 =	vmul.f32 v47, v17;
	v60 =	vmul.f32 v59, v13;
	v42 =	vld [tilespmem:$0x1FCB0]  }
0x20d: {  	v27 =	vadd.f32 v54, v27;
	v63 =	vld.idx.msk [tilespmem:v18+s2+$0xC0 ss:$0x1], $0xffff  }
0x20e: {  	v62 =	vadd.f32 v49, v20;
	v6 =	vadd.f32 v60, v6;
	v47 =	vmul.f32 v46, v14;
	v54 =	vld [tilespmem:$0x1FCD0]  }
0x20f: {  	v57 =	vmul.f32 v55, v15;
	v55 =	vld [tilespmem:$0x1FCE0]  }
0x210: {  	[tilespmem:v9+s14+$0x0 ss:$0x1] =	vst.idx.msk $0xffff, v62;
	v62 =	vadd.f32 v47, v6;
	v47 =	vld [tilespmem:$0x1FD20]  }
0x211: {  	[tilespmem:$0x1FF70] =	vst v4;
	v4 =	vld [tilespmem:$0x1FD00];
	v20 =	vmul.f32 v42, v10  }
0x212: {  	[tilespmem:$0x1FCF0] =	vst v63;
	v63 =	vld.idx.msk [tilespmem:v18+s2+$0x1C0 ss:$0x1], $0xffff  }
0x213: {  	v41 =	vmul.f32 v39, v14;
	v20 =	vadd.f32 v20, v54;
	v54 =	vld [tilespmem:$0x1FD30]  }
0x214: {  	v59 =	vld [tilespmem:$0x1FCF0]  }
0x215: {  	v27 =	vadd.f32 v41, v27;
	v28 =	vmul.f32 v47, v17;
	v47 =	vld [tilespmem:$0x1FD60]  }
0x216: {  	v41 =	vld [tilespmem:$0x1FD10]  }
0x217: {  	[tilespmem:$0x1FF40] =	vst v40;
	v40 =	vld.idx.msk [tilespmem:v18+s16+$0x120 ss:$0x1], $0xffff;
	v27 =	vadd.f32 v57, v27;
	v57 =	vmul.f32 v55, v16  }
0x218: {  	v6 =	vmul.f32 v4, v15;
	v4 =	vld [tilespmem:$0x1FD40];
	v55 =	vmul.f32 v54, v10  }
0x219: {  	[tilespmem:$0x1FD50] =	vst v63;
	v63 =	vld.idx.msk [tilespmem:v18+s2+$0x2C0 ss:$0x1], $0xffff;
	v60 =	vmul.f32 v59, v11  }
0x21a: {  	v54 =	vadd.f32 v55, v47;
	v55 =	vld [tilespmem:$0x1FD70]  }
0x21b: {  	v53 =	vld.idx.msk [tilespmem:v18+s16+$0x20 ss:$0x1], $0xffff;
	v46 =	vmul.f32 v41, v12;
	v20 =	vadd.f32 v60, v20  }
0x21c: {  	v48 =	vld.idx.msk [tilespmem:v18+s16+$0xA0 ss:$0x1], $0xffff  }
0x21d: {  	[tilespmem:v9+s12+$0x0 ss:$0x1] =	vst.idx.msk $0xffff, v5;
	v20 =	vadd.f32 v46, v20;
	v46 =	vld [tilespmem:$0x1FD50]  }
0x21e: {  	v5 =	vadd.f32 v6, v62;
	v6 =	vmul.f32 v4, v16;
	v4 =	vld [tilespmem:$0x1FD80];
	[tilespmem:$0x1FDB0] =	vst v63  }
0x21f: {  	v37 =	vadd.f32 v57, v27;
	v39 =	vld [tilespmem:$0x1FDB0];
	v59 =	vmul.f32 v55, v11  }
0x220: {  	v55 =	vld [tilespmem:$0x1FDA0]  }
0x221: {  	v28 =	vadd.f32 v28, v37;
	v37 =	vadd.f32 v59, v54;
	v54 =	vld [tilespmem:$0x1FD90]  }
0x222: {  	s15 =	sor.u32 $0x30, s11;
	v7 =	vld.idx.msk [tilespmem:v18+s16+$0x130 ss:$0x1], $0xffff;
	v46 =	vmul.f32 v46, v13  }
0x223: {  	v44 =	vld.idx.msk [tilespmem:v51+s15+$0x0 ss:$0x1], $0xffff  }
0x224: {  	v56 =	vld.idx.msk [tilespmem:v18+s16+$0xB0 ss:$0x1], $0xffff;
	v5 =	vadd.f32 v6, v5;
	v6 =	vmul.f32 v4, v14;
	v20 =	vadd.f32 v46, v20  }
0x225: {  	v25 =	vld.idx.msk [tilespmem:v18+s16+$0x330 ss:$0x1], $0xffff;
	v59 =	vmul.f32 v55, v12  }
0x226: {  	v27 =	vld.idx.msk [tilespmem:v18+s16+$0x3B0 ss:$0x1], $0xffff;
	v20 =	vadd.f32 v6, v20;
	v46 =	vmul.f32 v54, v17;
	v54 =	vmul.f32 v39, v15  }
0x227: {  	v32 =	vmul.f32 v32, v10;
	v39 =	vadd.f32 v59, v37;
	v59 =	vld [tilespmem:$0x1FDC0]  }
0x228: {  	s6 =	sor.u32 $0x40, s11;
	v20 =	vadd.f32 v54, v20;
	v54 =	vld [tilespmem:$0x1FDD0]  }
0x229: {  	v57 =	vld.idx.msk [tilespmem:v51+s6+$0x0 ss:$0x1], $0xffff;
	v32 =	vadd.f32 v32, v44;
	v56 =	vmul.f32 v56, v11  }
0x22a: {  	v49 =	vld.idx.msk [tilespmem:v18+s16+$0x1B0 ss:$0x1], $0xffff  }
0x22b: {  	v32 =	vadd.f32 v56, v32;
	v56 =	vld [tilespmem:$0x1FF50]  }
0x22c: {  	v4 =	vmul.f32 v59, v13;
	v59 =	vld [tilespmem:$0x1FDE0]  }
0x22d: {  	v0 =	vmul.f32 v54, v10;
	v54 =	vld [tilespmem:$0x1FDF0]  }
0x22e: {  	v41 =	vld.idx.msk [tilespmem:v18+s16+$0xC0 ss:$0x1], $0xffff  }
0x22f: {  	v63 =	vld.idx.msk [tilespmem:v18+s2+$0x340 ss:$0x1], $0xffff;
	v5 =	vadd.f32 v46, v5  }
0x230: {  	v62 =	vld.idx.msk [tilespmem:v18+s16+$0x40 ss:$0x1], $0xffff  }
0x231: {  	[tilespmem:v9+s18+$0x0 ss:$0x1] =	vst.idx.msk $0xffff, v5;
	v5 =	vadd.f32 v4, v39;
	v39 =	vld [tilespmem:$0x1FE00];
	v4 =	vmul.f32 v59, v14  }
0x232: {  	[tilespmem:v9+s7+$0x0 ss:$0x1] =	vst.idx.msk $0xffff, v28;
	v28 =	vld.idx.msk [tilespmem:v18+s16+$0x3C0 ss:$0x1], $0xffff;
	v0 =	vadd.f32 v0, v2;
	v59 =	vmul.f32 v54, v11  }
0x233: {  	v5 =	vadd.f32 v4, v5;
	v4 =	vld [tilespmem:$0x1FE20]  }
0x234: {  	v63 =	vmul.f32 v63, v16;
	v0 =	vadd.f32 v59, v0;
	v59 =	vld [tilespmem:$0x1FE10]  }
0x235: {  	v42 =	vld.idx.msk [tilespmem:v18+s16+$0x230 ss:$0x1], $0xffff  }
0x236: {  	v60 =	vld.idx.msk [tilespmem:v18+s16+$0x140 ss:$0x1], $0xffff;
	v46 =	vadd.f32 v63, v20;
	v54 =	vmul.f32 v39, v17  }
0x237: {  	v47 =	vld.idx.msk [tilespmem:v18+s16+$0x2C0 ss:$0x1], $0xffff  }
0x238: {  	v39 =	vld [tilespmem:$0x1FE40];
	v1 =	vadd.f32 v54, v46;
	v54 =	vmul.f32 v61, v11  }
0x239: {  	v8 =	vmul.f32 v59, v15;
	v59 =	vmul.f32 v4, v12;
	v4 =	vld [tilespmem:$0x1FE30]  }
0x23a: {  	v6 =	vld.idx.msk [tilespmem:v18+s16+$0x240 ss:$0x1], $0xffff  }
0x23b: {  	v55 =	vld.idx.msk [tilespmem:v18+s16+$0x1C0 ss:$0x1], $0xffff;
	v21 =	vadd.f32 v54, v21;
	v54 =	vmul.f32 v50, v12  }
0x23c: {  	s7 =	sor.u32 $0x50, s11;
	v37 =	vld.idx.msk [tilespmem:v18+s16+$0x340 ss:$0x1], $0xffff  }
0x23d: {  	v63 =	vld.idx.msk [tilespmem:v51+s7+$0x0 ss:$0x1], $0xffff;
	v21 =	vadd.f32 v54, v21;
	v54 =	vmul.f32 v58, v13;
	v5 =	vadd.f32 v8, v5  }
0x23e: {  	v0 =	vadd.f32 v59, v0;
	v59 =	vmul.f32 v39, v16;
	v8 =	vmul.f32 v4, v13;
	v4 =	vld [tilespmem:$0x1FE60]  }
0x23f: {  	v20 =	vld.idx.msk [tilespmem:v18+s16+$0x50 ss:$0x1], $0xffff  }
0x240: {  	v52 =	vmul.f32 v52, v14;
	v21 =	vadd.f32 v54, v21;
	v59 =	vadd.f32 v59, v5;
	v5 =	vld [tilespmem:$0x1FE70]  }
0x241: {  	v54 =	vld [tilespmem:$0x1FE80]  }
0x242: {  	v21 =	vadd.f32 v52, v21;
	v52 =	vld [tilespmem:$0x1FEA0]  }
0x243: {  	v2 =	vld.idx.msk [tilespmem:v18+s16+$0x60 ss:$0x1], $0xffff;
	[tilespmem:v9+s17+$0x0 ss:$0x1] =	vst.idx.msk $0xffff, v1;
	v0 =	vadd.f32 v8, v0;
	v1 =	vmul.f32 v4, v14  }
0x244: {  	v61 =	vld.idx.msk [tilespmem:v18+s16+$0x150 ss:$0x1], $0xffff  }
0x245: {  	v46 =	vld.idx.msk [tilespmem:v18+s16+$0x1D0 ss:$0x1], $0xffff;
	v1 =	vadd.f32 v1, v0;
	v0 =	vmul.f32 v5, v17  }
0x246: {  	s14 =	sor.u32 $0x60, s11;
	v4 =	vmul.f32 v54, v15;
	v54 =	vld [tilespmem:$0x1FE90]  }
0x247: {  	v50 =	vld.idx.msk [tilespmem:v51+s14+$0x0 ss:$0x1], $0xffff;
	v59 =	vadd.f32 v0, v59;
	v0 =	vmul.f32 v52, v15  }
0x248: {  	v58 =	vld.idx.msk [tilespmem:v18+s16+$0x350 ss:$0x1], $0xffff  }
0x249: {  	v52 =	vadd.f32 v0, v21;
	v21 =	vld [tilespmem:$0x1FEC0]  }
0x24a: {  	v39 =	vld.idx.msk [tilespmem:v18+s16+$0x250 ss:$0x1], $0xffff  }
0x24b: {  	v8 =	vld.idx.msk [tilespmem:v18+s16+$0x2D0 ss:$0x1], $0xffff;
	v1 =	vadd.f32 v4, v1;
	v4 =	vmul.f32 v54, v16  }
0x24c: {  	v5 =	vld.idx.msk [tilespmem:v18+s16+$0x3D0 ss:$0x1], $0xffff;
	[tilespmem:v9+s0+$0x0 ss:$0x1] =	vst.idx.msk $0xffff, v59;
	v59 =	vmul.f32 v23, v10  }
0x24d: {  	v23 =	vld.idx.msk [tilespmem:v18+s16+$0x260 ss:$0x1], $0xffff;
	v54 =	vadd.f32 v4, v1  }
0x24e: {  	v0 =	vld [tilespmem:$0x1FED0];
	v30 =	vadd.f32 v59, v30;
	v59 =	vmul.f32 v29, v11;
	v21 =	vmul.f32 v21, v17  }
0x24f: {  	v4 =	vld.idx.msk [tilespmem:v18+s16+$0x1E0 ss:$0x1], $0xffff  }
0x250: {  	s31 =	sor.u32 $0x3, s31;
	v2 =	vmul.f32 v2, v10;
	v21 =	vadd.f32 v21, v54;
	v54 =	vadd.f32 v59, v30;
	v59 =	vld [tilespmem:$0x1FEF0]  }
0x251: {  	s0 =	sshll.u32 s31, $0xA;
	v1 =	vmul.f32 v38, v14;
	v38 =	vld.idx.msk [tilespmem:v18+s16+$0x360 ss:$0x1], $0xffff  }
0x252: {  	v36 =	vmul.f32 v36, v11;
	v2 =	vadd.f32 v2, v50;
	s0 =	sand.u32 $0x3FFFFC00, s0;
	v29 =	vld.idx.msk [tilespmem:v18+s16+$0x2E0 ss:$0x1], $0xffff  }
0x253: {  	v44 =	vld.idx.msk [tilespmem:v18+s0+$0x80 ss:$0x1], $0xffff;
	v0 =	vmul.f32 v0, v16  }
0x254: {  	v31 =	vmul.f32 v31, v12;
	v2 =	vadd.f32 v36, v2;
	v36 =	vld.idx.msk [tilespmem:v18+s0+$0x20 ss:$0x1], $0xffff  }
0x255: {  	v0 =	vadd.f32 v0, v52;
	v52 =	vmul.f32 v59, v17;
	v59 =	vld [tilespmem:$0x1FF00]  }
0x256: {  	v2 =	vadd.f32 v31, v2;
	v31 =	vld.idx.msk [tilespmem:v18+s0+$0x2A0 ss:$0x1], $0xffff  }
0x257: {  	v1 =	vadd.f32 v1, v24;
	v24 =	vld.idx.msk [tilespmem:v18+s16+$0x70 ss:$0x1], $0xffff;
	v4 =	vmul.f32 v4, v13  }
0x258: {  	v43 =	vmul.f32 v43, v12;
	v30 =	vld.idx.msk [tilespmem:v18+s16+$0x3E0 ss:$0x1], $0xffff  }
0x259: {  	v2 =	vadd.f32 v4, v2;
	v4 =	vld.idx.msk [tilespmem:v18+s0+$0x320 ss:$0x1], $0xffff;
	[tilespmem:v9+s1+$0x0 ss:$0x1] =	vst.idx.msk $0xffff, v21;
	v21 =	vmul.f32 v53, v10  }
0x25a: {  	v43 =	vadd.f32 v43, v54;
	v54 =	vld.idx.msk [tilespmem:v18+s16+$0xF0 ss:$0x1], $0xffff;
	v59 =	vmul.f32 v59, v15  }
0x25b: {  	v19 =	vmul.f32 v19, v13;
	v48 =	vmul.f32 v48, v11;
	v53 =	vld.idx.msk [tilespmem:v18+s16+$0x170 ss:$0x1], $0xffff;
	v21 =	vadd.f32 v21, v35  }
0x25c: {  	v1 =	vadd.f32 v59, v1;
	v59 =	vld [tilespmem:$0x1FF10]  }
0x25d: {  	v40 =	vmul.f32 v40, v12;
	v19 =	vadd.f32 v19, v43;
	v43 =	vld.idx.msk [tilespmem:v18+s16+$0x1F0 ss:$0x1], $0xffff;
	v21 =	vadd.f32 v48, v21  }
0x25e: {  	v45 =	vmul.f32 v45, v14;
	v35 =	vld.idx.msk [tilespmem:v18+s16+$0x270 ss:$0x1], $0xffff;
	v0 =	vadd.f32 v52, v0  }
0x25f: {  	v33 =	vmul.f32 v33, v13;
	s2 =	sor.u32 $0x70, s11;
	v48 =	vld [tilespmem:$0x1FF20];
	v21 =	vadd.f32 v40, v21  }
0x260: {  	v22 =	vmul.f32 v22, v14;
	v40 =	vld.idx.msk [tilespmem:v51+s2+$0x0 ss:$0x1], $0xffff;
	[tilespmem:v9+s21+$0x0 ss:$0x1] =	vst.idx.msk $0xffff, v0;
	v0 =	vadd.f32 v45, v19  }
0x261: {  	v19 =	vld.idx.msk [tilespmem:v18+s16+$0x370 ss:$0x1], $0xffff;
	v21 =	vadd.f32 v33, v21;
	v52 =	vmul.f32 v59, v16;
	v59 =	vmul.f32 v26, v15  }
0x262: {  	v24 =	vmul.f32 v24, v10;
	v33 =	vld.idx.msk [tilespmem:v18+s0+$0x0 ss:$0x1], $0xffff  }
0x263: {  	v21 =	vadd.f32 v22, v21;
	v22 =	vmul.f32 v56, v15;
	v0 =	vadd.f32 v59, v0;
	v59 =	vld [tilespmem:$0x1FF30]  }
0x264: {  	v56 =	vmul.f32 v62, v10;
	v62 =	vmul.f32 v42, v14;
	v42 =	vld.idx.msk [tilespmem:v18+s0+$0x90 ss:$0x1], $0xffff  }
0x265: {  	v24 =	vadd.f32 v24, v40;
	v40 =	vld.idx.msk [tilespmem:v18+s0+$0x3A0 ss:$0x1], $0xffff  }
0x266: {  	v21 =	vadd.f32 v22, v21;
	v22 =	vld.idx.msk [tilespmem:v18+s0+$0x280 ss:$0x1], $0xffff  }
0x267: {  	v50 =	vmul.f32 v54, v11;
	v56 =	vadd.f32 v56, v57;
	v57 =	vld [tilespmem:$0x1FF70]  }
0x268: {  	v45 =	vmul.f32 v59, v16;
	v59 =	vld [tilespmem:$0x1FF40]  }
0x269: {  	v54 =	vmul.f32 v58, v16;
	v58 =	vmul.f32 v53, v12;
	v24 =	vadd.f32 v50, v24;
	v26 =	vld.idx.msk [tilespmem:v18+s16+$0x2F0 ss:$0x1], $0xffff  }
0x26a: {  	v48 =	vmul.f32 v48, v17;
	v52 =	vadd.f32 v52, v1;
	v1 =	vld.idx.msk [tilespmem:v18+s16+$0x3F0 ss:$0x1], $0xffff;
	s16 =	sshll.u32 s31, $0x9  }
0x26b: {  	v41 =	vmul.f32 v41, v11;
	v24 =	vadd.f32 v58, v24;
	v58 =	vld.idx.msk [tilespmem:v18+s0+$0xC0 ss:$0x1], $0xffff;
	s1 =	sadd.s32 s30, s16  }
0x26c: {  	v7 =	vmul.f32 v7, v12;
	v48 =	vadd.f32 v48, v52;
	v52 =	vld.idx.msk [tilespmem:v51+s1+$0x0 ss:$0x1], $0xffff;
	s17 =	sor.u32 $0x10, s1  }
0x26d: {  	v41 =	vadd.f32 v41, v56;
	v56 =	vld.idx.msk [tilespmem:v51+s17+$0x0 ss:$0x1], $0xffff;
	v0 =	vadd.f32 v45, v0;
	v45 =	vmul.f32 v59, v17  }
0x26e: {  	v34 =	vmul.f32 v34, v15;
	v7 =	vadd.f32 v7, v32;
	v59 =	vld [tilespmem:$0x1FF60]  }
0x26f: {  	v32 =	vmul.f32 v49, v13;
	[tilespmem:v9+s11+$0x0 ss:$0x1] =	vst.idx.msk $0xffff, v48;
	v48 =	vld.idx.msk [tilespmem:v18+s0+$0x100 ss:$0x1], $0xffff;
	v0 =	vadd.f32 v45, v0  }
0x270: {  	v3 =	vmul.f32 v3, v11;
	v25 =	vmul.f32 v25, v16;
	v45 =	vld.idx.msk [tilespmem:v18+s0+$0x180 ss:$0x1], $0xffff  }
0x271: {  	v27 =	vmul.f32 v27, v17;
	[tilespmem:v9+s20+$0x0 ss:$0x1] =	vst.idx.msk $0xffff, v0;
	v0 =	vadd.f32 v32, v7;
	v7 =	vld.idx.msk [tilespmem:v18+s0+$0x300 ss:$0x1], $0xffff  }
0x272: {  	v28 =	vmul.f32 v28, v17;
	v32 =	vmul.f32 v20, v10;
	v20 =	vld.idx.msk [tilespmem:v18+s0+$0x380 ss:$0x1], $0xffff  }
0x273: {  	v49 =	vmul.f32 v59, v16;
	v59 =	vld.idx.msk [tilespmem:v18+s0+$0x200 ss:$0x1], $0xffff;
	v0 =	vadd.f32 v62, v0;
	v62 =	vmul.f32 v60, v12  }
0x274: {  	v32 =	vadd.f32 v32, v63;
	v60 =	vmul.f32 v55, v13;
	v55 =	vld.idx.msk [tilespmem:v18+s0+$0x110 ss:$0x1], $0xffff;
	v63 =	vmul.f32 v46, v13  }
0x275: {  	v46 =	vmul.f32 v47, v15;
	v47 =	vmul.f32 v39, v14;
	v39 =	vld.idx.msk [tilespmem:v18+s0+$0x310 ss:$0x1], $0xffff  }
0x276: {  	v6 =	vmul.f32 v6, v14;
	v50 =	vmul.f32 v45, v13;
	v45 =	vld.idx.msk [tilespmem:v18+s0+$0xD0 ss:$0x1], $0xffff  }
0x277: {  	v37 =	vmul.f32 v37, v16;
	v61 =	vmul.f32 v61, v12;
	v0 =	vadd.f32 v34, v0;
	v34 =	vld.idx.msk [tilespmem:v18+s0+$0x190 ss:$0x1], $0xffff  }
0x278: {  	v21 =	vadd.f32 v49, v21;
	v49 =	vmul.f32 v57, v17;
	v3 =	vadd.f32 v3, v32;
	v32 =	vld.idx.msk [tilespmem:v18+s0+$0x210 ss:$0x1], $0xffff  }
0x279: {  	v57 =	vadd.f32 v62, v41;
	v41 =	vmul.f32 v44, v11;
	v44 =	vmul.f32 v26, v15;
	v26 =	vld.idx.msk [tilespmem:v18+s0+$0x130 ss:$0x1], $0xffff  }
0x27a: {  	v8 =	vmul.f32 v8, v15;
	v5 =	vmul.f32 v5, v17;
	s18 =	sor.u32 $0x20, s1;
	v21 =	vadd.f32 v49, v21;
	v49 =	vld.idx.msk [tilespmem:v18+s0+$0x10 ss:$0x1], $0xffff  }
0x27b: {  	v29 =	vmul.f32 v29, v15;
	v30 =	vmul.f32 v30, v17;
	v0 =	vadd.f32 v25, v0;
	v25 =	vld.idx.msk [tilespmem:v51+s18+$0x0 ss:$0x1], $0xffff  }
0x27c: {  	v4 =	vmul.f32 v4, v16;
	v62 =	vadd.f32 v60, v57;
	v57 =	vmul.f32 v23, v14;
	v23 =	vld.idx.msk [tilespmem:v18+s0+$0x220 ss:$0x1], $0xffff  }
0x27d: {  	v19 =	vmul.f32 v19, v16;
	v3 =	vadd.f32 v61, v3;
	[tilespmem:v9+s5+$0x0 ss:$0x1] =	vst.idx.msk $0xffff, v21;
	v21 =	vld.idx.msk [tilespmem:v18+s0+$0x290 ss:$0x1], $0xffff  }
0x27e: {  	v22 =	vmul.f32 v22, v15;
	v60 =	vmul.f32 v43, v13;
	v27 =	vadd.f32 v27, v0;
	v0 =	vld.idx.msk [tilespmem:v18+s0+$0x390 ss:$0x1], $0xffff  }
0x27f: {  	v1 =	vmul.f32 v1, v17;
	v3 =	vadd.f32 v63, v3;
	v63 =	vmul.f32 v38, v16;
	v38 =	vld.idx.msk [tilespmem:v18+s0+$0xB0 ss:$0x1], $0xffff  }
0x280: {  	v7 =	vmul.f32 v7, v16;
	v2 =	vadd.f32 v57, v2;
	v24 =	vadd.f32 v60, v24;
	v60 =	vld.idx.msk [tilespmem:v18+s0+$0x140 ss:$0x1], $0xffff  }
0x281: {  	v20 =	vmul.f32 v20, v17;
	v61 =	vmul.f32 v33, v10;
	[tilespmem:v9+s15+$0x0 ss:$0x1] =	vst.idx.msk $0xffff, v27;
	v27 =	vld.idx.msk [tilespmem:v18+s0+$0xA0 ss:$0x1], $0xffff  }
0x282: {  	v53 =	vmul.f32 v59, v14;
	v6 =	vadd.f32 v6, v62;
	v2 =	vadd.f32 v29, v2;
	v29 =	vld.idx.msk [tilespmem:v18+s0+$0x30 ss:$0x1], $0xffff  }
0x283: {  	v62 =	vmul.f32 v35, v14;
	v57 =	vmul.f32 v34, v13;
	v3 =	vadd.f32 v47, v3;
	v47 =	vld.idx.msk [tilespmem:v18+s0+$0x1B0 ss:$0x1], $0xffff  }
0x284: {  	v6 =	vadd.f32 v46, v6;
	v46 =	vmul.f32 v48, v12;
	v48 =	vmul.f32 v49, v10;
	v49 =	vld.idx.msk [tilespmem:v18+s0+$0x230 ss:$0x1], $0xffff  }
0x285: {  	v43 =	vadd.f32 v62, v24;
	v62 =	vmul.f32 v32, v14;
	v3 =	vadd.f32 v8, v3;
	v8 =	vld.idx.msk [tilespmem:v18+s0+$0x120 ss:$0x1], $0xffff  }
0x286: {  	v6 =	vadd.f32 v37, v6;
	v37 =	vld.idx.msk [tilespmem:v18+s0+$0x1A0 ss:$0x1], $0xffff;
	v2 =	vadd.f32 v63, v2;
	v21 =	vmul.f32 v21, v15  }
0x287: {  	v24 =	vadd.f32 v48, v56;
	v56 =	vld.idx.msk [tilespmem:v18+s0+$0x40 ss:$0x1], $0xffff;
	v34 =	vmul.f32 v38, v11;
	v0 =	vmul.f32 v0, v17  }
0x288: {  	v63 =	vld.idx.msk [tilespmem:v18+s0+$0x1C0 ss:$0x1], $0xffff;
	v6 =	vadd.f32 v28, v6;
	v3 =	vadd.f32 v54, v3;
	v54 =	vmul.f32 v55, v12  }
0x289: {  	v48 =	vld.idx.msk [tilespmem:v18+s0+$0x250 ss:$0x1], $0xffff;
	v2 =	vadd.f32 v30, v2;
	v55 =	vmul.f32 v36, v10;
	v30 =	vmul.f32 v58, v11  }
0x28a: {  	s21 =	sor.u32 $0x50, s1;
	v38 =	vld.idx.msk [tilespmem:v18+s0+$0x50 ss:$0x1], $0xffff;
	v58 =	vmul.f32 v60, v12;
	v59 =	vmul.f32 v27, v11  }
0x28b: {  	v36 =	vld.idx.msk [tilespmem:v51+s21+$0x0 ss:$0x1], $0xffff;
	v32 =	vmul.f32 v29, v10;
	[tilespmem:v9+s6+$0x0 ss:$0x1] =	vst.idx.msk $0xffff, v6;
	v3 =	vadd.f32 v5, v3  }
0x28c: {  	s19 =	sor.u32 $0x30, s1;
	v29 =	vld.idx.msk [tilespmem:v18+s0+$0x340 ss:$0x1], $0xffff;
	v5 =	vadd.f32 v61, v52;
	v52 =	vmul.f32 v42, v11;
	[tilespmem:v9+s14+$0x0 ss:$0x1] =	vst.idx.msk $0xffff, v2  }
0x28d: {  	v6 =	vld.idx.msk [tilespmem:v51+s19+$0x0 ss:$0x1], $0xffff;
	v2 =	vadd.f32 v55, v25;
	v55 =	vmul.f32 v40, v17;
	v8 =	vmul.f32 v8, v12  }
0x28e: {  	v42 =	vld.idx.msk [tilespmem:v18+s0+$0x330 ss:$0x1], $0xffff;
	[tilespmem:v9+s7+$0x0 ss:$0x1] =	vst.idx.msk $0xffff, v3;
	v5 =	vadd.f32 v41, v5;
	v3 =	vadd.f32 v44, v43  }
0x28f: {  	v25 =	vld.idx.msk [tilespmem:v18+s0+$0x2C0 ss:$0x1], $0xffff;
	v63 =	vmul.f32 v63, v13;
	v24 =	vadd.f32 v52, v24;
	v2 =	vadd.f32 v59, v2  }
0x290: {  	s20 =	sor.u32 $0x40, s1;
	v41 =	vld.idx.msk [tilespmem:v18+s0+$0x2B0 ss:$0x1], $0xffff;
	v44 =	vmul.f32 v39, v16;
	v5 =	vadd.f32 v46, v5;
	v3 =	vadd.f32 v19, v3  }
0x291: {  	v43 =	vld.idx.msk [tilespmem:v51+s20+$0x0 ss:$0x1], $0xffff;
	v2 =	vadd.f32 v8, v2;
	v8 =	vmul.f32 v37, v13;
	v37 =	vmul.f32 v26, v12  }
0x292: {  	v59 =	vld.idx.msk [tilespmem:v18+s0+$0x60 ss:$0x1], $0xffff;
	v24 =	vadd.f32 v54, v24;
	v46 =	vmul.f32 v47, v13;
	v47 =	vmul.f32 v49, v14  }
0x293: {  	v19 =	vld.idx.msk [tilespmem:v18+s0+$0x3B0 ss:$0x1], $0xffff;
	v49 =	vmul.f32 v56, v10;
	v6 =	vadd.f32 v32, v6;
	v5 =	vadd.f32 v50, v5  }
0x294: {  	v54 =	vld.idx.msk [tilespmem:v18+s0+$0x350 ss:$0x1], $0xffff;
	v56 =	vmul.f32 v42, v16;
	v1 =	vadd.f32 v1, v3;
	v61 =	vadd.f32 v57, v24  }
0x295: {  	v32 =	vld.idx.msk [tilespmem:v18+s0+$0x3D0 ss:$0x1], $0xffff;
	v2 =	vadd.f32 v8, v2;
	v8 =	vmul.f32 v23, v14;
	v5 =	vadd.f32 v53, v5  }
0x296: {  	v42 =	vld.idx.msk [tilespmem:v18+s0+$0x1E0 ss:$0x1], $0xffff;
	v6 =	vadd.f32 v34, v6;
	[tilespmem:v9+s2+$0x0 ss:$0x1] =	vst.idx.msk $0xffff, v1;
	v1 =	vadd.f32 v62, v61  }
0x297: {  	s31 =	sor.u32 $0x60, s1;
	v50 =	vld.idx.msk [tilespmem:v18+s0+$0x2D0 ss:$0x1], $0xffff;
	v23 =	vmul.f32 v38, v10;
	v2 =	vadd.f32 v8, v2;
	v5 =	vadd.f32 v22, v5  }
0x298: {  	v57 =	vld.idx.msk [tilespmem:v51+s31+$0x0 ss:$0x1], $0xffff;
	v8 =	vmul.f32 v31, v15;
	v53 =	vmul.f32 v41, v15;
	v6 =	vadd.f32 v37, v6  }
0x299: {  	v38 =	vld.idx.msk [tilespmem:v18+s0+$0xF0 ss:$0x1], $0xffff;
	v60 =	vadd.f32 v23, v36;
	v61 =	vmul.f32 v45, v11;
	v5 =	vadd.f32 v7, v5  }
0x29a: {  	v62 =	vld.idx.msk [tilespmem:v18+s0+$0xE0 ss:$0x1], $0xffff;
	v41 =	vmul.f32 v59, v10;
	v1 =	vadd.f32 v21, v1;
	v6 =	vadd.f32 v46, v6  }
0x29b: {  	v19 =	vmul.f32 v19, v17;
	v2 =	vadd.f32 v8, v2;
	v5 =	vadd.f32 v20, v5;
	v20 =	vld.idx.msk [tilespmem:v18+s0+$0x150 ss:$0x1], $0xffff  }
0x29c: {  	v8 =	vld.idx.msk [tilespmem:v18+s0+$0x1D0 ss:$0x1], $0xffff;
	v35 =	vadd.f32 v61, v60;
	v59 =	vmul.f32 v32, v17;
	v52 =	vadd.f32 v47, v6  }
0x29d: {  	v34 =	vld.idx.msk [tilespmem:v18+s0+$0x70 ss:$0x1], $0xffff;
	v3 =	vmul.f32 v50, v15;
	v50 =	vmul.f32 v29, v16;
	v1 =	vadd.f32 v44, v1  }
0x29e: {  	v22 =	vld.idx.msk [tilespmem:v18+s0+$0x240 ss:$0x1], $0xffff;
	v2 =	vadd.f32 v4, v2;
	v44 =	vmul.f32 v25, v15;
	v4 =	vadd.f32 v53, v52  }
0x29f: {  	v46 =	vld.idx.msk [tilespmem:v18+s0+$0x1F0 ss:$0x1], $0xffff;
	v45 =	vmul.f32 v62, v11;
	v47 =	vmul.f32 v48, v14;
	[tilespmem:v9+s1+$0x0 ss:$0x1] =	vst.idx.msk $0xffff, v5;
	s1 =	sor.u32 $0x70, s1  }
0x2a0: {  	v6 =	vmul.f32 v54, v16;
	v4 =	vadd.f32 v56, v4;
	v36 =	vmul.f32 v20, v12;
	v20 =	vld.idx.msk [tilespmem:v51+s1+$0x0 ss:$0x1], $0xffff  }
0x2a1: {  	v0 =	vadd.f32 v0, v1;
	v1 =	vadd.f32 v49, v43;
	v40 =	vmul.f32 v8, v13;
	v8 =	vld.idx.msk [tilespmem:v18+s0+$0x160 ss:$0x1], $0xffff  }
0x2a2: {  	v2 =	vadd.f32 v55, v2;
	v43 =	vmul.f32 v34, v10;
	v37 =	vadd.f32 v19, v4;
	v19 =	vld.idx.msk [tilespmem:v18+s0+$0x170 ss:$0x1], $0xffff  }
0x2a3: {  	v24 =	vld.idx.msk [tilespmem:v18+s0+$0x3C0 ss:$0x1], $0xffff;
	v39 =	vmul.f32 v22, v14;
	v1 =	vadd.f32 v30, v1;
	[tilespmem:v9+s17+$0x0 ss:$0x1] =	vst.idx.msk $0xffff, v0  }
0x2a4: {  	v48 =	vld.idx.msk [tilespmem:v18+s0+$0x270 ss:$0x1], $0xffff;
	[tilespmem:v9+s18+$0x0 ss:$0x1] =	vst.idx.msk $0xffff, v2;
	v2 =	vadd.f32 v41, v57;
	v5 =	vmul.f32 v42, v13  }
0x2a5: {  	v23 =	vmul.f32 v46, v13;
	v4 =	vmul.f32 v38, v11;
	v7 =	vadd.f32 v43, v20;
	v20 =	vld.idx.msk [tilespmem:v18+s0+$0x260 ss:$0x1], $0xffff  }
0x2a6: {  	v54 =	vld.idx.msk [tilespmem:v18+s0+$0x3F0 ss:$0x1], $0xffff;
	v1 =	vadd.f32 v58, v1;
	v2 =	vadd.f32 v45, v2;
	v8 =	vmul.f32 v8, v12  }
0x2a7: {  	v49 =	vld.idx.msk [tilespmem:v18+s0+$0x2E0 ss:$0x1], $0xffff;
	v0 =	vadd.f32 v36, v35;
	v19 =	vmul.f32 v19, v12;
	v4 =	vadd.f32 v4, v7  }
0x2a8: {  	v57 =	vmul.f32 v24, v17;
	v1 =	vadd.f32 v63, v1;
	v2 =	vadd.f32 v8, v2;
	v8 =	vld.idx.msk [tilespmem:v18+s0+$0x2F0 ss:$0x1], $0xffff  }
0x2a9: {  	v21 =	vmul.f32 v48, v14;
	v0 =	vadd.f32 v40, v0;
	v4 =	vadd.f32 v19, v4;
	v19 =	vld.idx.msk [tilespmem:v18+s0+$0x360 ss:$0x1], $0xffff  }
0x2aa: {  	v53 =	vld.idx.msk [tilespmem:v18+s0+$0x370 ss:$0x1], $0xffff;
	v1 =	vadd.f32 v39, v1;
	v2 =	vadd.f32 v5, v2;
	v52 =	vmul.f32 v20, v14  }
0x2ab: {  	v61 =	vmul.f32 v54, v17;
	v0 =	vadd.f32 v47, v0;
	v20 =	vld.idx.msk [tilespmem:v18+s0+$0x3E0 ss:$0x1], $0xffff;
	v4 =	vadd.f32 v23, v4  }
0x2ac: {  	v55 =	vmul.f32 v49, v15;
	v1 =	vadd.f32 v44, v1;
	v2 =	vadd.f32 v52, v2  }
0x2ad: {  	v0 =	vadd.f32 v3, v0;
	v56 =	vmul.f32 v8, v15;
	v4 =	vadd.f32 v21, v4  }
0x2ae: {  	v1 =	vadd.f32 v50, v1;
	v2 =	vadd.f32 v55, v2;
	v58 =	vmul.f32 v19, v16  }
0x2af: {  	v5 =	vmul.f32 v53, v16;
	v0 =	vadd.f32 v6, v0;
	v4 =	vadd.f32 v56, v4  }
0x2b0: {  	p1 =	por p0, p0;
	v1 =	vadd.f32 v57, v1;
	v60 =	vmul.f32 v20, v17;
	v2 =	vadd.f32 v58, v2  }
.Ltmp2:
0x2b1: {  	[tilespmem:v9+s19+$0x0 ss:$0x1] =	vst.idx.msk $0xffff, v37;
	v0 =	vadd.f32 v59, v0;
	v4 =	vadd.f32 v5, v4;
	(pc) =	sbr.rel @p1 .LBB2_8-.Ltmp2, $4  }
0x2b2: {  	[tilespmem:v9+s20+$0x0 ss:$0x1] =	vst.idx.msk $0xffff, v1;
	v62 =	vadd.f32 v60, v2  }
0x2b3: {  	[tilespmem:v9+s21+$0x0 ss:$0x1] =	vst.idx.msk $0xffff, v0;
	v63 =	vadd.f32 v61, v4  }
0x2b4: {  	[tilespmem:v9+s31+$0x0 ss:$0x1] =	vst.idx.msk $0xffff, v62  }
0x2b5: {  	p0 =	por $0x0, $0x0;
	s2 =	simm.s32 $0x200;
	[tilespmem:v9+s1+$0x0 ss:$0x1] =	vst.idx.msk $0xffff, v63  }
0x2b6: {  	s29 =	sadd.s32 $0x1, s29  }
0x2b7: {  	p0 =	sne.s32 s29, $0x4  }
.Ltmp3:
0x2b8: {  	_ = 	snop;
	(pc) =	sbr.rel @p0 .LBB2_5-.Ltmp3, $1  }
0x2b9: {  	_ =	sdelay $0x3  }
0x2ba: {  	p0 =	sne.s32 s22, $0x40  }
.Ltmp4:
0x2bb: {  	_ = 	snop;
	(pc) =	sbr.rel @p0 .LBB2_2-.Ltmp4, $4  }
0x2bc: {  	s0 =	sadd.s32 $0x7, s23  }
0x2bd: {  	s1 =	sadd.s32 s28, s13;
	s2 =	simm.s32 $0x200;
	s5 =	simm.s32 $0x400  }
0x2be: {  	[hbm4b:s1+s2] =	stream.strided.scatter [tilespmem:s26], [sflag:s0], $0x1000, s5, s2, $0x38;
	[tilespmem:$0x14900] =	vst v63  }
0x2bf: {  	s0 =	smov.u32 s22  }
0x2c0: {  	s0 =	simm.s32 $0x7  }
0x2c1: {  	_ =	swait.ge [sflag:s0], $0x1000  }
0x2c2: {  	[sflag:s0] =	ssyncset.done $0x0  }
0x2c3: {  	s1 =	simm.s32 $0x8;
	[sflag:s0] =	ssyncadd.s32 $0xFFFFF000  }
0x2c4: {  	_ =	swait.ge [sflag:s1], $0x1000  }
0x2c5: {  	s2 =	rddreg [dreg:$0xb]  }
0x2c6: {  	s31 =	rddreg [dreg:$0xa];
	s2 =	sadd.s32 $0x1, s2  }
0x2c7: {  	p0 =	sne.s32 s2, s31  }
.Ltmp5:
0x2c8: {  	_ = 	snop;
	(pc) =	sbr.rel @p0 .LBB2_1-.Ltmp5, $3  }
0x2c9: {  	_ =	sdelay $0x1  }
0x2ca: {  	[sflag:s1] =	ssyncset.done $0x0  }
0x2cb: {  	[sflag:s1] =	ssyncadd.s32 $0xFFFFF000  }
0x2cc: {  	_ =	sfence.sel $0x180000  }
0x2cd: {  	[bflag:$0x0] =	sbarrier.arrive $0xFFFF  }
0x2ce: {  	_ =	strace $0x90000047  }
0x2cf: {  	s0 =	stileid.u32;
	[bflag:$0x2] =	sbarrier.arrive $0xFFFF  }
0x2d0: {  	p0 =	sne.s32 s0, $0x0;
	s0 =	rddreg [dreg:$0x4]  }
0x2d1: {  	s0 =	sadd.s32 @!p0 $0x100000, s0  }
0x2d2: {  	[sflag:s0] =	ssyncadd.tile.s32 @!p0 $0x1;
	_ =	shalt  }
.Lfunc_end2:
_tile_overlayer_lowered:
.L_overlay_start_2:
0x2d3: {  	(tag) =	ssettag $0x2  }
0x2d4: {  	s0 =	rddreg [dreg:$0x0];
	s2 =	stileid.u32  }
0x2d5: {  	s1 =	rddreg [dreg:$0x1];
	p0 =	sne.s32 s2, $0x0  }
0x2d6: {  	s3 =	rddreg [dreg:$0x2];
	[bflag:$0x3] =	sbarrier.arrive $0xFFFF;
	s2 =	simm.s32 @!p0 $0x1C09  }
0x2d7: {  	[timem:s3], [sflag:s2] =	dma.local @!p0 [hbm:s0], s1  }
0x2d8: {  	s0 =	simm.s32 @!p0 $0x9  }
0x2d9: {  	_ =	swait.ge @!p0 [sflag:s0], s1  }
0x2da: {  	s1 =	ssub.s32 @!p0 $0x0, s1;
	[sflag:s0] =	ssyncset.done @!p0 $0x0  }
0x2db: {  	[sflag:s0] =	ssyncadd.s32 @!p0 s1  }
0x2dc: {  	[bflag:$0x3] =	sbarrier.arrive $0xFFFF  }
0x2dd: {  	_ =	shalt  }

</sc_bundles>
